<compile_context>
chip_gen: v7x
topology: tpu7x:2x2x1
jax: 0.10.2.dev20260603
libtpu: 0.0.44.dev20260713+nightly
codegen_flags: <defaults>
</compile_context>

<pallas_src>
import functools
import math

import jax
import jax.numpy as jnp
from jax import lax
from jax.experimental import pallas as pl
from jax.experimental.pallas import tpu as pltpu
from jax.experimental.pallas import tpu_sc as plsc

D_MODEL = 64
SCALE = math.sqrt(D_MODEL)
CHUNK = 320
NBUF = 4


@functools.lru_cache(maxsize=None)
def _make_gather(V, D, B_total):
    info = plsc.get_sparse_core_info()
    NC, NS, L = info.num_cores, info.num_subcores, info.num_lanes
    NW = NC * NS
    assert B_total % NW == 0
    n_per_w = B_total // NW
    assert n_per_w % (CHUNK * NBUF) == 0
    n_chunks = n_per_w // CHUNK
    mesh = plsc.VectorSubcoreMesh(core_axis_name="c", subcore_axis_name="s")

    @functools.partial(
        pl.kernel,
        out_type=jax.ShapeDtypeStruct((B_total, D), jnp.float32),
        mesh=mesh,
        scratch_types=(
            [pltpu.VMEM((n_per_w,), jnp.int32)]
            + [pltpu.VMEM((CHUNK, D), jnp.float32) for _ in range(NBUF)]
            + [pltpu.SemaphoreType.DMA for _ in range(2 * NBUF)]
        ),
        compiler_params=pltpu.CompilerParams(use_tc_tiling_on_sc=False),
    )
    def k(idx_hbm, table_hbm, out_hbm, idx_all, *scratch):
        rows = scratch[:NBUF]
        gsem = scratch[NBUF : 2 * NBUF]
        ssem = scratch[2 * NBUF : 3 * NBUF]
        wid = lax.axis_index("s") * NC + lax.axis_index("c")
        base = wid * n_per_w

        pltpu.sync_copy(idx_hbm.at[pl.ds(base, n_per_w)], idx_all)

        def gather_start(c, b):
            pltpu.async_copy(
                table_hbm.at[idx_all.at[pl.ds(c * CHUNK, CHUNK)]], rows[b], gsem[b]
            )

        def gather_wait(c, b):
            pltpu.make_async_copy(
                table_hbm.at[idx_all.at[pl.ds(c * CHUNK, CHUNK)]], rows[b], gsem[b]
            ).wait()

        def store_start(c, b):
            pltpu.async_copy(rows[b], out_hbm.at[pl.ds(base + c * CHUNK, CHUNK)], ssem[b])

        def store_wait(c, b):
            pltpu.make_async_copy(
                rows[b], out_hbm.at[pl.ds(base + c * CHUNK, CHUNK)], ssem[b]
            ).wait()

        for b in range(NBUF):
            gather_start(b, b)

        @pl.loop(0, n_chunks, step=NBUF)
        def _step(g0):
            for b in range(NBUF):
                c = g0 + b
                gather_wait(c, b)

                @pl.loop(0, CHUNK, unroll=8)
                def _scale(i):
                    for j in range(D // L):
                        sl = pl.ds(j * L, L)
                        rows[b][i, sl] = rows[b][i, sl] * SCALE

                store_start(c, b)
            for b in range(NBUF):
                c = g0 + b
                store_wait(c, b)
                n = c + NBUF

                @pl.when(n < n_chunks)
                def _():
                    gather_start(n, b)

    return k


def kernel(x, table):
    B, S = x.shape
    V, D = table.shape
    idx = x.reshape(-1).astype(jnp.int32)
    out = _make_gather(V, D, B * S)(idx, table)
    return out.reshape(B, S, D)

# --- scband reference (transcript-rebuilt; emitter-appended) ---
"""Pipeline reference for scband-embedding-42288247996418 (READ-ONLY COPY).

The authoritative reference and input builder live on the scoring server;
editing this copy changes nothing except your own understanding.
"""

import jax, jax.numpy as jnp
import numpy as np
import math

VOCAB = 1000000
D_MODEL = 64
B = 4096
L = 200

def setup_inputs(seed: int = 0) -> dict:
    key = jax.random.key(seed)
    k_idx, k_tab = jax.random.split(key)
    x = jax.random.randint(k_idx, (B, L), 0, VOCAB, dtype=jnp.int64 if jax.config.jax_enable_x64 else jnp.int32)
    table = jax.random.normal(k_tab, (VOCAB, D_MODEL), dtype=jnp.float32)
    return {"x": x, "table": table}

def reference(x, table):
    # Faithful to torch: embedding lookup scaled by sqrt(d_model)
    emb = jnp.take(table, x, axis=0)
    return emb * math.sqrt(D_MODEL)

if __name__ == "__main__":
    import jax
    _d = setup_inputs()
    print(jax.jit(kernel)(*tuple(_d.values())))

</pallas_src>

<mosaic_0001>
#map = affine_map<(d0, d1) -> (0)>
#map1 = affine_map<(d0, d1) -> (0, 0)>
module attributes {stable_mosaic.version = 14 : i64} {
  func.func @k(%arg0: i32, %arg1: i32, %arg2: memref<819200xi32, #tpu.memory_space<hbm>>, %arg3: memref<1000000x64xf32, #tpu.memory_space<hbm>>, %arg4: memref<819200x64xf32, #tpu.memory_space<hbm>>, %arg5: memref<25600xi32, #tpu.memory_space<vmem>>, %arg6: memref<320x64xf32, #tpu.memory_space<vmem>>, %arg7: memref<320x64xf32, #tpu.memory_space<vmem>>, %arg8: memref<320x64xf32, #tpu.memory_space<vmem>>, %arg9: memref<320x64xf32, #tpu.memory_space<vmem>>, %arg10: memref<!tpu.dma_semaphore, #tpu.memory_space<semaphore_mem>>, %arg11: memref<!tpu.dma_semaphore, #tpu.memory_space<semaphore_mem>>, %arg12: memref<!tpu.dma_semaphore, #tpu.memory_space<semaphore_mem>>, %arg13: memref<!tpu.dma_semaphore, #tpu.memory_space<semaphore_mem>>, %arg14: memref<!tpu.dma_semaphore, #tpu.memory_space<semaphore_mem>>, %arg15: memref<!tpu.dma_semaphore, #tpu.memory_space<semaphore_mem>>, %arg16: memref<!tpu.dma_semaphore, #tpu.memory_space<semaphore_mem>>, %arg17: memref<!tpu.dma_semaphore, #tpu.memory_space<semaphore_mem>>) attributes {dimension_semantics = [#tpu.dimension_semantics<core_parallel>, #tpu.dimension_semantics<subcore_parallel>], iteration_bounds = array<i64: 2, 16>, scalar_prefetch = 0 : i64, scratch_operands = 13 : i64, tpu.core_type = #tpu.core_type<sc_vector_subcore>, window_params = [{transform_indices = #map}, {transform_indices = #map1}, {transform_indices = #map1}]} {
    %mul3A = arith.constant 2 : i32
    %mul3A_0 = arith.muli %arg1, %mul3A : i32
    %add3A = arith.addi %mul3A_0, %arg0 : i32
    %mul3A_1 = arith.constant 25600 : i32
    %mul3A_2 = arith.muli %add3A, %mul3A_1 : i32
    "tpu.region"() ({
      %run_scoped3A = tpu.sem_alloc : memref<!tpu.dma_semaphore, #tpu.memory_space<semaphore_mem>>
      %dma_start3A_26 = tpu.memref_slice %arg2[%mul3A_2] : memref<819200xi32, #tpu.memory_space<hbm>> -> memref<25600xi32, #tpu.memory_space<hbm>>
      %dma_start3A_27 = tpu.memref_slice %arg2[%mul3A_2] : memref<819200xi32, #tpu.memory_space<hbm>> -> memref<25600xi32, #tpu.memory_space<hbm>>
      tpu.enqueue_dma source(%dma_start3A_27 : memref<25600xi32, #tpu.memory_space<hbm>>) target(%arg5 : memref<25600xi32, #tpu.memory_space<vmem>>) target_semaphore(%run_scoped3A : memref<!tpu.dma_semaphore, #tpu.memory_space<semaphore_mem>>)
      %dma_wait3A = tpu.memref_slice %arg2[%mul3A_2] : memref<819200xi32, #tpu.memory_space<hbm>> -> memref<25600xi32, #tpu.memory_space<hbm>>
      %dma_wait3A_28 = tpu.memref_slice %arg2[%mul3A_2] : memref<819200xi32, #tpu.memory_space<hbm>> -> memref<25600xi32, #tpu.memory_space<hbm>>
      tpu.wait_dma2 semaphore(%run_scoped3A : memref<!tpu.dma_semaphore, #tpu.memory_space<semaphore_mem>>) src(%dma_wait3A_28 : memref<25600xi32, #tpu.memory_space<hbm>>) dst(%arg5 : memref<25600xi32, #tpu.memory_space<vmem>>)
      tpu.yield
    }) : () -> ()
    %dma_start3A = arith.constant 0 : i32
    %dma_start3A_3 = tpu.memref_slice %arg5[%dma_start3A] : memref<25600xi32, #tpu.memory_space<vmem>> -> memref<320xi32, #tpu.memory_space<vmem>>
    %dma_start3A_4 = arith.constant 0 : i32
    %dma_start3A_5 = arith.constant 0 : i32
    %dma_start3A_6 = tpu.memref_slice %arg3[%dma_start3A_4, %dma_start3A_5] : memref<1000000x64xf32, #tpu.memory_space<hbm>> -> memref<1000000x64xf32, #tpu.memory_space<hbm>>
    tpu.enqueue_indirect_dma source(%dma_start3A_6 : memref<1000000x64xf32, #tpu.memory_space<hbm>>) target(%arg6 : memref<320x64xf32, #tpu.memory_space<vmem>>) offsets(%dma_start3A_3 : memref<320xi32, #tpu.memory_space<vmem>>) semaphore(%arg10 : memref<!tpu.dma_semaphore, #tpu.memory_space<semaphore_mem>>)
    %dma_start3A_7 = arith.constant 320 : i32
    %dma_start3A_8 = tpu.memref_slice %arg5[%dma_start3A_7] : memref<25600xi32, #tpu.memory_space<vmem>> -> memref<320xi32, #tpu.memory_space<vmem>>
    %dma_start3A_9 = arith.constant 0 : i32
    %dma_start3A_10 = arith.constant 0 : i32
    %dma_start3A_11 = tpu.memref_slice %arg3[%dma_start3A_9, %dma_start3A_10] : memref<1000000x64xf32, #tpu.memory_space<hbm>> -> memref<1000000x64xf32, #tpu.memory_space<hbm>>
    tpu.enqueue_indirect_dma source(%dma_start3A_11 : memref<1000000x64xf32, #tpu.memory_space<hbm>>) target(%arg7 : memref<320x64xf32, #tpu.memory_space<vmem>>) offsets(%dma_start3A_8 : memref<320xi32, #tpu.memory_space<vmem>>) semaphore(%arg11 : memref<!tpu.dma_semaphore, #tpu.memory_space<semaphore_mem>>)
    %dma_start3A_12 = arith.constant 640 : i32
    %dma_start3A_13 = tpu.memref_slice %arg5[%dma_start3A_12] : memref<25600xi32, #tpu.memory_space<vmem>> -> memref<320xi32, #tpu.memory_space<vmem>>
    %dma_start3A_14 = arith.constant 0 : i32
    %dma_start3A_15 = arith.constant 0 : i32
    %dma_start3A_16 = tpu.memref_slice %arg3[%dma_start3A_14, %dma_start3A_15] : memref<1000000x64xf32, #tpu.memory_space<hbm>> -> memref<1000000x64xf32, #tpu.memory_space<hbm>>
    tpu.enqueue_indirect_dma source(%dma_start3A_16 : memref<1000000x64xf32, #tpu.memory_space<hbm>>) target(%arg8 : memref<320x64xf32, #tpu.memory_space<vmem>>) offsets(%dma_start3A_13 : memref<320xi32, #tpu.memory_space<vmem>>) semaphore(%arg12 : memref<!tpu.dma_semaphore, #tpu.memory_space<semaphore_mem>>)
    %dma_start3A_17 = arith.constant 960 : i32
    %dma_start3A_18 = tpu.memref_slice %arg5[%dma_start3A_17] : memref<25600xi32, #tpu.memory_space<vmem>> -> memref<320xi32, #tpu.memory_space<vmem>>
    %dma_start3A_19 = arith.constant 0 : i32
    %dma_start3A_20 = arith.constant 0 : i32
    %dma_start3A_21 = tpu.memref_slice %arg3[%dma_start3A_19, %dma_start3A_20] : memref<1000000x64xf32, #tpu.memory_space<hbm>> -> memref<1000000x64xf32, #tpu.memory_space<hbm>>
    tpu.enqueue_indirect_dma source(%dma_start3A_21 : memref<1000000x64xf32, #tpu.memory_space<hbm>>) target(%arg9 : memref<320x64xf32, #tpu.memory_space<vmem>>) offsets(%dma_start3A_18 : memref<320xi32, #tpu.memory_space<vmem>>) semaphore(%arg13 : memref<!tpu.dma_semaphore, #tpu.memory_space<semaphore_mem>>)
    %scan3A = arith.constant 0 : i32
    %scan3A_22 = arith.constant 20 : i32
    %scan3A_23 = arith.addi %scan3A, %scan3A_22 : i32
    %scan3A_24 = arith.constant 1 : i32
    scf.for %scan3A_26 = %scan3A to %scan3A_23 step %scan3A_24  : i32 {
      %mul3A_27 = arith.constant 4 : i32
      %mul3A_28 = arith.muli %scan3A_26, %mul3A_27 : i32
      %add3A_29 = arith.constant 0 : i32
      %add3A_30 = arith.addi %add3A_29, %mul3A_28 : i32
      %add3A_31 = arith.constant 0 : i32
      %add3A_32 = arith.addi %add3A_30, %add3A_31 : i32
      %mul3A_33 = arith.constant 320 : i32
      %mul3A_34 = arith.muli %add3A_32, %mul3A_33 : i32
      %dma_wait3A = tpu.memref_slice %arg5[%mul3A_34] : memref<25600xi32, #tpu.memory_space<vmem>> -> memref<320xi32, #tpu.memory_space<vmem>>
      %dma_wait3A_35 = arith.constant 0 : i32
      %dma_wait3A_36 = arith.constant 0 : i32
      %dma_wait3A_37 = tpu.memref_slice %arg3[%dma_wait3A_35, %dma_wait3A_36] : memref<1000000x64xf32, #tpu.memory_space<hbm>> -> memref<1000000x64xf32, #tpu.memory_space<hbm>>
      tpu.wait_indirect_dma semaphore(%arg10 : memref<!tpu.dma_semaphore, #tpu.memory_space<semaphore_mem>>) src(%dma_wait3A_37 : memref<1000000x64xf32, #tpu.memory_space<hbm>>) dst(%arg6 : memref<320x64xf32, #tpu.memory_space<vmem>>)
      %scan3A_38 = arith.constant 0 : i32
      %scan3A_39 = arith.constant 320 : i32
      %scan3A_40 = arith.addi %scan3A_38, %scan3A_39 : i32
      %scan3A_41 = arith.constant 8 : i32
      scf.for %scan3A_171 = %scan3A_38 to %scan3A_40 step %scan3A_41  : i32 {
        %mul3A_172 = arith.constant 1 : i32
        %mul3A_173 = arith.muli %scan3A_171, %mul3A_172 : i32
        %add3A_174 = arith.constant 0 : i32
        %add3A_175 = arith.addi %add3A_174, %mul3A_173 : i32
        %get3A = arith.index_cast %add3A_175 : i32 to index
        %get3A_176 = arith.constant 0 : index
        %get3A_177 = tpu.vector_load %arg6[%get3A, %get3A_176] {strides = array<i32>} : memref<320x64xf32, #tpu.memory_space<vmem>>, vector<1x16xf32>,
        %get3A_178 = vector.shape_cast %get3A_177 : vector<1x16xf32> to vector<16xf32>
        %mul3A_179 = arith.constant 8.000000e+00 : f32
        %mul3A_180 = vector.broadcast %mul3A_179 : f32 to vector<16xf32>
        %mul3A_181 = arith.mulf %get3A_178, %mul3A_180 : vector<16xf32>
        %swap3A = arith.index_cast %add3A_175 : i32 to index
        %swap3A_182 = arith.constant 0 : index
        %swap3A_183 = tpu.vector_load %arg6[%swap3A, %swap3A_182] {strides = array<i32>} : memref<320x64xf32, #tpu.memory_space<vmem>>, vector<1x16xf32>,
        %swap3A_184 = vector.shape_cast %swap3A_183 : vector<1x16xf32> to vector<16xf32>
        %swap3A_185 = vector.shape_cast %mul3A_181 : vector<16xf32> to vector<1x16xf32>
        tpu.vector_store %arg6[%swap3A, %swap3A_182], %swap3A_185 {strides = array<i32>} : memref<320x64xf32, #tpu.memory_space<vmem>>, vector<1x16xf32>,
        %get3A_186 = arith.index_cast %add3A_175 : i32 to index
        %get3A_187 = arith.constant 16 : index
        %get3A_188 = tpu.vector_load %arg6[%get3A_186, %get3A_187] {strides = array<i32>} : memref<320x64xf32, #tpu.memory_space<vmem>>, vector<1x16xf32>,
        %get3A_189 = vector.shape_cast %get3A_188 : vector<1x16xf32> to vector<16xf32>
        %mul3A_190 = arith.constant 8.000000e+00 : f32
        %mul3A_191 = vector.broadcast %mul3A_190 : f32 to vector<16xf32>
        %mul3A_192 = arith.mulf %get3A_189, %mul3A_191 : vector<16xf32>
        %swap3A_193 = arith.index_cast %add3A_175 : i32 to index
        %swap3A_194 = arith.constant 16 : index
        %swap3A_195 = tpu.vector_load %arg6[%swap3A_193, %swap3A_194] {strides = array<i32>} : memref<320x64xf32, #tpu.memory_space<vmem>>, vector<1x16xf32>,
        %swap3A_196 = vector.shape_cast %swap3A_195 : vector<1x16xf32> to vector<16xf32>
        %swap3A_197 = vector.shape_cast %mul3A_192 : vector<16xf32> to vector<1x16xf32>
        tpu.vector_store %arg6[%swap3A_193, %swap3A_194], %swap3A_197 {strides = array<i32>} : memref<320x64xf32, #tpu.memory_space<vmem>>, vector<1x16xf32>,
        %get3A_198 = arith.index_cast %add3A_175 : i32 to index
        %get3A_199 = arith.constant 32 : index
        %get3A_200 = tpu.vector_load %arg6[%get3A_198, %get3A_199] {strides = array<i32>} : memref<320x64xf32, #tpu.memory_space<vmem>>, vector<1x16xf32>,
        %get3A_201 = vector.shape_cast %get3A_200 : vector<1x16xf32> to vector<16xf32>
        %mul3A_202 = arith.constant 8.000000e+00 : f32
        %mul3A_203 = vector.broadcast %mul3A_202 : f32 to vector<16xf32>
        %mul3A_204 = arith.mulf %get3A_201, %mul3A_203 : vector<16xf32>
        %swap3A_205 = arith.index_cast %add3A_175 : i32 to index
        %swap3A_206 = arith.constant 32 : index
        %swap3A_207 = tpu.vector_load %arg6[%swap3A_205, %swap3A_206] {strides = array<i32>} : memref<320x64xf32, #tpu.memory_space<vmem>>, vector<1x16xf32>,
        %swap3A_208 = vector.shape_cast %swap3A_207 : vector<1x16xf32> to vector<16xf32>
        %swap3A_209 = vector.shape_cast %mul3A_204 : vector<16xf32> to vector<1x16xf32>
        tpu.vector_store %arg6[%swap3A_205, %swap3A_206], %swap3A_209 {strides = array<i32>} : memref<320x64xf32, #tpu.memory_space<vmem>>, vector<1x16xf32>,
        %get3A_210 = arith.index_cast %add3A_175 : i32 to index
        %get3A_211 = arith.constant 48 : index
        %get3A_212 = tpu.vector_load %arg6[%get3A_210, %get3A_211] {strides = array<i32>} : memref<320x64xf32, #tpu.memory_space<vmem>>, vector<1x16xf32>,
        %get3A_213 = vector.shape_cast %get3A_212 : vector<1x16xf32> to vector<16xf32>
        %mul3A_214 = arith.constant 8.000000e+00 : f32
        %mul3A_215 = vector.broadcast %mul3A_214 : f32 to vector<16xf32>
        %mul3A_216 = arith.mulf %get3A_213, %mul3A_215 : vector<16xf32>
        %swap3A_217 = arith.index_cast %add3A_175 : i32 to index
        %swap3A_218 = arith.constant 48 : index
        %swap3A_219 = tpu.vector_load %arg6[%swap3A_217, %swap3A_218] {strides = array<i32>} : memref<320x64xf32, #tpu.memory_space<vmem>>, vector<1x16xf32>,
        %swap3A_220 = vector.shape_cast %swap3A_219 : vector<1x16xf32> to vector<16xf32>
        %swap3A_221 = vector.shape_cast %mul3A_216 : vector<16xf32> to vector<1x16xf32>
        tpu.vector_store %arg6[%swap3A_217, %swap3A_218], %swap3A_221 {strides = array<i32>} : memref<320x64xf32, #tpu.memory_space<vmem>>, vector<1x16xf32>,
        %scan3A_222 = arith.constant 1 : i32
        %scan3A_223 = arith.addi %scan3A_171, %scan3A_222 : i32
        %mul3A_224 = arith.constant 1 : i32
        %mul3A_225 = arith.muli %scan3A_223, %mul3A_224 : i32
        %add3A_226 = arith.constant 0 : i32
        %add3A_227 = arith.addi %add3A_226, %mul3A_225 : i32
        %get3A_228 = arith.index_cast %add3A_227 : i32 to index
        %get3A_229 = arith.constant 0 : index
        %get3A_230 = tpu.vector_load %arg6[%get3A_228, %get3A_229] {strides = array<i32>} : memref<320x64xf32, #tpu.memory_space<vmem>>, vector<1x16xf32>,
        %get3A_231 = vector.shape_cast %get3A_230 : vector<1x16xf32> to vector<16xf32>
        %mul3A_232 = arith.constant 8.000000e+00 : f32
        %mul3A_233 = vector.broadcast %mul3A_232 : f32 to vector<16xf32>
        %mul3A_234 = arith.mulf %get3A_231, %mul3A_233 : vector<16xf32>
        %swap3A_235 = arith.index_cast %add3A_227 : i32 to index
        %swap3A_236 = arith.constant 0 : index
        %swap3A_237 = tpu.vector_load %arg6[%swap3A_235, %swap3A_236] {strides = array<i32>} : memref<320x64xf32, #tpu.memory_space<vmem>>, vector<1x16xf32>,
        %swap3A_238 = vector.shape_cast %swap3A_237 : vector<1x16xf32> to vector<16xf32>
        %swap3A_239 = vector.shape_cast %mul3A_234 : vector<16xf32> to vector<1x16xf32>
        tpu.vector_store %arg6[%swap3A_235, %swap3A_236], %swap3A_239 {strides = array<i32>} : memref<320x64xf32, #tpu.memory_space<vmem>>, vector<1x16xf32>,
        %get3A_240 = arith.index_cast %add3A_227 : i32 to index
        %get3A_241 = arith.constant 16 : index
        %get3A_242 = tpu.vector_load %arg6[%get3A_240, %get3A_241] {strides = array<i32>} : memref<320x64xf32, #tpu.memory_space<vmem>>, vector<1x16xf32>,
        %get3A_243 = vector.shape_cast %get3A_242 : vector<1x16xf32> to vector<16xf32>
        %mul3A_244 = arith.constant 8.000000e+00 : f32
        %mul3A_245 = vector.broadcast %mul3A_244 : f32 to vector<16xf32>
        %mul3A_246 = arith.mulf %get3A_243, %mul3A_245 : vector<16xf32>
        %swap3A_247 = arith.index_cast %add3A_227 : i32 to index
        %swap3A_248 = arith.constant 16 : index
        %swap3A_249 = tpu.vector_load %arg6[%swap3A_247, %swap3A_248] {strides = array<i32>} : memref<320x64xf32, #tpu.memory_space<vmem>>, vector<1x16xf32>,
        %swap3A_250 = vector.shape_cast %swap3A_249 : vector<1x16xf32> to vector<16xf32>
        %swap3A_251 = vector.shape_cast %mul3A_246 : vector<16xf32> to vector<1x16xf32>
        tpu.vector_store %arg6[%swap3A_247, %swap3A_248], %swap3A_251 {strides = array<i32>} : memref<320x64xf32, #tpu.memory_space<vmem>>, vector<1x16xf32>,
        %get3A_252 = arith.index_cast %add3A_227 : i32 to index
        %get3A_253 = arith.constant 32 : index
        %get3A_254 = tpu.vector_load %arg6[%get3A_252, %get3A_253] {strides = array<i32>} : memref<320x64xf32, #tpu.memory_space<vmem>>, vector<1x16xf32>,
        %get3A_255 = vector.shape_cast %get3A_254 : vector<1x16xf32> to vector<16xf32>
        %mul3A_256 = arith.constant 8.000000e+00 : f32
        %mul3A_257 = vector.broadcast %mul3A_256 : f32 to vector<16xf32>
        %mul3A_258 = arith.mulf %get3A_255, %mul3A_257 : vector<16xf32>
        %swap3A_259 = arith.index_cast %add3A_227 : i32 to index
        %swap3A_260 = arith.constant 32 : index
        %swap3A_261 = tpu.vector_load %arg6[%swap3A_259, %swap3A_260] {strides = array<i32>} : memref<320x64xf32, #tpu.memory_space<vmem>>, vector<1x16xf32>,
        %swap3A_262 = vector.shape_cast %swap3A_261 : vector<1x16xf32> to vector<16xf32>
        %swap3A_263 = vector.shape_cast %mul3A_258 : vector<16xf32> to vector<1x16xf32>
        tpu.vector_store %arg6[%swap3A_259, %swap3A_260], %swap3A_263 {strides = array<i32>} : memref<320x64xf32, #tpu.memory_space<vmem>>, vector<1x16xf32>,
        %get3A_264 = arith.index_cast %add3A_227 : i32 to index
        %get3A_265 = arith.constant 48 : index
        %get3A_266 = tpu.vector_load %arg6[%get3A_264, %get3A_265] {strides = array<i32>} : memref<320x64xf32, #tpu.memory_space<vmem>>, vector<1x16xf32>,
        %get3A_267 = vector.shape_cast %get3A_266 : vector<1x16xf32> to vector<16xf32>
        %mul3A_268 = arith.constant 8.000000e+00 : f32
        %mul3A_269 = vector.broadcast %mul3A_268 : f32 to vector<16xf32>
        %mul3A_270 = arith.mulf %get3A_267, %mul3A_269 : vector<16xf32>
        %swap3A_271 = arith.index_cast %add3A_227 : i32 to index
        %swap3A_272 = arith.constant 48 : index
        %swap3A_273 = tpu.vector_load %arg6[%swap3A_271, %swap3A_272] {strides = array<i32>} : memref<320x64xf32, #tpu.memory_space<vmem>>, vector<1x16xf32>,
        %swap3A_274 = vector.shape_cast %swap3A_273 : vector<1x16xf32> to vector<16xf32>
        %swap3A_275 = vector.shape_cast %mul3A_270 : vector<16xf32> to vector<1x16xf32>
        tpu.vector_store %arg6[%swap3A_271, %swap3A_272], %swap3A_275 {strides = array<i32>} : memref<320x64xf32, #tpu.memory_space<vmem>>, vector<1x16xf32>,
        %scan3A_276 = arith.constant 2 : i32
        %scan3A_277 = arith.addi %scan3A_171, %scan3A_276 : i32
        %mul3A_278 = arith.constant 1 : i32
        %mul3A_279 = arith.muli %scan3A_277, %mul3A_278 : i32
        %add3A_280 = arith.constant 0 : i32
        %add3A_281 = arith.addi %add3A_280, %mul3A_279 : i32
        %get3A_282 = arith.index_cast %add3A_281 : i32 to index
        %get3A_283 = arith.constant 0 : index
        %get3A_284 = tpu.vector_load %arg6[%get3A_282, %get3A_283] {strides = array<i32>} : memref<320x64xf32, #tpu.memory_space<vmem>>, vector<1x16xf32>,
        %get3A_285 = vector.shape_cast %get3A_284 : vector<1x16xf32> to vector<16xf32>
        %mul3A_286 = arith.constant 8.000000e+00 : f32
        %mul3A_287 = vector.broadcast %mul3A_286 : f32 to vector<16xf32>
        %mul3A_288 = arith.mulf %get3A_285, %mul3A_287 : vector<16xf32>
        %swap3A_289 = arith.index_cast %add3A_281 : i32 to index
        %swap3A_290 = arith.constant 0 : index
        %swap3A_291 = tpu.vector_load %arg6[%swap3A_289, %swap3A_290] {strides = array<i32>} : memref<320x64xf32, #tpu.memory_space<vmem>>, vector<1x16xf32>,
        %swap3A_292 = vector.shape_cast %swap3A_291 : vector<1x16xf32> to vector<16xf32>
        %swap3A_293 = vector.shape_cast %mul3A_288 : vector<16xf32> to vector<1x16xf32>
        tpu.vector_store %arg6[%swap3A_289, %swap3A_290], %swap3A_293 {strides = array<i32>} : memref<320x64xf32, #tpu.memory_space<vmem>>, vector<1x16xf32>,
        %get3A_294 = arith.index_cast %add3A_281 : i32 to index
        %get3A_295 = arith.constant 16 : index
        %get3A_296 = tpu.vector_load %arg6[%get3A_294, %get3A_295] {strides = array<i32>} : memref<320x64xf32, #tpu.memory_space<vmem>>, vector<1x16xf32>,
        %get3A_297 = vector.shape_cast %get3A_296 : vector<1x16xf32> to vector<16xf32>
        %mul3A_298 = arith.constant 8.000000e+00 : f32
        %mul3A_299 = vector.broadcast %mul3A_298 : f32 to vector<16xf32>
        %mul3A_300 = arith.mulf %get3A_297, %mul3A_299 : vector<16xf32>
        %swap3A_301 = arith.index_cast %add3A_281 : i32 to index
        %swap3A_302 = arith.constant 16 : index
        %swap3A_303 = tpu.vector_load %arg6[%swap3A_301, %swap3A_302] {strides = array<i32>} : memref<320x64xf32, #tpu.memory_space<vmem>>, vector<1x16xf32>,
        %swap3A_304 = vector.shape_cast %swap3A_303 : vector<1x16xf32> to vector<16xf32>
        %swap3A_305 = vector.shape_cast %mul3A_300 : vector<16xf32> to vector<1x16xf32>
        tpu.vector_store %arg6[%swap3A_301, %swap3A_302], %swap3A_305 {strides = array<i32>} : memref<320x64xf32, #tpu.memory_space<vmem>>, vector<1x16xf32>,
        %get3A_306 = arith.index_cast %add3A_281 : i32 to index
        %get3A_307 = arith.constant 32 : index
        %get3A_308 = tpu.vector_load %arg6[%get3A_306, %get3A_307] {strides = array<i32>} : memref<320x64xf32, #tpu.memory_space<vmem>>, vector<1x16xf32>,
        %get3A_309 = vector.shape_cast %get3A_308 : vector<1x16xf32> to vector<16xf32>
        %mul3A_310 = arith.constant 8.000000e+00 : f32
        %mul3A_311 = vector.broadcast %mul3A_310 : f32 to vector<16xf32>
        %mul3A_312 = arith.mulf %get3A_309, %mul3A_311 : vector<16xf32>
        %swap3A_313 = arith.index_cast %add3A_281 : i32 to index
        %swap3A_314 = arith.constant 32 : index
        %swap3A_315 = tpu.vector_load %arg6[%swap3A_313, %swap3A_314] {strides = array<i32>} : memref<320x64xf32, #tpu.memory_space<vmem>>, vector<1x16xf32>,
        %swap3A_316 = vector.shape_cast %swap3A_315 : vector<1x16xf32> to vector<16xf32>
        %swap3A_317 = vector.shape_cast %mul3A_312 : vector<16xf32> to vector<1x16xf32>
        tpu.vector_store %arg6[%swap3A_313, %swap3A_314], %swap3A_317 {strides = array<i32>} : memref<320x64xf32, #tpu.memory_space<vmem>>, vector<1x16xf32>,
        %get3A_318 = arith.index_cast %add3A_281 : i32 to index
        %get3A_319 = arith.constant 48 : index
        %get3A_320 = tpu.vector_load %arg6[%get3A_318, %get3A_319] {strides = array<i32>} : memref<320x64xf32, #tpu.memory_space<vmem>>, vector<1x16xf32>,
        %get3A_321 = vector.shape_cast %get3A_320 : vector<1x16xf32> to vector<16xf32>
        %mul3A_322 = arith.constant 8.000000e+00 : f32
        %mul3A_323 = vector.broadcast %mul3A_322 : f32 to vector<16xf32>
        %mul3A_324 = arith.mulf %get3A_321, %mul3A_323 : vector<16xf32>
        %swap3A_325 = arith.index_cast %add3A_281 : i32 to index
        %swap3A_326 = arith.constant 48 : index
        %swap3A_327 = tpu.vector_load %arg6[%swap3A_325, %swap3A_326] {strides = array<i32>} : memref<320x64xf32, #tpu.memory_space<vmem>>, vector<1x16xf32>,
        %swap3A_328 = vector.shape_cast %swap3A_327 : vector<1x16xf32> to vector<16xf32>
        %swap3A_329 = vector.shape_cast %mul3A_324 : vector<16xf32> to vector<1x16xf32>
        tpu.vector_store %arg6[%swap3A_325, %swap3A_326], %swap3A_329 {strides = array<i32>} : memref<320x64xf32, #tpu.memory_space<vmem>>, vector<1x16xf32>,
        %scan3A_330 = arith.constant 3 : i32
        %scan3A_331 = arith.addi %scan3A_171, %scan3A_330 : i32
        %mul3A_332 = arith.constant 1 : i32
        %mul3A_333 = arith.muli %scan3A_331, %mul3A_332 : i32
        %add3A_334 = arith.constant 0 : i32
        %add3A_335 = arith.addi %add3A_334, %mul3A_333 : i32
        %get3A_336 = arith.index_cast %add3A_335 : i32 to index
        %get3A_337 = arith.constant 0 : index
        %get3A_338 = tpu.vector_load %arg6[%get3A_336, %get3A_337] {strides = array<i32>} : memref<320x64xf32, #tpu.memory_space<vmem>>, vector<1x16xf32>,
        %get3A_339 = vector.shape_cast %get3A_338 : vector<1x16xf32> to vector<16xf32>
        %mul3A_340 = arith.constant 8.000000e+00 : f32
        %mul3A_341 = vector.broadcast %mul3A_340 : f32 to vector<16xf32>
        %mul3A_342 = arith.mulf %get3A_339, %mul3A_341 : vector<16xf32>
        %swap3A_343 = arith.index_cast %add3A_335 : i32 to index
        %swap3A_344 = arith.constant 0 : index
        %swap3A_345 = tpu.vector_load %arg6[%swap3A_343, %swap3A_344] {strides = array<i32>} : memref<320x64xf32, #tpu.memory_space<vmem>>, vector<1x16xf32>,
        %swap3A_346 = vector.shape_cast %swap3A_345 : vector<1x16xf32> to vector<16xf32>
        %swap3A_347 = vector.shape_cast %mul3A_342 : vector<16xf32> to vector<1x16xf32>
        tpu.vector_store %arg6[%swap3A_343, %swap3A_344], %swap3A_347 {strides = array<i32>} : memref<320x64xf32, #tpu.memory_space<vmem>>, vector<1x16xf32>,
        %get3A_348 = arith.index_cast %add3A_335 : i32 to index
        %get3A_349 = arith.constant 16 : index
        %get3A_350 = tpu.vector_load %arg6[%get3A_348, %get3A_349] {strides = array<i32>} : memref<320x64xf32, #tpu.memory_space<vmem>>, vector<1x16xf32>,
        %get3A_351 = vector.shape_cast %get3A_350 : vector<1x16xf32> to vector<16xf32>
        %mul3A_352 = arith.constant 8.000000e+00 : f32
        %mul3A_353 = vector.broadcast %mul3A_352 : f32 to vector<16xf32>
        %mul3A_354 = arith.mulf %get3A_351, %mul3A_353 : vector<16xf32>
        %swap3A_355 = arith.index_cast %add3A_335 : i32 to index
        %swap3A_356 = arith.constant 16 : index
        %swap3A_357 = tpu.vector_load %arg6[%swap3A_355, %swap3A_356] {strides = array<i32>} : memref<320x64xf32, #tpu.memory_space<vmem>>, vector<1x16xf32>,
        %swap3A_358 = vector.shape_cast %swap3A_357 : vector<1x16xf32> to vector<16xf32>
        %swap3A_359 = vector.shape_cast %mul3A_354 : vector<16xf32> to vector<1x16xf32>
        tpu.vector_store %arg6[%swap3A_355, %swap3A_356], %swap3A_359 {strides = array<i32>} : memref<320x64xf32, #tpu.memory_space<vmem>>, vector<1x16xf32>,
        %get3A_360 = arith.index_cast %add3A_335 : i32 to index
        %get3A_361 = arith.constant 32 : index
        %get3A_362 = tpu.vector_load %arg6[%get3A_360, %get3A_361] {strides = array<i32>} : memref<320x64xf32, #tpu.memory_space<vmem>>, vector<1x16xf32>,
        %get3A_363 = vector.shape_cast %get3A_362 : vector<1x16xf32> to vector<16xf32>
        %mul3A_364 = arith.constant 8.000000e+00 : f32
        %mul3A_365 = vector.broadcast %mul3A_364 : f32 to vector<16xf32>
        %mul3A_366 = arith.mulf %get3A_363, %mul3A_365 : vector<16xf32>
        %swap3A_367 = arith.index_cast %add3A_335 : i32 to index
        %swap3A_368 = arith.constant 32 : index
        %swap3A_369 = tpu.vector_load %arg6[%swap3A_367, %swap3A_368] {strides = array<i32>} : memref<320x64xf32, #tpu.memory_space<vmem>>, vector<1x16xf32>,
        %swap3A_370 = vector.shape_cast %swap3A_369 : vector<1x16xf32> to vector<16xf32>
        %swap3A_371 = vector.shape_cast %mul3A_366 : vector<16xf32> to vector<1x16xf32>
        tpu.vector_store %arg6[%swap3A_367, %swap3A_368], %swap3A_371 {strides = array<i32>} : memref<320x64xf32, #tpu.memory_space<vmem>>, vector<1x16xf32>,
        %get3A_372 = arith.index_cast %add3A_335 : i32 to index
        %get3A_373 = arith.constant 48 : index
        %get3A_374 = tpu.vector_load %arg6[%get3A_372, %get3A_373] {strides = array<i32>} : memref<320x64xf32, #tpu.memory_space<vmem>>, vector<1x16xf32>,
        %get3A_375 = vector.shape_cast %get3A_374 : vector<1x16xf32> to vector<16xf32>
        %mul3A_376 = arith.constant 8.000000e+00 : f32
        %mul3A_377 = vector.broadcast %mul3A_376 : f32 to vector<16xf32>
        %mul3A_378 = arith.mulf %get3A_375, %mul3A_377 : vector<16xf32>
        %swap3A_379 = arith.index_cast %add3A_335 : i32 to index
        %swap3A_380 = arith.constant 48 : index
        %swap3A_381 = tpu.vector_load %arg6[%swap3A_379, %swap3A_380] {strides = array<i32>} : memref<320x64xf32, #tpu.memory_space<vmem>>, vector<1x16xf32>,
        %swap3A_382 = vector.shape_cast %swap3A_381 : vector<1x16xf32> to vector<16xf32>
        %swap3A_383 = vector.shape_cast %mul3A_378 : vector<16xf32> to vector<1x16xf32>
        tpu.vector_store %arg6[%swap3A_379, %swap3A_380], %swap3A_383 {strides = array<i32>} : memref<320x64xf32, #tpu.memory_space<vmem>>, vector<1x16xf32>,
        %scan3A_384 = arith.constant 4 : i32
        %scan3A_385 = arith.addi %scan3A_171, %scan3A_384 : i32
        %mul3A_386 = arith.constant 1 : i32
        %mul3A_387 = arith.muli %scan3A_385, %mul3A_386 : i32
        %add3A_388 = arith.constant 0 : i32
        %add3A_389 = arith.addi %add3A_388, %mul3A_387 : i32
        %get3A_390 = arith.index_cast %add3A_389 : i32 to index
        %get3A_391 = arith.constant 0 : index
        %get3A_392 = tpu.vector_load %arg6[%get3A_390, %get3A_391] {strides = array<i32>} : memref<320x64xf32, #tpu.memory_space<vmem>>, vector<1x16xf32>,
        %get3A_393 = vector.shape_cast %get3A_392 : vector<1x16xf32> to vector<16xf32>
        %mul3A_394 = arith.constant 8.000000e+00 : f32
        %mul3A_395 = vector.broadcast %mul3A_394 : f32 to vector<16xf32>
        %mul3A_396 = arith.mulf %get3A_393, %mul3A_395 : vector<16xf32>
        %swap3A_397 = arith.index_cast %add3A_389 : i32 to index
        %swap3A_398 = arith.constant 0 : index
        %swap3A_399 = tpu.vector_load %arg6[%swap3A_397, %swap3A_398] {strides = array<i32>} : memref<320x64xf32, #tpu.memory_space<vmem>>, vector<1x16xf32>,
        %swap3A_400 = vector.shape_cast %swap3A_399 : vector<1x16xf32> to vector<16xf32>
        %swap3A_401 = vector.shape_cast %mul3A_396 : vector<16xf32> to vector<1x16xf32>
        tpu.vector_store %arg6[%swap3A_397, %swap3A_398], %swap3A_401 {strides = array<i32>} : memref<320x64xf32, #tpu.memory_space<vmem>>, vector<1x16xf32>,
        %get3A_402 = arith.index_cast %add3A_389 : i32 to index
        %get3A_403 = arith.constant 16 : index
        %get3A_404 = tpu.vector_load %arg6[%get3A_402, %get3A_403] {strides = array<i32>} : memref<320x64xf32, #tpu.memory_space<vmem>>, vector<1x16xf32>,
        %get3A_405 = vector.shape_cast %get3A_404 : vector<1x16xf32> to vector<16xf32>
        %mul3A_406 = arith.constant 8.000000e+00 : f32
        %mul3A_407 = vector.broadcast %mul3A_406 : f32 to vector<16xf32>
        %mul3A_408 = arith.mulf %get3A_405, %mul3A_407 : vector<16xf32>
        %swap3A_409 = arith.index_cast %add3A_389 : i32 to index
        %swap3A_410 = arith.constant 16 : index
        %swap3A_411 = tpu.vector_load %arg6[%swap3A_409, %swap3A_410] {strides = array<i32>} : memref<320x64xf32, #tpu.memory_space<vmem>>, vector<1x16xf32>,
        %swap3A_412 = vector.shape_cast %swap3A_411 : vector<1x16xf32> to vector<16xf32>
        %swap3A_413 = vector.shape_cast %mul3A_408 : vector<16xf32> to vector<1x16xf32>
        tpu.vector_store %arg6[%swap3A_409, %swap3A_410], %swap3A_413 {strides = array<i32>} : memref<320x64xf32, #tpu.memory_space<vmem>>, vector<1x16xf32>,
        %get3A_414 = arith.index_cast %add3A_389 : i32 to index
        %get3A_415 = arith.constant 32 : index
        %get3A_416 = tpu.vector_load %arg6[%get3A_414, %get3A_415] {strides = array<i32>} : memref<320x64xf32, #tpu.memory_space<vmem>>, vector<1x16xf32>,
        %get3A_417 = vector.shape_cast %get3A_416 : vector<1x16xf32> to vector<16xf32>
        %mul3A_418 = arith.constant 8.000000e+00 : f32
        %mul3A_419 = vector.broadcast %mul3A_418 : f32 to vector<16xf32>
        %mul3A_420 = arith.mulf %get3A_417, %mul3A_419 : vector<16xf32>
        %swap3A_421 = arith.index_cast %add3A_389 : i32 to index
        %swap3A_422 = arith.constant 32 : index
        %swap3A_423 = tpu.vector_load %arg6[%swap3A_421, %swap3A_422] {strides = array<i32>} : memref<320x64xf32, #tpu.memory_space<vmem>>, vector<1x16xf32>,
        %swap3A_424 = vector.shape_cast %swap3A_423 : vector<1x16xf32> to vector<16xf32>
        %swap3A_425 = vector.shape_cast %mul3A_420 : vector<16xf32> to vector<1x16xf32>
        tpu.vector_store %arg6[%swap3A_421, %swap3A_422], %swap3A_425 {strides = array<i32>} : memref<320x64xf32, #tpu.memory_space<vmem>>, vector<1x16xf32>,
        %get3A_426 = arith.index_cast %add3A_389 : i32 to index
        %get3A_427 = arith.constant 48 : index
        %get3A_428 = tpu.vector_load %arg6[%get3A_426, %get3A_427] {strides = array<i32>} : memref<320x64xf32, #tpu.memory_space<vmem>>, vector<1x16xf32>,
        %get3A_429 = vector.shape_cast %get3A_428 : vector<1x16xf32> to vector<16xf32>
        %mul3A_430 = arith.constant 8.000000e+00 : f32
        %mul3A_431 = vector.broadcast %mul3A_430 : f32 to vector<16xf32>
        %mul3A_432 = arith.mulf %get3A_429, %mul3A_431 : vector<16xf32>
        %swap3A_433 = arith.index_cast %add3A_389 : i32 to index
        %swap3A_434 = arith.constant 48 : index
        %swap3A_435 = tpu.vector_load %arg6[%swap3A_433, %swap3A_434] {strides = array<i32>} : memref<320x64xf32, #tpu.memory_space<vmem>>, vector<1x16xf32>,
        %swap3A_436 = vector.shape_cast %swap3A_435 : vector<1x16xf32> to vector<16xf32>
        %swap3A_437 = vector.shape_cast %mul3A_432 : vector<16xf32> to vector<1x16xf32>
        tpu.vector_store %arg6[%swap3A_433, %swap3A_434], %swap3A_437 {strides = array<i32>} : memref<320x64xf32, #tpu.memory_space<vmem>>, vector<1x16xf32>,
        %scan3A_438 = arith.constant 5 : i32
        %scan3A_439 = arith.addi %scan3A_171, %scan3A_438 : i32
        %mul3A_440 = arith.constant 1 : i32
        %mul3A_441 = arith.muli %scan3A_439, %mul3A_440 : i32
        %add3A_442 = arith.constant 0 : i32
        %add3A_443 = arith.addi %add3A_442, %mul3A_441 : i32
        %get3A_444 = arith.index_cast %add3A_443 : i32 to index
        %get3A_445 = arith.constant 0 : index
        %get3A_446 = tpu.vector_load %arg6[%get3A_444, %get3A_445] {strides = array<i32>} : memref<320x64xf32, #tpu.memory_space<vmem>>, vector<1x16xf32>,
        %get3A_447 = vector.shape_cast %get3A_446 : vector<1x16xf32> to vector<16xf32>
        %mul3A_448 = arith.constant 8.000000e+00 : f32
        %mul3A_449 = vector.broadcast %mul3A_448 : f32 to vector<16xf32>
        %mul3A_450 = arith.mulf %get3A_447, %mul3A_449 : vector<16xf32>
        %swap3A_451 = arith.index_cast %add3A_443 : i32 to index
        %swap3A_452 = arith.constant 0 : index
        %swap3A_453 = tpu.vector_load %arg6[%swap3A_451, %swap3A_452] {strides = array<i32>} : memref<320x64xf32, #tpu.memory_space<vmem>>, vector<1x16xf32>,
        %swap3A_454 = vector.shape_cast %swap3A_453 : vector<1x16xf32> to vector<16xf32>
        %swap3A_455 = vector.shape_cast %mul3A_450 : vector<16xf32> to vector<1x16xf32>
        tpu.vector_store %arg6[%swap3A_451, %swap3A_452], %swap3A_455 {strides = array<i32>} : memref<320x64xf32, #tpu.memory_space<vmem>>, vector<1x16xf32>,
        %get3A_456 = arith.index_cast %add3A_443 : i32 to index
        %get3A_457 = arith.constant 16 : index
        %get3A_458 = tpu.vector_load %arg6[%get3A_456, %get3A_457] {strides = array<i32>} : memref<320x64xf32, #tpu.memory_space<vmem>>, vector<1x16xf32>,
        %get3A_459 = vector.shape_cast %get3A_458 : vector<1x16xf32> to vector<16xf32>
        %mul3A_460 = arith.constant 8.000000e+00 : f32
        %mul3A_461 = vector.broadcast %mul3A_460 : f32 to vector<16xf32>
        %mul3A_462 = arith.mulf %get3A_459, %mul3A_461 : vector<16xf32>
        %swap3A_463 = arith.index_cast %add3A_443 : i32 to index
        %swap3A_464 = arith.constant 16 : index
        %swap3A_465 = tpu.vector_load %arg6[%swap3A_463, %swap3A_464] {strides = array<i32>} : memref<320x64xf32, #tpu.memory_space<vmem>>, vector<1x16xf32>,
        %swap3A_466 = vector.shape_cast %swap3A_465 : vector<1x16xf32> to vector<16xf32>
        %swap3A_467 = vector.shape_cast %mul3A_462 : vector<16xf32> to vector<1x16xf32>
        tpu.vector_store %arg6[%swap3A_463, %swap3A_464], %swap3A_467 {strides = array<i32>} : memref<320x64xf32, #tpu.memory_space<vmem>>, vector<1x16xf32>,
        %get3A_468 = arith.index_cast %add3A_443 : i32 to index
        %get3A_469 = arith.constant 32 : index
        %get3A_470 = tpu.vector_load %arg6[%get3A_468, %get3A_469] {strides = array<i32>} : memref<320x64xf32, #tpu.memory_space<vmem>>, vector<1x16xf32>,
        %get3A_471 = vector.shape_cast %get3A_470 : vector<1x16xf32> to vector<16xf32>
        %mul3A_472 = arith.constant 8.000000e+00 : f32
        %mul3A_473 = vector.broadcast %mul3A_472 : f32 to vector<16xf32>
        %mul3A_474 = arith.mulf %get3A_471, %mul3A_473 : vector<16xf32>
        %swap3A_475 = arith.index_cast %add3A_443 : i32 to index
        %swap3A_476 = arith.constant 32 : index
        %swap3A_477 = tpu.vector_load %arg6[%swap3A_475, %swap3A_476] {strides = array<i32>} : memref<320x64xf32, #tpu.memory_space<vmem>>, vector<1x16xf32>,
        %swap3A_478 = vector.shape_cast %swap3A_477 : vector<1x16xf32> to vector<16xf32>
        %swap3A_479 = vector.shape_cast %mul3A_474 : vector<16xf32> to vector<1x16xf32>
        tpu.vector_store %arg6[%swap3A_475, %swap3A_476], %swap3A_479 {strides = array<i32>} : memref<320x64xf32, #tpu.memory_space<vmem>>, vector<1x16xf32>,
        %get3A_480 = arith.index_cast %add3A_443 : i32 to index
        %get3A_481 = arith.constant 48 : index
        %get3A_482 = tpu.vector_load %arg6[%get3A_480, %get3A_481] {strides = array<i32>} : memref<320x64xf32, #tpu.memory_space<vmem>>, vector<1x16xf32>,
        %get3A_483 = vector.shape_cast %get3A_482 : vector<1x16xf32> to vector<16xf32>
        %mul3A_484 = arith.constant 8.000000e+00 : f32
        %mul3A_485 = vector.broadcast %mul3A_484 : f32 to vector<16xf32>
        %mul3A_486 = arith.mulf %get3A_483, %mul3A_485 : vector<16xf32>
        %swap3A_487 = arith.index_cast %add3A_443 : i32 to index
        %swap3A_488 = arith.constant 48 : index
        %swap3A_489 = tpu.vector_load %arg6[%swap3A_487, %swap3A_488] {strides = array<i32>} : memref<320x64xf32, #tpu.memory_space<vmem>>, vector<1x16xf32>,
        %swap3A_490 = vector.shape_cast %swap3A_489 : vector<1x16xf32> to vector<16xf32>
        %swap3A_491 = vector.shape_cast %mul3A_486 : vector<16xf32> to vector<1x16xf32>
        tpu.vector_store %arg6[%swap3A_487, %swap3A_488], %swap3A_491 {strides = array<i32>} : memref<320x64xf32, #tpu.memory_space<vmem>>, vector<1x16xf32>,
        %scan3A_492 = arith.constant 6 : i32
        %scan3A_493 = arith.addi %scan3A_171, %scan3A_492 : i32
        %mul3A_494 = arith.constant 1 : i32
        %mul3A_495 = arith.muli %scan3A_493, %mul3A_494 : i32
        %add3A_496 = arith.constant 0 : i32
        %add3A_497 = arith.addi %add3A_496, %mul3A_495 : i32
        %get3A_498 = arith.index_cast %add3A_497 : i32 to index
        %get3A_499 = arith.constant 0 : index
        %get3A_500 = tpu.vector_load %arg6[%get3A_498, %get3A_499] {strides = array<i32>} : memref<320x64xf32, #tpu.memory_space<vmem>>, vector<1x16xf32>,
        %get3A_501 = vector.shape_cast %get3A_500 : vector<1x16xf32> to vector<16xf32>
        %mul3A_502 = arith.constant 8.000000e+00 : f32
        %mul3A_503 = vector.broadcast %mul3A_502 : f32 to vector<16xf32>
        %mul3A_504 = arith.mulf %get3A_501, %mul3A_503 : vector<16xf32>
        %swap3A_505 = arith.index_cast %add3A_497 : i32 to index
        %swap3A_506 = arith.constant 0 : index
        %swap3A_507 = tpu.vector_load %arg6[%swap3A_505, %swap3A_506] {strides = array<i32>} : memref<320x64xf32, #tpu.memory_space<vmem>>, vector<1x16xf32>,
        %swap3A_508 = vector.shape_cast %swap3A_507 : vector<1x16xf32> to vector<16xf32>
        %swap3A_509 = vector.shape_cast %mul3A_504 : vector<16xf32> to vector<1x16xf32>
        tpu.vector_store %arg6[%swap3A_505, %swap3A_506], %swap3A_509 {strides = array<i32>} : memref<320x64xf32, #tpu.memory_space<vmem>>, vector<1x16xf32>,
        %get3A_510 = arith.index_cast %add3A_497 : i32 to index
        %get3A_511 = arith.constant 16 : index
        %get3A_512 = tpu.vector_load %arg6[%get3A_510, %get3A_511] {strides = array<i32>} : memref<320x64xf32, #tpu.memory_space<vmem>>, vector<1x16xf32>,
        %get3A_513 = vector.shape_cast %get3A_512 : vector<1x16xf32> to vector<16xf32>
        %mul3A_514 = arith.constant 8.000000e+00 : f32
        %mul3A_515 = vector.broadcast %mul3A_514 : f32 to vector<16xf32>
        %mul3A_516 = arith.mulf %get3A_513, %mul3A_515 : vector<16xf32>
        %swap3A_517 = arith.index_cast %add3A_497 : i32 to index
        %swap3A_518 = arith.constant 16 : index
        %swap3A_519 = tpu.vector_load %arg6[%swap3A_517, %swap3A_518] {strides = array<i32>} : memref<320x64xf32, #tpu.memory_space<vmem>>, vector<1x16xf32>,
        %swap3A_520 = vector.shape_cast %swap3A_519 : vector<1x16xf32> to vector<16xf32>
        %swap3A_521 = vector.shape_cast %mul3A_516 : vector<16xf32> to vector<1x16xf32>
        tpu.vector_store %arg6[%swap3A_517, %swap3A_518], %swap3A_521 {strides = array<i32>} : memref<320x64xf32, #tpu.memory_space<vmem>>, vector<1x16xf32>,
        %get3A_522 = arith.index_cast %add3A_497 : i32 to index
        %get3A_523 = arith.constant 32 : index
        %get3A_524 = tpu.vector_load %arg6[%get3A_522, %get3A_523] {strides = array<i32>} : memref<320x64xf32, #tpu.memory_space<vmem>>, vector<1x16xf32>,
        %get3A_525 = vector.shape_cast %get3A_524 : vector<1x16xf32> to vector<16xf32>
        %mul3A_526 = arith.constant 8.000000e+00 : f32
        %mul3A_527 = vector.broadcast %mul3A_526 : f32 to vector<16xf32>
        %mul3A_528 = arith.mulf %get3A_525, %mul3A_527 : vector<16xf32>
        %swap3A_529 = arith.index_cast %add3A_497 : i32 to index
        %swap3A_530 = arith.constant 32 : index
        %swap3A_531 = tpu.vector_load %arg6[%swap3A_529, %swap3A_530] {strides = array<i32>} : memref<320x64xf32, #tpu.memory_space<vmem>>, vector<1x16xf32>,
        %swap3A_532 = vector.shape_cast %swap3A_531 : vector<1x16xf32> to vector<16xf32>
        %swap3A_533 = vector.shape_cast %mul3A_528 : vector<16xf32> to vector<1x16xf32>
        tpu.vector_store %arg6[%swap3A_529, %swap3A_530], %swap3A_533 {strides = array<i32>} : memref<320x64xf32, #tpu.memory_space<vmem>>, vector<1x16xf32>,
        %get3A_534 = arith.index_cast %add3A_497 : i32 to index
        %get3A_535 = arith.constant 48 : index
        %get3A_536 = tpu.vector_load %arg6[%get3A_534, %get3A_535] {strides = array<i32>} : memref<320x64xf32, #tpu.memory_space<vmem>>, vector<1x16xf32>,
        %get3A_537 = vector.shape_cast %get3A_536 : vector<1x16xf32> to vector<16xf32>
        %mul3A_538 = arith.constant 8.000000e+00 : f32
        %mul3A_539 = vector.broadcast %mul3A_538 : f32 to vector<16xf32>
        %mul3A_540 = arith.mulf %get3A_537, %mul3A_539 : vector<16xf32>
        %swap3A_541 = arith.index_cast %add3A_497 : i32 to index
        %swap3A_542 = arith.constant 48 : index
        %swap3A_543 = tpu.vector_load %arg6[%swap3A_541, %swap3A_542] {strides = array<i32>} : memref<320x64xf32, #tpu.memory_space<vmem>>, vector<1x16xf32>,
        %swap3A_544 = vector.shape_cast %swap3A_543 : vector<1x16xf32> to vector<16xf32>
        %swap3A_545 = vector.shape_cast %mul3A_540 : vector<16xf32> to vector<1x16xf32>
        tpu.vector_store %arg6[%swap3A_541, %swap3A_542], %swap3A_545 {strides = array<i32>} : memref<320x64xf32, #tpu.memory_space<vmem>>, vector<1x16xf32>,
        %scan3A_546 = arith.constant 7 : i32
        %scan3A_547 = arith.addi %scan3A_171, %scan3A_546 : i32
        %mul3A_548 = arith.constant 1 : i32
        %mul3A_549 = arith.muli %scan3A_547, %mul3A_548 : i32
        %add3A_550 = arith.constant 0 : i32
        %add3A_551 = arith.addi %add3A_550, %mul3A_549 : i32
        %get3A_552 = arith.index_cast %add3A_551 : i32 to index
        %get3A_553 = arith.constant 0 : index
        %get3A_554 = tpu.vector_load %arg6[%get3A_552, %get3A_553] {strides = array<i32>} : memref<320x64xf32, #tpu.memory_space<vmem>>, vector<1x16xf32>,
        %get3A_555 = vector.shape_cast %get3A_554 : vector<1x16xf32> to vector<16xf32>
        %mul3A_556 = arith.constant 8.000000e+00 : f32
        %mul3A_557 = vector.broadcast %mul3A_556 : f32 to vector<16xf32>
        %mul3A_558 = arith.mulf %get3A_555, %mul3A_557 : vector<16xf32>
        %swap3A_559 = arith.index_cast %add3A_551 : i32 to index
        %swap3A_560 = arith.constant 0 : index
        %swap3A_561 = tpu.vector_load %arg6[%swap3A_559, %swap3A_560] {strides = array<i32>} : memref<320x64xf32, #tpu.memory_space<vmem>>, vector<1x16xf32>,
        %swap3A_562 = vector.shape_cast %swap3A_561 : vector<1x16xf32> to vector<16xf32>
        %swap3A_563 = vector.shape_cast %mul3A_558 : vector<16xf32> to vector<1x16xf32>
        tpu.vector_store %arg6[%swap3A_559, %swap3A_560], %swap3A_563 {strides = array<i32>} : memref<320x64xf32, #tpu.memory_space<vmem>>, vector<1x16xf32>,
        %get3A_564 = arith.index_cast %add3A_551 : i32 to index
        %get3A_565 = arith.constant 16 : index
        %get3A_566 = tpu.vector_load %arg6[%get3A_564, %get3A_565] {strides = array<i32>} : memref<320x64xf32, #tpu.memory_space<vmem>>, vector<1x16xf32>,
        %get3A_567 = vector.shape_cast %get3A_566 : vector<1x16xf32> to vector<16xf32>
        %mul3A_568 = arith.constant 8.000000e+00 : f32
        %mul3A_569 = vector.broadcast %mul3A_568 : f32 to vector<16xf32>
        %mul3A_570 = arith.mulf %get3A_567, %mul3A_569 : vector<16xf32>
        %swap3A_571 = arith.index_cast %add3A_551 : i32 to index
        %swap3A_572 = arith.constant 16 : index
        %swap3A_573 = tpu.vector_load %arg6[%swap3A_571, %swap3A_572] {strides = array<i32>} : memref<320x64xf32, #tpu.memory_space<vmem>>, vector<1x16xf32>,
        %swap3A_574 = vector.shape_cast %swap3A_573 : vector<1x16xf32> to vector<16xf32>
        %swap3A_575 = vector.shape_cast %mul3A_570 : vector<16xf32> to vector<1x16xf32>
        tpu.vector_store %arg6[%swap3A_571, %swap3A_572], %swap3A_575 {strides = array<i32>} : memref<320x64xf32, #tpu.memory_space<vmem>>, vector<1x16xf32>,
        %get3A_576 = arith.index_cast %add3A_551 : i32 to index
        %get3A_577 = arith.constant 32 : index
        %get3A_578 = tpu.vector_load %arg6[%get3A_576, %get3A_577] {strides = array<i32>} : memref<320x64xf32, #tpu.memory_space<vmem>>, vector<1x16xf32>,
        %get3A_579 = vector.shape_cast %get3A_578 : vector<1x16xf32> to vector<16xf32>
        %mul3A_580 = arith.constant 8.000000e+00 : f32
        %mul3A_581 = vector.broadcast %mul3A_580 : f32 to vector<16xf32>
        %mul3A_582 = arith.mulf %get3A_579, %mul3A_581 : vector<16xf32>
        %swap3A_583 = arith.index_cast %add3A_551 : i32 to index
        %swap3A_584 = arith.constant 32 : index
        %swap3A_585 = tpu.vector_load %arg6[%swap3A_583, %swap3A_584] {strides = array<i32>} : memref<320x64xf32, #tpu.memory_space<vmem>>, vector<1x16xf32>,
        %swap3A_586 = vector.shape_cast %swap3A_585 : vector<1x16xf32> to vector<16xf32>
        %swap3A_587 = vector.shape_cast %mul3A_582 : vector<16xf32> to vector<1x16xf32>
        tpu.vector_store %arg6[%swap3A_583, %swap3A_584], %swap3A_587 {strides = array<i32>} : memref<320x64xf32, #tpu.memory_space<vmem>>, vector<1x16xf32>,
        %get3A_588 = arith.index_cast %add3A_551 : i32 to index
        %get3A_589 = arith.constant 48 : index
        %get3A_590 = tpu.vector_load %arg6[%get3A_588, %get3A_589] {strides = array<i32>} : memref<320x64xf32, #tpu.memory_space<vmem>>, vector<1x16xf32>,
        %get3A_591 = vector.shape_cast %get3A_590 : vector<1x16xf32> to vector<16xf32>
        %mul3A_592 = arith.constant 8.000000e+00 : f32
        %mul3A_593 = vector.broadcast %mul3A_592 : f32 to vector<16xf32>
        %mul3A_594 = arith.mulf %get3A_591, %mul3A_593 : vector<16xf32>
        %swap3A_595 = arith.index_cast %add3A_551 : i32 to index
        %swap3A_596 = arith.constant 48 : index
        %swap3A_597 = tpu.vector_load %arg6[%swap3A_595, %swap3A_596] {strides = array<i32>} : memref<320x64xf32, #tpu.memory_space<vmem>>, vector<1x16xf32>,
        %swap3A_598 = vector.shape_cast %swap3A_597 : vector<1x16xf32> to vector<16xf32>
        %swap3A_599 = vector.shape_cast %mul3A_594 : vector<16xf32> to vector<1x16xf32>
        tpu.vector_store %arg6[%swap3A_595, %swap3A_596], %swap3A_599 {strides = array<i32>} : memref<320x64xf32, #tpu.memory_space<vmem>>, vector<1x16xf32>,
      }
      %scan3A_42 = arith.constant 320 : i32
      %mul3A_43 = arith.constant 320 : i32
      %mul3A_44 = arith.muli %add3A_32, %mul3A_43 : i32
      %add3A_45 = arith.addi %mul3A_2, %mul3A_44 : i32
      %dma_start3A_46 = arith.constant 0 : i32
      %dma_start3A_47 = tpu.memref_slice %arg4[%add3A_45, %dma_start3A_46] : memref<819200x64xf32, #tpu.memory_space<hbm>> -> memref<320x64xf32, #tpu.memory_space<hbm>>
      %dma_start3A_48 = arith.constant 0 : i32
      %dma_start3A_49 = tpu.memref_slice %arg4[%add3A_45, %dma_start3A_48] : memref<819200x64xf32, #tpu.memory_space<hbm>> -> memref<320x64xf32, #tpu.memory_space<hbm>>
      tpu.enqueue_dma source(%arg6 : memref<320x64xf32, #tpu.memory_space<vmem>>) target(%dma_start3A_49 : memref<320x64xf32, #tpu.memory_space<hbm>>) target_semaphore(%arg14 : memref<!tpu.dma_semaphore, #tpu.memory_space<semaphore_mem>>)
      %add3A_50 = arith.constant 1 : i32
      %add3A_51 = arith.addi %add3A_30, %add3A_50 : i32
      %mul3A_52 = arith.constant 320 : i32
      %mul3A_53 = arith.muli %add3A_51, %mul3A_52 : i32
      %dma_wait3A_54 = tpu.memref_slice %arg5[%mul3A_53] : memref<25600xi32, #tpu.memory_space<vmem>> -> memref<320xi32, #tpu.memory_space<vmem>>
      %dma_wait3A_55 = arith.constant 0 : i32
      %dma_wait3A_56 = arith.constant 0 : i32
      %dma_wait3A_57 = tpu.memref_slice %arg3[%dma_wait3A_55, %dma_wait3A_56] : memref<1000000x64xf32, #tpu.memory_space<hbm>> -> memref<1000000x64xf32, #tpu.memory_space<hbm>>
      tpu.wait_indirect_dma semaphore(%arg11 : memref<!tpu.dma_semaphore, #tpu.memory_space<semaphore_mem>>) src(%dma_wait3A_57 : memref<1000000x64xf32, #tpu.memory_space<hbm>>) dst(%arg7 : memref<320x64xf32, #tpu.memory_space<vmem>>)
      %scan3A_58 = arith.constant 0 : i32
      %scan3A_59 = arith.constant 320 : i32
      %scan3A_60 = arith.addi %scan3A_58, %scan3A_59 : i32
      %scan3A_61 = arith.constant 8 : i32
      scf.for %scan3A_171 = %scan3A_58 to %scan3A_60 step %scan3A_61  : i32 {
        %mul3A_172 = arith.constant 1 : i32
        %mul3A_173 = arith.muli %scan3A_171, %mul3A_172 : i32
        %add3A_174 = arith.constant 0 : i32
        %add3A_175 = arith.addi %add3A_174, %mul3A_173 : i32
        %get3A = arith.index_cast %add3A_175 : i32 to index
        %get3A_176 = arith.constant 0 : index
        %get3A_177 = tpu.vector_load %arg7[%get3A, %get3A_176] {strides = array<i32>} : memref<320x64xf32, #tpu.memory_space<vmem>>, vector<1x16xf32>,
        %get3A_178 = vector.shape_cast %get3A_177 : vector<1x16xf32> to vector<16xf32>
        %mul3A_179 = arith.constant 8.000000e+00 : f32
        %mul3A_180 = vector.broadcast %mul3A_179 : f32 to vector<16xf32>
        %mul3A_181 = arith.mulf %get3A_178, %mul3A_180 : vector<16xf32>
        %swap3A = arith.index_cast %add3A_175 : i32 to index
        %swap3A_182 = arith.constant 0 : index
        %swap3A_183 = tpu.vector_load %arg7[%swap3A, %swap3A_182] {strides = array<i32>} : memref<320x64xf32, #tpu.memory_space<vmem>>, vector<1x16xf32>,
        %swap3A_184 = vector.shape_cast %swap3A_183 : vector<1x16xf32> to vector<16xf32>
        %swap3A_185 = vector.shape_cast %mul3A_181 : vector<16xf32> to vector<1x16xf32>
        tpu.vector_store %arg7[%swap3A, %swap3A_182], %swap3A_185 {strides = array<i32>} : memref<320x64xf32, #tpu.memory_space<vmem>>, vector<1x16xf32>,
        %get3A_186 = arith.index_cast %add3A_175 : i32 to index
        %get3A_187 = arith.constant 16 : index
        %get3A_188 = tpu.vector_load %arg7[%get3A_186, %get3A_187] {strides = array<i32>} : memref<320x64xf32, #tpu.memory_space<vmem>>, vector<1x16xf32>,
        %get3A_189 = vector.shape_cast %get3A_188 : vector<1x16xf32> to vector<16xf32>
        %mul3A_190 = arith.constant 8.000000e+00 : f32
        %mul3A_191 = vector.broadcast %mul3A_190 : f32 to vector<16xf32>
        %mul3A_192 = arith.mulf %get3A_189, %mul3A_191 : vector<16xf32>
        %swap3A_193 = arith.index_cast %add3A_175 : i32 to index
        %swap3A_194 = arith.constant 16 : index
        %swap3A_195 = tpu.vector_load %arg7[%swap3A_193, %swap3A_194] {strides = array<i32>} : memref<320x64xf32, #tpu.memory_space<vmem>>, vector<1x16xf32>,
        %swap3A_196 = vector.shape_cast %swap3A_195 : vector<1x16xf32> to vector<16xf32>
        %swap3A_197 = vector.shape_cast %mul3A_192 : vector<16xf32> to vector<1x16xf32>
        tpu.vector_store %arg7[%swap3A_193, %swap3A_194], %swap3A_197 {strides = array<i32>} : memref<320x64xf32, #tpu.memory_space<vmem>>, vector<1x16xf32>,
        %get3A_198 = arith.index_cast %add3A_175 : i32 to index
        %get3A_199 = arith.constant 32 : index
        %get3A_200 = tpu.vector_load %arg7[%get3A_198, %get3A_199] {strides = array<i32>} : memref<320x64xf32, #tpu.memory_space<vmem>>, vector<1x16xf32>,
        %get3A_201 = vector.shape_cast %get3A_200 : vector<1x16xf32> to vector<16xf32>
        %mul3A_202 = arith.constant 8.000000e+00 : f32
        %mul3A_203 = vector.broadcast %mul3A_202 : f32 to vector<16xf32>
        %mul3A_204 = arith.mulf %get3A_201, %mul3A_203 : vector<16xf32>
        %swap3A_205 = arith.index_cast %add3A_175 : i32 to index
        %swap3A_206 = arith.constant 32 : index
        %swap3A_207 = tpu.vector_load %arg7[%swap3A_205, %swap3A_206] {strides = array<i32>} : memref<320x64xf32, #tpu.memory_space<vmem>>, vector<1x16xf32>,
        %swap3A_208 = vector.shape_cast %swap3A_207 : vector<1x16xf32> to vector<16xf32>
        %swap3A_209 = vector.shape_cast %mul3A_204 : vector<16xf32> to vector<1x16xf32>
        tpu.vector_store %arg7[%swap3A_205, %swap3A_206], %swap3A_209 {strides = array<i32>} : memref<320x64xf32, #tpu.memory_space<vmem>>, vector<1x16xf32>,
        %get3A_210 = arith.index_cast %add3A_175 : i32 to index
        %get3A_211 = arith.constant 48 : index
        %get3A_212 = tpu.vector_load %arg7[%get3A_210, %get3A_211] {strides = array<i32>} : memref<320x64xf32, #tpu.memory_space<vmem>>, vector<1x16xf32>,
        %get3A_213 = vector.shape_cast %get3A_212 : vector<1x16xf32> to vector<16xf32>
        %mul3A_214 = arith.constant 8.000000e+00 : f32
        %mul3A_215 = vector.broadcast %mul3A_214 : f32 to vector<16xf32>
        %mul3A_216 = arith.mulf %get3A_213, %mul3A_215 : vector<16xf32>
        %swap3A_217 = arith.index_cast %add3A_175 : i32 to index
        %swap3A_218 = arith.constant 48 : index
        %swap3A_219 = tpu.vector_load %arg7[%swap3A_217, %swap3A_218] {strides = array<i32>} : memref<320x64xf32, #tpu.memory_space<vmem>>, vector<1x16xf32>,
        %swap3A_220 = vector.shape_cast %swap3A_219 : vector<1x16xf32> to vector<16xf32>
        %swap3A_221 = vector.shape_cast %mul3A_216 : vector<16xf32> to vector<1x16xf32>
        tpu.vector_store %arg7[%swap3A_217, %swap3A_218], %swap3A_221 {strides = array<i32>} : memref<320x64xf32, #tpu.memory_space<vmem>>, vector<1x16xf32>,
        %scan3A_222 = arith.constant 1 : i32
        %scan3A_223 = arith.addi %scan3A_171, %scan3A_222 : i32
        %mul3A_224 = arith.constant 1 : i32
        %mul3A_225 = arith.muli %scan3A_223, %mul3A_224 : i32
        %add3A_226 = arith.constant 0 : i32
        %add3A_227 = arith.addi %add3A_226, %mul3A_225 : i32
        %get3A_228 = arith.index_cast %add3A_227 : i32 to index
        %get3A_229 = arith.constant 0 : index
        %get3A_230 = tpu.vector_load %arg7[%get3A_228, %get3A_229] {strides = array<i32>} : memref<320x64xf32, #tpu.memory_space<vmem>>, vector<1x16xf32>,
        %get3A_231 = vector.shape_cast %get3A_230 : vector<1x16xf32> to vector<16xf32>
        %mul3A_232 = arith.constant 8.000000e+00 : f32
        %mul3A_233 = vector.broadcast %mul3A_232 : f32 to vector<16xf32>
        %mul3A_234 = arith.mulf %get3A_231, %mul3A_233 : vector<16xf32>
        %swap3A_235 = arith.index_cast %add3A_227 : i32 to index
        %swap3A_236 = arith.constant 0 : index
        %swap3A_237 = tpu.vector_load %arg7[%swap3A_235, %swap3A_236] {strides = array<i32>} : memref<320x64xf32, #tpu.memory_space<vmem>>, vector<1x16xf32>,
        %swap3A_238 = vector.shape_cast %swap3A_237 : vector<1x16xf32> to vector<16xf32>
        %swap3A_239 = vector.shape_cast %mul3A_234 : vector<16xf32> to vector<1x16xf32>
        tpu.vector_store %arg7[%swap3A_235, %swap3A_236], %swap3A_239 {strides = array<i32>} : memref<320x64xf32, #tpu.memory_space<vmem>>, vector<1x16xf32>,
        %get3A_240 = arith.index_cast %add3A_227 : i32 to index
        %get3A_241 = arith.constant 16 : index
        %get3A_242 = tpu.vector_load %arg7[%get3A_240, %get3A_241] {strides = array<i32>} : memref<320x64xf32, #tpu.memory_space<vmem>>, vector<1x16xf32>,
        %get3A_243 = vector.shape_cast %get3A_242 : vector<1x16xf32> to vector<16xf32>
        %mul3A_244 = arith.constant 8.000000e+00 : f32
        %mul3A_245 = vector.broadcast %mul3A_244 : f32 to vector<16xf32>
        %mul3A_246 = arith.mulf %get3A_243, %mul3A_245 : vector<16xf32>
        %swap3A_247 = arith.index_cast %add3A_227 : i32 to index
        %swap3A_248 = arith.constant 16 : index
        %swap3A_249 = tpu.vector_load %arg7[%swap3A_247, %swap3A_248] {strides = array<i32>} : memref<320x64xf32, #tpu.memory_space<vmem>>, vector<1x16xf32>,
        %swap3A_250 = vector.shape_cast %swap3A_249 : vector<1x16xf32> to vector<16xf32>
        %swap3A_251 = vector.shape_cast %mul3A_246 : vector<16xf32> to vector<1x16xf32>
        tpu.vector_store %arg7[%swap3A_247, %swap3A_248], %swap3A_251 {strides = array<i32>} : memref<320x64xf32, #tpu.memory_space<vmem>>, vector<1x16xf32>,
        %get3A_252 = arith.index_cast %add3A_227 : i32 to index
        %get3A_253 = arith.constant 32 : index
        %get3A_254 = tpu.vector_load %arg7[%get3A_252, %get3A_253] {strides = array<i32>} : memref<320x64xf32, #tpu.memory_space<vmem>>, vector<1x16xf32>,
        %get3A_255 = vector.shape_cast %get3A_254 : vector<1x16xf32> to vector<16xf32>
        %mul3A_256 = arith.constant 8.000000e+00 : f32
        %mul3A_257 = vector.broadcast %mul3A_256 : f32 to vector<16xf32>
        %mul3A_258 = arith.mulf %get3A_255, %mul3A_257 : vector<16xf32>
        %swap3A_259 = arith.index_cast %add3A_227 : i32 to index
        %swap3A_260 = arith.constant 32 : index
        %swap3A_261 = tpu.vector_load %arg7[%swap3A_259, %swap3A_260] {strides = array<i32>} : memref<320x64xf32, #tpu.memory_space<vmem>>, vector<1x16xf32>,
        %swap3A_262 = vector.shape_cast %swap3A_261 : vector<1x16xf32> to vector<16xf32>
        %swap3A_263 = vector.shape_cast %mul3A_258 : vector<16xf32> to vector<1x16xf32>
        tpu.vector_store %arg7[%swap3A_259, %swap3A_260], %swap3A_263 {strides = array<i32>} : memref<320x64xf32, #tpu.memory_space<vmem>>, vector<1x16xf32>,
        %get3A_264 = arith.index_cast %add3A_227 : i32 to index
        %get3A_265 = arith.constant 48 : index
        %get3A_266 = tpu.vector_load %arg7[%get3A_264, %get3A_265] {strides = array<i32>} : memref<320x64xf32, #tpu.memory_space<vmem>>, vector<1x16xf32>,
        %get3A_267 = vector.shape_cast %get3A_266 : vector<1x16xf32> to vector<16xf32>
        %mul3A_268 = arith.constant 8.000000e+00 : f32
        %mul3A_269 = vector.broadcast %mul3A_268 : f32 to vector<16xf32>
        %mul3A_270 = arith.mulf %get3A_267, %mul3A_269 : vector<16xf32>
        %swap3A_271 = arith.index_cast %add3A_227 : i32 to index
        %swap3A_272 = arith.constant 48 : index
        %swap3A_273 = tpu.vector_load %arg7[%swap3A_271, %swap3A_272] {strides = array<i32>} : memref<320x64xf32, #tpu.memory_space<vmem>>, vector<1x16xf32>,
        %swap3A_274 = vector.shape_cast %swap3A_273 : vector<1x16xf32> to vector<16xf32>
        %swap3A_275 = vector.shape_cast %mul3A_270 : vector<16xf32> to vector<1x16xf32>
        tpu.vector_store %arg7[%swap3A_271, %swap3A_272], %swap3A_275 {strides = array<i32>} : memref<320x64xf32, #tpu.memory_space<vmem>>, vector<1x16xf32>,
        %scan3A_276 = arith.constant 2 : i32
        %scan3A_277 = arith.addi %scan3A_171, %scan3A_276 : i32
        %mul3A_278 = arith.constant 1 : i32
        %mul3A_279 = arith.muli %scan3A_277, %mul3A_278 : i32
        %add3A_280 = arith.constant 0 : i32
        %add3A_281 = arith.addi %add3A_280, %mul3A_279 : i32
        %get3A_282 = arith.index_cast %add3A_281 : i32 to index
        %get3A_283 = arith.constant 0 : index
        %get3A_284 = tpu.vector_load %arg7[%get3A_282, %get3A_283] {strides = array<i32>} : memref<320x64xf32, #tpu.memory_space<vmem>>, vector<1x16xf32>,
        %get3A_285 = vector.shape_cast %get3A_284 : vector<1x16xf32> to vector<16xf32>
        %mul3A_286 = arith.constant 8.000000e+00 : f32
        %mul3A_287 = vector.broadcast %mul3A_286 : f32 to vector<16xf32>
        %mul3A_288 = arith.mulf %get3A_285, %mul3A_287 : vector<16xf32>
        %swap3A_289 = arith.index_cast %add3A_281 : i32 to index
        %swap3A_290 = arith.constant 0 : index
        %swap3A_291 = tpu.vector_load %arg7[%swap3A_289, %swap3A_290] {strides = array<i32>} : memref<320x64xf32, #tpu.memory_space<vmem>>, vector<1x16xf32>,
        %swap3A_292 = vector.shape_cast %swap3A_291 : vector<1x16xf32> to vector<16xf32>
        %swap3A_293 = vector.shape_cast %mul3A_288 : vector<16xf32> to vector<1x16xf32>
        tpu.vector_store %arg7[%swap3A_289, %swap3A_290], %swap3A_293 {strides = array<i32>} : memref<320x64xf32, #tpu.memory_space<vmem>>, vector<1x16xf32>,
        %get3A_294 = arith.index_cast %add3A_281 : i32 to index
        %get3A_295 = arith.constant 16 : index
        %get3A_296 = tpu.vector_load %arg7[%get3A_294, %get3A_295] {strides = array<i32>} : memref<320x64xf32, #tpu.memory_space<vmem>>, vector<1x16xf32>,
        %get3A_297 = vector.shape_cast %get3A_296 : vector<1x16xf32> to vector<16xf32>
        %mul3A_298 = arith.constant 8.000000e+00 : f32
        %mul3A_299 = vector.broadcast %mul3A_298 : f32 to vector<16xf32>
        %mul3A_300 = arith.mulf %get3A_297, %mul3A_299 : vector<16xf32>
        %swap3A_301 = arith.index_cast %add3A_281 : i32 to index
        %swap3A_302 = arith.constant 16 : index
        %swap3A_303 = tpu.vector_load %arg7[%swap3A_301, %swap3A_302] {strides = array<i32>} : memref<320x64xf32, #tpu.memory_space<vmem>>, vector<1x16xf32>,
        %swap3A_304 = vector.shape_cast %swap3A_303 : vector<1x16xf32> to vector<16xf32>
        %swap3A_305 = vector.shape_cast %mul3A_300 : vector<16xf32> to vector<1x16xf32>
        tpu.vector_store %arg7[%swap3A_301, %swap3A_302], %swap3A_305 {strides = array<i32>} : memref<320x64xf32, #tpu.memory_space<vmem>>, vector<1x16xf32>,
        %get3A_306 = arith.index_cast %add3A_281 : i32 to index
        %get3A_307 = arith.constant 32 : index
        %get3A_308 = tpu.vector_load %arg7[%get3A_306, %get3A_307] {strides = array<i32>} : memref<320x64xf32, #tpu.memory_space<vmem>>, vector<1x16xf32>,
        %get3A_309 = vector.shape_cast %get3A_308 : vector<1x16xf32> to vector<16xf32>
        %mul3A_310 = arith.constant 8.000000e+00 : f32
        %mul3A_311 = vector.broadcast %mul3A_310 : f32 to vector<16xf32>
        %mul3A_312 = arith.mulf %get3A_309, %mul3A_311 : vector<16xf32>
        %swap3A_313 = arith.index_cast %add3A_281 : i32 to index
        %swap3A_314 = arith.constant 32 : index
        %swap3A_315 = tpu.vector_load %arg7[%swap3A_313, %swap3A_314] {strides = array<i32>} : memref<320x64xf32, #tpu.memory_space<vmem>>, vector<1x16xf32>,
        %swap3A_316 = vector.shape_cast %swap3A_315 : vector<1x16xf32> to vector<16xf32>
        %swap3A_317 = vector.shape_cast %mul3A_312 : vector<16xf32> to vector<1x16xf32>
        tpu.vector_store %arg7[%swap3A_313, %swap3A_314], %swap3A_317 {strides = array<i32>} : memref<320x64xf32, #tpu.memory_space<vmem>>, vector<1x16xf32>,
        %get3A_318 = arith.index_cast %add3A_281 : i32 to index
        %get3A_319 = arith.constant 48 : index
        %get3A_320 = tpu.vector_load %arg7[%get3A_318, %get3A_319] {strides = array<i32>} : memref<320x64xf32, #tpu.memory_space<vmem>>, vector<1x16xf32>,
        %get3A_321 = vector.shape_cast %get3A_320 : vector<1x16xf32> to vector<16xf32>
        %mul3A_322 = arith.constant 8.000000e+00 : f32
        %mul3A_323 = vector.broadcast %mul3A_322 : f32 to vector<16xf32>
        %mul3A_324 = arith.mulf %get3A_321, %mul3A_323 : vector<16xf32>
        %swap3A_325 = arith.index_cast %add3A_281 : i32 to index
        %swap3A_326 = arith.constant 48 : index
        %swap3A_327 = tpu.vector_load %arg7[%swap3A_325, %swap3A_326] {strides = array<i32>} : memref<320x64xf32, #tpu.memory_space<vmem>>, vector<1x16xf32>,
        %swap3A_328 = vector.shape_cast %swap3A_327 : vector<1x16xf32> to vector<16xf32>
        %swap3A_329 = vector.shape_cast %mul3A_324 : vector<16xf32> to vector<1x16xf32>
        tpu.vector_store %arg7[%swap3A_325, %swap3A_326], %swap3A_329 {strides = array<i32>} : memref<320x64xf32, #tpu.memory_space<vmem>>, vector<1x16xf32>,
        %scan3A_330 = arith.constant 3 : i32
        %scan3A_331 = arith.addi %scan3A_171, %scan3A_330 : i32
        %mul3A_332 = arith.constant 1 : i32
        %mul3A_333 = arith.muli %scan3A_331, %mul3A_332 : i32
        %add3A_334 = arith.constant 0 : i32
        %add3A_335 = arith.addi %add3A_334, %mul3A_333 : i32
        %get3A_336 = arith.index_cast %add3A_335 : i32 to index
        %get3A_337 = arith.constant 0 : index
        %get3A_338 = tpu.vector_load %arg7[%get3A_336, %get3A_337] {strides = array<i32>} : memref<320x64xf32, #tpu.memory_space<vmem>>, vector<1x16xf32>,
        %get3A_339 = vector.shape_cast %get3A_338 : vector<1x16xf32> to vector<16xf32>
        %mul3A_340 = arith.constant 8.000000e+00 : f32
        %mul3A_341 = vector.broadcast %mul3A_340 : f32 to vector<16xf32>
        %mul3A_342 = arith.mulf %get3A_339, %mul3A_341 : vector<16xf32>
        %swap3A_343 = arith.index_cast %add3A_335 : i32 to index
        %swap3A_344 = arith.constant 0 : index
        %swap3A_345 = tpu.vector_load %arg7[%swap3A_343, %swap3A_344] {strides = array<i32>} : memref<320x64xf32, #tpu.memory_space<vmem>>, vector<1x16xf32>,
        %swap3A_346 = vector.shape_cast %swap3A_345 : vector<1x16xf32> to vector<16xf32>
        %swap3A_347 = vector.shape_cast %mul3A_342 : vector<16xf32> to vector<1x16xf32>
        tpu.vector_store %arg7[%swap3A_343, %swap3A_344], %swap3A_347 {strides = array<i32>} : memref<320x64xf32, #tpu.memory_space<vmem>>, vector<1x16xf32>,
        %get3A_348 = arith.index_cast %add3A_335 : i32 to index
        %get3A_349 = arith.constant 16 : index
        %get3A_350 = tpu.vector_load %arg7[%get3A_348, %get3A_349] {strides = array<i32>} : memref<320x64xf32, #tpu.memory_space<vmem>>, vector<1x16xf32>,
        %get3A_351 = vector.shape_cast %get3A_350 : vector<1x16xf32> to vector<16xf32>
        %mul3A_352 = arith.constant 8.000000e+00 : f32
        %mul3A_353 = vector.broadcast %mul3A_352 : f32 to vector<16xf32>
        %mul3A_354 = arith.mulf %get3A_351, %mul3A_353 : vector<16xf32>
        %swap3A_355 = arith.index_cast %add3A_335 : i32 to index
        %swap3A_356 = arith.constant 16 : index
        %swap3A_357 = tpu.vector_load %arg7[%swap3A_355, %swap3A_356] {strides = array<i32>} : memref<320x64xf32, #tpu.memory_space<vmem>>, vector<1x16xf32>,
        %swap3A_358 = vector.shape_cast %swap3A_357 : vector<1x16xf32> to vector<16xf32>
        %swap3A_359 = vector.shape_cast %mul3A_354 : vector<16xf32> to vector<1x16xf32>
        tpu.vector_store %arg7[%swap3A_355, %swap3A_356], %swap3A_359 {strides = array<i32>} : memref<320x64xf32, #tpu.memory_space<vmem>>, vector<1x16xf32>,
        %get3A_360 = arith.index_cast %add3A_335 : i32 to index
        %get3A_361 = arith.constant 32 : index
        %get3A_362 = tpu.vector_load %arg7[%get3A_360, %get3A_361] {strides = array<i32>} : memref<320x64xf32, #tpu.memory_space<vmem>>, vector<1x16xf32>,
        %get3A_363 = vector.shape_cast %get3A_362 : vector<1x16xf32> to vector<16xf32>
        %mul3A_364 = arith.constant 8.000000e+00 : f32
        %mul3A_365 = vector.broadcast %mul3A_364 : f32 to vector<16xf32>
        %mul3A_366 = arith.mulf %get3A_363, %mul3A_365 : vector<16xf32>
        %swap3A_367 = arith.index_cast %add3A_335 : i32 to index
        %swap3A_368 = arith.constant 32 : index
        %swap3A_369 = tpu.vector_load %arg7[%swap3A_367, %swap3A_368] {strides = array<i32>} : memref<320x64xf32, #tpu.memory_space<vmem>>, vector<1x16xf32>,
        %swap3A_370 = vector.shape_cast %swap3A_369 : vector<1x16xf32> to vector<16xf32>
        %swap3A_371 = vector.shape_cast %mul3A_366 : vector<16xf32> to vector<1x16xf32>
        tpu.vector_store %arg7[%swap3A_367, %swap3A_368], %swap3A_371 {strides = array<i32>} : memref<320x64xf32, #tpu.memory_space<vmem>>, vector<1x16xf32>,
        %get3A_372 = arith.index_cast %add3A_335 : i32 to index
        %get3A_373 = arith.constant 48 : index
        %get3A_374 = tpu.vector_load %arg7[%get3A_372, %get3A_373] {strides = array<i32>} : memref<320x64xf32, #tpu.memory_space<vmem>>, vector<1x16xf32>,
        %get3A_375 = vector.shape_cast %get3A_374 : vector<1x16xf32> to vector<16xf32>
        %mul3A_376 = arith.constant 8.000000e+00 : f32
        %mul3A_377 = vector.broadcast %mul3A_376 : f32 to vector<16xf32>
        %mul3A_378 = arith.mulf %get3A_375, %mul3A_377 : vector<16xf32>
        %swap3A_379 = arith.index_cast %add3A_335 : i32 to index
        %swap3A_380 = arith.constant 48 : index
        %swap3A_381 = tpu.vector_load %arg7[%swap3A_379, %swap3A_380] {strides = array<i32>} : memref<320x64xf32, #tpu.memory_space<vmem>>, vector<1x16xf32>,
        %swap3A_382 = vector.shape_cast %swap3A_381 : vector<1x16xf32> to vector<16xf32>
        %swap3A_383 = vector.shape_cast %mul3A_378 : vector<16xf32> to vector<1x16xf32>
        tpu.vector_store %arg7[%swap3A_379, %swap3A_380], %swap3A_383 {strides = array<i32>} : memref<320x64xf32, #tpu.memory_space<vmem>>, vector<1x16xf32>,
        %scan3A_384 = arith.constant 4 : i32
        %scan3A_385 = arith.addi %scan3A_171, %scan3A_384 : i32
        %mul3A_386 = arith.constant 1 : i32
        %mul3A_387 = arith.muli %scan3A_385, %mul3A_386 : i32
        %add3A_388 = arith.constant 0 : i32
        %add3A_389 = arith.addi %add3A_388, %mul3A_387 : i32
        %get3A_390 = arith.index_cast %add3A_389 : i32 to index
        %get3A_391 = arith.constant 0 : index
        %get3A_392 = tpu.vector_load %arg7[%get3A_390, %get3A_391] {strides = array<i32>} : memref<320x64xf32, #tpu.memory_space<vmem>>, vector<1x16xf32>,
        %get3A_393 = vector.shape_cast %get3A_392 : vector<1x16xf32> to vector<16xf32>
        %mul3A_394 = arith.constant 8.000000e+00 : f32
        %mul3A_395 = vector.broadcast %mul3A_394 : f32 to vector<16xf32>
        %mul3A_396 = arith.mulf %get3A_393, %mul3A_395 : vector<16xf32>
        %swap3A_397 = arith.index_cast %add3A_389 : i32 to index
        %swap3A_398 = arith.constant 0 : index
        %swap3A_399 = tpu.vector_load %arg7[%swap3A_397, %swap3A_398] {strides = array<i32>} : memref<320x64xf32, #tpu.memory_space<vmem>>, vector<1x16xf32>,
        %swap3A_400 = vector.shape_cast %swap3A_399 : vector<1x16xf32> to vector<16xf32>
        %swap3A_401 = vector.shape_cast %mul3A_396 : vector<16xf32> to vector<1x16xf32>
        tpu.vector_store %arg7[%swap3A_397, %swap3A_398], %swap3A_401 {strides = array<i32>} : memref<320x64xf32, #tpu.memory_space<vmem>>, vector<1x16xf32>,
        %get3A_402 = arith.index_cast %add3A_389 : i32 to index
        %get3A_403 = arith.constant 16 : index
        %get3A_404 = tpu.vector_load %arg7[%get3A_402, %get3A_403] {strides = array<i32>} : memref<320x64xf32, #tpu.memory_space<vmem>>, vector<1x16xf32>,
        %get3A_405 = vector.shape_cast %get3A_404 : vector<1x16xf32> to vector<16xf32>
        %mul3A_406 = arith.constant 8.000000e+00 : f32
        %mul3A_407 = vector.broadcast %mul3A_406 : f32 to vector<16xf32>
        %mul3A_408 = arith.mulf %get3A_405, %mul3A_407 : vector<16xf32>
        %swap3A_409 = arith.index_cast %add3A_389 : i32 to index
        %swap3A_410 = arith.constant 16 : index
        %swap3A_411 = tpu.vector_load %arg7[%swap3A_409, %swap3A_410] {strides = array<i32>} : memref<320x64xf32, #tpu.memory_space<vmem>>, vector<1x16xf32>,
        %swap3A_412 = vector.shape_cast %swap3A_411 : vector<1x16xf32> to vector<16xf32>
        %swap3A_413 = vector.shape_cast %mul3A_408 : vector<16xf32> to vector<1x16xf32>
        tpu.vector_store %arg7[%swap3A_409, %swap3A_410], %swap3A_413 {strides = array<i32>} : memref<320x64xf32, #tpu.memory_space<vmem>>, vector<1x16xf32>,
        %get3A_414 = arith.index_cast %add3A_389 : i32 to index
        %get3A_415 = arith.constant 32 : index
        %get3A_416 = tpu.vector_load %arg7[%get3A_414, %get3A_415] {strides = array<i32>} : memref<320x64xf32, #tpu.memory_space<vmem>>, vector<1x16xf32>,
        %get3A_417 = vector.shape_cast %get3A_416 : vector<1x16xf32> to vector<16xf32>
        %mul3A_418 = arith.constant 8.000000e+00 : f32
        %mul3A_419 = vector.broadcast %mul3A_418 : f32 to vector<16xf32>
        %mul3A_420 = arith.mulf %get3A_417, %mul3A_419 : vector<16xf32>
        %swap3A_421 = arith.index_cast %add3A_389 : i32 to index
        %swap3A_422 = arith.constant 32 : index
        %swap3A_423 = tpu.vector_load %arg7[%swap3A_421, %swap3A_422] {strides = array<i32>} : memref<320x64xf32, #tpu.memory_space<vmem>>, vector<1x16xf32>,
        %swap3A_424 = vector.shape_cast %swap3A_423 : vector<1x16xf32> to vector<16xf32>
        %swap3A_425 = vector.shape_cast %mul3A_420 : vector<16xf32> to vector<1x16xf32>
        tpu.vector_store %arg7[%swap3A_421, %swap3A_422], %swap3A_425 {strides = array<i32>} : memref<320x64xf32, #tpu.memory_space<vmem>>, vector<1x16xf32>,
        %get3A_426 = arith.index_cast %add3A_389 : i32 to index
        %get3A_427 = arith.constant 48 : index
        %get3A_428 = tpu.vector_load %arg7[%get3A_426, %get3A_427] {strides = array<i32>} : memref<320x64xf32, #tpu.memory_space<vmem>>, vector<1x16xf32>,
        %get3A_429 = vector.shape_cast %get3A_428 : vector<1x16xf32> to vector<16xf32>
        %mul3A_430 = arith.constant 8.000000e+00 : f32
        %mul3A_431 = vector.broadcast %mul3A_430 : f32 to vector<16xf32>
        %mul3A_432 = arith.mulf %get3A_429, %mul3A_431 : vector<16xf32>
        %swap3A_433 = arith.index_cast %add3A_389 : i32 to index
        %swap3A_434 = arith.constant 48 : index
        %swap3A_435 = tpu.vector_load %arg7[%swap3A_433, %swap3A_434] {strides = array<i32>} : memref<320x64xf32, #tpu.memory_space<vmem>>, vector<1x16xf32>,
        %swap3A_436 = vector.shape_cast %swap3A_435 : vector<1x16xf32> to vector<16xf32>
        %swap3A_437 = vector.shape_cast %mul3A_432 : vector<16xf32> to vector<1x16xf32>
        tpu.vector_store %arg7[%swap3A_433, %swap3A_434], %swap3A_437 {strides = array<i32>} : memref<320x64xf32, #tpu.memory_space<vmem>>, vector<1x16xf32>,
        %scan3A_438 = arith.constant 5 : i32
        %scan3A_439 = arith.addi %scan3A_171, %scan3A_438 : i32
        %mul3A_440 = arith.constant 1 : i32
        %mul3A_441 = arith.muli %scan3A_439, %mul3A_440 : i32
        %add3A_442 = arith.constant 0 : i32
        %add3A_443 = arith.addi %add3A_442, %mul3A_441 : i32
        %get3A_444 = arith.index_cast %add3A_443 : i32 to index
        %get3A_445 = arith.constant 0 : index
        %get3A_446 = tpu.vector_load %arg7[%get3A_444, %get3A_445] {strides = array<i32>} : memref<320x64xf32, #tpu.memory_space<vmem>>, vector<1x16xf32>,
        %get3A_447 = vector.shape_cast %get3A_446 : vector<1x16xf32> to vector<16xf32>
        %mul3A_448 = arith.constant 8.000000e+00 : f32
        %mul3A_449 = vector.broadcast %mul3A_448 : f32 to vector<16xf32>
        %mul3A_450 = arith.mulf %get3A_447, %mul3A_449 : vector<16xf32>
        %swap3A_451 = arith.index_cast %add3A_443 : i32 to index
        %swap3A_452 = arith.constant 0 : index
        %swap3A_453 = tpu.vector_load %arg7[%swap3A_451, %swap3A_452] {strides = array<i32>} : memref<320x64xf32, #tpu.memory_space<vmem>>, vector<1x16xf32>,
        %swap3A_454 = vector.shape_cast %swap3A_453 : vector<1x16xf32> to vector<16xf32>
        %swap3A_455 = vector.shape_cast %mul3A_450 : vector<16xf32> to vector<1x16xf32>
        tpu.vector_store %arg7[%swap3A_451, %swap3A_452], %swap3A_455 {strides = array<i32>} : memref<320x64xf32, #tpu.memory_space<vmem>>, vector<1x16xf32>,
        %get3A_456 = arith.index_cast %add3A_443 : i32 to index
        %get3A_457 = arith.constant 16 : index
        %get3A_458 = tpu.vector_load %arg7[%get3A_456, %get3A_457] {strides = array<i32>} : memref<320x64xf32, #tpu.memory_space<vmem>>, vector<1x16xf32>,
        %get3A_459 = vector.shape_cast %get3A_458 : vector<1x16xf32> to vector<16xf32>
        %mul3A_460 = arith.constant 8.000000e+00 : f32
        %mul3A_461 = vector.broadcast %mul3A_460 : f32 to vector<16xf32>
        %mul3A_462 = arith.mulf %get3A_459, %mul3A_461 : vector<16xf32>
        %swap3A_463 = arith.index_cast %add3A_443 : i32 to index
        %swap3A_464 = arith.constant 16 : index
        %swap3A_465 = tpu.vector_load %arg7[%swap3A_463, %swap3A_464] {strides = array<i32>} : memref<320x64xf32, #tpu.memory_space<vmem>>, vector<1x16xf32>,
        %swap3A_466 = vector.shape_cast %swap3A_465 : vector<1x16xf32> to vector<16xf32>
        %swap3A_467 = vector.shape_cast %mul3A_462 : vector<16xf32> to vector<1x16xf32>
        tpu.vector_store %arg7[%swap3A_463, %swap3A_464], %swap3A_467 {strides = array<i32>} : memref<320x64xf32, #tpu.memory_space<vmem>>, vector<1x16xf32>,
        %get3A_468 = arith.index_cast %add3A_443 : i32 to index
        %get3A_469 = arith.constant 32 : index
        %get3A_470 = tpu.vector_load %arg7[%get3A_468, %get3A_469] {strides = array<i32>} : memref<320x64xf32, #tpu.memory_space<vmem>>, vector<1x16xf32>,
        %get3A_471 = vector.shape_cast %get3A_470 : vector<1x16xf32> to vector<16xf32>
        %mul3A_472 = arith.constant 8.000000e+00 : f32
        %mul3A_473 = vector.broadcast %mul3A_472 : f32 to vector<16xf32>
        %mul3A_474 = arith.mulf %get3A_471, %mul3A_473 : vector<16xf32>
        %swap3A_475 = arith.index_cast %add3A_443 : i32 to index
        %swap3A_476 = arith.constant 32 : index
        %swap3A_477 = tpu.vector_load %arg7[%swap3A_475, %swap3A_476] {strides = array<i32>} : memref<320x64xf32, #tpu.memory_space<vmem>>, vector<1x16xf32>,
        %swap3A_478 = vector.shape_cast %swap3A_477 : vector<1x16xf32> to vector<16xf32>
        %swap3A_479 = vector.shape_cast %mul3A_474 : vector<16xf32> to vector<1x16xf32>
        tpu.vector_store %arg7[%swap3A_475, %swap3A_476], %swap3A_479 {strides = array<i32>} : memref<320x64xf32, #tpu.memory_space<vmem>>, vector<1x16xf32>,
        %get3A_480 = arith.index_cast %add3A_443 : i32 to index
        %get3A_481 = arith.constant 48 : index
        %get3A_482 = tpu.vector_load %arg7[%get3A_480, %get3A_481] {strides = array<i32>} : memref<320x64xf32, #tpu.memory_space<vmem>>, vector<1x16xf32>,
        %get3A_483 = vector.shape_cast %get3A_482 : vector<1x16xf32> to vector<16xf32>
        %mul3A_484 = arith.constant 8.000000e+00 : f32
        %mul3A_485 = vector.broadcast %mul3A_484 : f32 to vector<16xf32>
        %mul3A_486 = arith.mulf %get3A_483, %mul3A_485 : vector<16xf32>
        %swap3A_487 = arith.index_cast %add3A_443 : i32 to index
        %swap3A_488 = arith.constant 48 : index
        %swap3A_489 = tpu.vector_load %arg7[%swap3A_487, %swap3A_488] {strides = array<i32>} : memref<320x64xf32, #tpu.memory_space<vmem>>, vector<1x16xf32>,
        %swap3A_490 = vector.shape_cast %swap3A_489 : vector<1x16xf32> to vector<16xf32>
        %swap3A_491 = vector.shape_cast %mul3A_486 : vector<16xf32> to vector<1x16xf32>
        tpu.vector_store %arg7[%swap3A_487, %swap3A_488], %swap3A_491 {strides = array<i32>} : memref<320x64xf32, #tpu.memory_space<vmem>>, vector<1x16xf32>,
        %scan3A_492 = arith.constant 6 : i32
        %scan3A_493 = arith.addi %scan3A_171, %scan3A_492 : i32
        %mul3A_494 = arith.constant 1 : i32
        %mul3A_495 = arith.muli %scan3A_493, %mul3A_494 : i32
        %add3A_496 = arith.constant 0 : i32
        %add3A_497 = arith.addi %add3A_496, %mul3A_495 : i32
        %get3A_498 = arith.index_cast %add3A_497 : i32 to index
        %get3A_499 = arith.constant 0 : index
        %get3A_500 = tpu.vector_load %arg7[%get3A_498, %get3A_499] {strides = array<i32>} : memref<320x64xf32, #tpu.memory_space<vmem>>, vector<1x16xf32>,
        %get3A_501 = vector.shape_cast %get3A_500 : vector<1x16xf32> to vector<16xf32>
        %mul3A_502 = arith.constant 8.000000e+00 : f32
        %mul3A_503 = vector.broadcast %mul3A_502 : f32 to vector<16xf32>
        %mul3A_504 = arith.mulf %get3A_501, %mul3A_503 : vector<16xf32>
        %swap3A_505 = arith.index_cast %add3A_497 : i32 to index
        %swap3A_506 = arith.constant 0 : index
        %swap3A_507 = tpu.vector_load %arg7[%swap3A_505, %swap3A_506] {strides = array<i32>} : memref<320x64xf32, #tpu.memory_space<vmem>>, vector<1x16xf32>,
        %swap3A_508 = vector.shape_cast %swap3A_507 : vector<1x16xf32> to vector<16xf32>
        %swap3A_509 = vector.shape_cast %mul3A_504 : vector<16xf32> to vector<1x16xf32>
        tpu.vector_store %arg7[%swap3A_505, %swap3A_506], %swap3A_509 {strides = array<i32>} : memref<320x64xf32, #tpu.memory_space<vmem>>, vector<1x16xf32>,
        %get3A_510 = arith.index_cast %add3A_497 : i32 to index
        %get3A_511 = arith.constant 16 : index
        %get3A_512 = tpu.vector_load %arg7[%get3A_510, %get3A_511] {strides = array<i32>} : memref<320x64xf32, #tpu.memory_space<vmem>>, vector<1x16xf32>,
        %get3A_513 = vector.shape_cast %get3A_512 : vector<1x16xf32> to vector<16xf32>
        %mul3A_514 = arith.constant 8.000000e+00 : f32
        %mul3A_515 = vector.broadcast %mul3A_514 : f32 to vector<16xf32>
        %mul3A_516 = arith.mulf %get3A_513, %mul3A_515 : vector<16xf32>
        %swap3A_517 = arith.index_cast %add3A_497 : i32 to index
        %swap3A_518 = arith.constant 16 : index
        %swap3A_519 = tpu.vector_load %arg7[%swap3A_517, %swap3A_518] {strides = array<i32>} : memref<320x64xf32, #tpu.memory_space<vmem>>, vector<1x16xf32>,
        %swap3A_520 = vector.shape_cast %swap3A_519 : vector<1x16xf32> to vector<16xf32>
        %swap3A_521 = vector.shape_cast %mul3A_516 : vector<16xf32> to vector<1x16xf32>
        tpu.vector_store %arg7[%swap3A_517, %swap3A_518], %swap3A_521 {strides = array<i32>} : memref<320x64xf32, #tpu.memory_space<vmem>>, vector<1x16xf32>,
        %get3A_522 = arith.index_cast %add3A_497 : i32 to index
        %get3A_523 = arith.constant 32 : index
        %get3A_524 = tpu.vector_load %arg7[%get3A_522, %get3A_523] {strides = array<i32>} : memref<320x64xf32, #tpu.memory_space<vmem>>, vector<1x16xf32>,
        %get3A_525 = vector.shape_cast %get3A_524 : vector<1x16xf32> to vector<16xf32>
        %mul3A_526 = arith.constant 8.000000e+00 : f32
        %mul3A_527 = vector.broadcast %mul3A_526 : f32 to vector<16xf32>
        %mul3A_528 = arith.mulf %get3A_525, %mul3A_527 : vector<16xf32>
        %swap3A_529 = arith.index_cast %add3A_497 : i32 to index
        %swap3A_530 = arith.constant 32 : index
        %swap3A_531 = tpu.vector_load %arg7[%swap3A_529, %swap3A_530] {strides = array<i32>} : memref<320x64xf32, #tpu.memory_space<vmem>>, vector<1x16xf32>,
        %swap3A_532 = vector.shape_cast %swap3A_531 : vector<1x16xf32> to vector<16xf32>
        %swap3A_533 = vector.shape_cast %mul3A_528 : vector<16xf32> to vector<1x16xf32>
        tpu.vector_store %arg7[%swap3A_529, %swap3A_530], %swap3A_533 {strides = array<i32>} : memref<320x64xf32, #tpu.memory_space<vmem>>, vector<1x16xf32>,
        %get3A_534 = arith.index_cast %add3A_497 : i32 to index
        %get3A_535 = arith.constant 48 : index
        %get3A_536 = tpu.vector_load %arg7[%get3A_534, %get3A_535] {strides = array<i32>} : memref<320x64xf32, #tpu.memory_space<vmem>>, vector<1x16xf32>,
        %get3A_537 = vector.shape_cast %get3A_536 : vector<1x16xf32> to vector<16xf32>
        %mul3A_538 = arith.constant 8.000000e+00 : f32
        %mul3A_539 = vector.broadcast %mul3A_538 : f32 to vector<16xf32>
        %mul3A_540 = arith.mulf %get3A_537, %mul3A_539 : vector<16xf32>
        %swap3A_541 = arith.index_cast %add3A_497 : i32 to index
        %swap3A_542 = arith.constant 48 : index
        %swap3A_543 = tpu.vector_load %arg7[%swap3A_541, %swap3A_542] {strides = array<i32>} : memref<320x64xf32, #tpu.memory_space<vmem>>, vector<1x16xf32>,
        %swap3A_544 = vector.shape_cast %swap3A_543 : vector<1x16xf32> to vector<16xf32>
        %swap3A_545 = vector.shape_cast %mul3A_540 : vector<16xf32> to vector<1x16xf32>
        tpu.vector_store %arg7[%swap3A_541, %swap3A_542], %swap3A_545 {strides = array<i32>} : memref<320x64xf32, #tpu.memory_space<vmem>>, vector<1x16xf32>,
        %scan3A_546 = arith.constant 7 : i32
        %scan3A_547 = arith.addi %scan3A_171, %scan3A_546 : i32
        %mul3A_548 = arith.constant 1 : i32
        %mul3A_549 = arith.muli %scan3A_547, %mul3A_548 : i32
        %add3A_550 = arith.constant 0 : i32
        %add3A_551 = arith.addi %add3A_550, %mul3A_549 : i32
        %get3A_552 = arith.index_cast %add3A_551 : i32 to index
        %get3A_553 = arith.constant 0 : index
        %get3A_554 = tpu.vector_load %arg7[%get3A_552, %get3A_553] {strides = array<i32>} : memref<320x64xf32, #tpu.memory_space<vmem>>, vector<1x16xf32>,
        %get3A_555 = vector.shape_cast %get3A_554 : vector<1x16xf32> to vector<16xf32>
        %mul3A_556 = arith.constant 8.000000e+00 : f32
        %mul3A_557 = vector.broadcast %mul3A_556 : f32 to vector<16xf32>
        %mul3A_558 = arith.mulf %get3A_555, %mul3A_557 : vector<16xf32>
        %swap3A_559 = arith.index_cast %add3A_551 : i32 to index
        %swap3A_560 = arith.constant 0 : index
        %swap3A_561 = tpu.vector_load %arg7[%swap3A_559, %swap3A_560] {strides = array<i32>} : memref<320x64xf32, #tpu.memory_space<vmem>>, vector<1x16xf32>,
        %swap3A_562 = vector.shape_cast %swap3A_561 : vector<1x16xf32> to vector<16xf32>
        %swap3A_563 = vector.shape_cast %mul3A_558 : vector<16xf32> to vector<1x16xf32>
        tpu.vector_store %arg7[%swap3A_559, %swap3A_560], %swap3A_563 {strides = array<i32>} : memref<320x64xf32, #tpu.memory_space<vmem>>, vector<1x16xf32>,
        %get3A_564 = arith.index_cast %add3A_551 : i32 to index
        %get3A_565 = arith.constant 16 : index
        %get3A_566 = tpu.vector_load %arg7[%get3A_564, %get3A_565] {strides = array<i32>} : memref<320x64xf32, #tpu.memory_space<vmem>>, vector<1x16xf32>,
        %get3A_567 = vector.shape_cast %get3A_566 : vector<1x16xf32> to vector<16xf32>
        %mul3A_568 = arith.constant 8.000000e+00 : f32
        %mul3A_569 = vector.broadcast %mul3A_568 : f32 to vector<16xf32>
        %mul3A_570 = arith.mulf %get3A_567, %mul3A_569 : vector<16xf32>
        %swap3A_571 = arith.index_cast %add3A_551 : i32 to index
        %swap3A_572 = arith.constant 16 : index
        %swap3A_573 = tpu.vector_load %arg7[%swap3A_571, %swap3A_572] {strides = array<i32>} : memref<320x64xf32, #tpu.memory_space<vmem>>, vector<1x16xf32>,
        %swap3A_574 = vector.shape_cast %swap3A_573 : vector<1x16xf32> to vector<16xf32>
        %swap3A_575 = vector.shape_cast %mul3A_570 : vector<16xf32> to vector<1x16xf32>
        tpu.vector_store %arg7[%swap3A_571, %swap3A_572], %swap3A_575 {strides = array<i32>} : memref<320x64xf32, #tpu.memory_space<vmem>>, vector<1x16xf32>,
        %get3A_576 = arith.index_cast %add3A_551 : i32 to index
        %get3A_577 = arith.constant 32 : index
        %get3A_578 = tpu.vector_load %arg7[%get3A_576, %get3A_577] {strides = array<i32>} : memref<320x64xf32, #tpu.memory_space<vmem>>, vector<1x16xf32>,
        %get3A_579 = vector.shape_cast %get3A_578 : vector<1x16xf32> to vector<16xf32>
        %mul3A_580 = arith.constant 8.000000e+00 : f32
        %mul3A_581 = vector.broadcast %mul3A_580 : f32 to vector<16xf32>
        %mul3A_582 = arith.mulf %get3A_579, %mul3A_581 : vector<16xf32>
        %swap3A_583 = arith.index_cast %add3A_551 : i32 to index
        %swap3A_584 = arith.constant 32 : index
        %swap3A_585 = tpu.vector_load %arg7[%swap3A_583, %swap3A_584] {strides = array<i32>} : memref<320x64xf32, #tpu.memory_space<vmem>>, vector<1x16xf32>,
        %swap3A_586 = vector.shape_cast %swap3A_585 : vector<1x16xf32> to vector<16xf32>
        %swap3A_587 = vector.shape_cast %mul3A_582 : vector<16xf32> to vector<1x16xf32>
        tpu.vector_store %arg7[%swap3A_583, %swap3A_584], %swap3A_587 {strides = array<i32>} : memref<320x64xf32, #tpu.memory_space<vmem>>, vector<1x16xf32>,
        %get3A_588 = arith.index_cast %add3A_551 : i32 to index
        %get3A_589 = arith.constant 48 : index
        %get3A_590 = tpu.vector_load %arg7[%get3A_588, %get3A_589] {strides = array<i32>} : memref<320x64xf32, #tpu.memory_space<vmem>>, vector<1x16xf32>,
        %get3A_591 = vector.shape_cast %get3A_590 : vector<1x16xf32> to vector<16xf32>
        %mul3A_592 = arith.constant 8.000000e+00 : f32
        %mul3A_593 = vector.broadcast %mul3A_592 : f32 to vector<16xf32>
        %mul3A_594 = arith.mulf %get3A_591, %mul3A_593 : vector<16xf32>
        %swap3A_595 = arith.index_cast %add3A_551 : i32 to index
        %swap3A_596 = arith.constant 48 : index
        %swap3A_597 = tpu.vector_load %arg7[%swap3A_595, %swap3A_596] {strides = array<i32>} : memref<320x64xf32, #tpu.memory_space<vmem>>, vector<1x16xf32>,
        %swap3A_598 = vector.shape_cast %swap3A_597 : vector<1x16xf32> to vector<16xf32>
        %swap3A_599 = vector.shape_cast %mul3A_594 : vector<16xf32> to vector<1x16xf32>
        tpu.vector_store %arg7[%swap3A_595, %swap3A_596], %swap3A_599 {strides = array<i32>} : memref<320x64xf32, #tpu.memory_space<vmem>>, vector<1x16xf32>,
      }
      %scan3A_62 = arith.constant 320 : i32
      %mul3A_63 = arith.constant 320 : i32
      %mul3A_64 = arith.muli %add3A_51, %mul3A_63 : i32
      %add3A_65 = arith.addi %mul3A_2, %mul3A_64 : i32
      %dma_start3A_66 = arith.constant 0 : i32
      %dma_start3A_67 = tpu.memref_slice %arg4[%add3A_65, %dma_start3A_66] : memref<819200x64xf32, #tpu.memory_space<hbm>> -> memref<320x64xf32, #tpu.memory_space<hbm>>
      %dma_start3A_68 = arith.constant 0 : i32
      %dma_start3A_69 = tpu.memref_slice %arg4[%add3A_65, %dma_start3A_68] : memref<819200x64xf32, #tpu.memory_space<hbm>> -> memref<320x64xf32, #tpu.memory_space<hbm>>
      tpu.enqueue_dma source(%arg7 : memref<320x64xf32, #tpu.memory_space<vmem>>) target(%dma_start3A_69 : memref<320x64xf32, #tpu.memory_space<hbm>>) target_semaphore(%arg15 : memref<!tpu.dma_semaphore, #tpu.memory_space<semaphore_mem>>)
      %add3A_70 = arith.constant 2 : i32
      %add3A_71 = arith.addi %add3A_30, %add3A_70 : i32
      %mul3A_72 = arith.constant 320 : i32
      %mul3A_73 = arith.muli %add3A_71, %mul3A_72 : i32
      %dma_wait3A_74 = tpu.memref_slice %arg5[%mul3A_73] : memref<25600xi32, #tpu.memory_space<vmem>> -> memref<320xi32, #tpu.memory_space<vmem>>
      %dma_wait3A_75 = arith.constant 0 : i32
      %dma_wait3A_76 = arith.constant 0 : i32
      %dma_wait3A_77 = tpu.memref_slice %arg3[%dma_wait3A_75, %dma_wait3A_76] : memref<1000000x64xf32, #tpu.memory_space<hbm>> -> memref<1000000x64xf32, #tpu.memory_space<hbm>>
      tpu.wait_indirect_dma semaphore(%arg12 : memref<!tpu.dma_semaphore, #tpu.memory_space<semaphore_mem>>) src(%dma_wait3A_77 : memref<1000000x64xf32, #tpu.memory_space<hbm>>) dst(%arg8 : memref<320x64xf32, #tpu.memory_space<vmem>>)
      %scan3A_78 = arith.constant 0 : i32
      %scan3A_79 = arith.constant 320 : i32
      %scan3A_80 = arith.addi %scan3A_78, %scan3A_79 : i32
      %scan3A_81 = arith.constant 8 : i32
      scf.for %scan3A_171 = %scan3A_78 to %scan3A_80 step %scan3A_81  : i32 {
        %mul3A_172 = arith.constant 1 : i32
        %mul3A_173 = arith.muli %scan3A_171, %mul3A_172 : i32
        %add3A_174 = arith.constant 0 : i32
        %add3A_175 = arith.addi %add3A_174, %mul3A_173 : i32
        %get3A = arith.index_cast %add3A_175 : i32 to index
        %get3A_176 = arith.constant 0 : index
        %get3A_177 = tpu.vector_load %arg8[%get3A, %get3A_176] {strides = array<i32>} : memref<320x64xf32, #tpu.memory_space<vmem>>, vector<1x16xf32>,
        %get3A_178 = vector.shape_cast %get3A_177 : vector<1x16xf32> to vector<16xf32>
        %mul3A_179 = arith.constant 8.000000e+00 : f32
        %mul3A_180 = vector.broadcast %mul3A_179 : f32 to vector<16xf32>
        %mul3A_181 = arith.mulf %get3A_178, %mul3A_180 : vector<16xf32>
        %swap3A = arith.index_cast %add3A_175 : i32 to index
        %swap3A_182 = arith.constant 0 : index
        %swap3A_183 = tpu.vector_load %arg8[%swap3A, %swap3A_182] {strides = array<i32>} : memref<320x64xf32, #tpu.memory_space<vmem>>, vector<1x16xf32>,
        %swap3A_184 = vector.shape_cast %swap3A_183 : vector<1x16xf32> to vector<16xf32>
        %swap3A_185 = vector.shape_cast %mul3A_181 : vector<16xf32> to vector<1x16xf32>
        tpu.vector_store %arg8[%swap3A, %swap3A_182], %swap3A_185 {strides = array<i32>} : memref<320x64xf32, #tpu.memory_space<vmem>>, vector<1x16xf32>,
        %get3A_186 = arith.index_cast %add3A_175 : i32 to index
        %get3A_187 = arith.constant 16 : index
        %get3A_188 = tpu.vector_load %arg8[%get3A_186, %get3A_187] {strides = array<i32>} : memref<320x64xf32, #tpu.memory_space<vmem>>, vector<1x16xf32>,
        %get3A_189 = vector.shape_cast %get3A_188 : vector<1x16xf32> to vector<16xf32>
        %mul3A_190 = arith.constant 8.000000e+00 : f32
        %mul3A_191 = vector.broadcast %mul3A_190 : f32 to vector<16xf32>
        %mul3A_192 = arith.mulf %get3A_189, %mul3A_191 : vector<16xf32>
        %swap3A_193 = arith.index_cast %add3A_175 : i32 to index
        %swap3A_194 = arith.constant 16 : index
        %swap3A_195 = tpu.vector_load %arg8[%swap3A_193, %swap3A_194] {strides = array<i32>} : memref<320x64xf32, #tpu.memory_space<vmem>>, vector<1x16xf32>,
        %swap3A_196 = vector.shape_cast %swap3A_195 : vector<1x16xf32> to vector<16xf32>
        %swap3A_197 = vector.shape_cast %mul3A_192 : vector<16xf32> to vector<1x16xf32>
        tpu.vector_store %arg8[%swap3A_193, %swap3A_194], %swap3A_197 {strides = array<i32>} : memref<320x64xf32, #tpu.memory_space<vmem>>, vector<1x16xf32>,
        %get3A_198 = arith.index_cast %add3A_175 : i32 to index
        %get3A_199 = arith.constant 32 : index
        %get3A_200 = tpu.vector_load %arg8[%get3A_198, %get3A_199] {strides = array<i32>} : memref<320x64xf32, #tpu.memory_space<vmem>>, vector<1x16xf32>,
        %get3A_201 = vector.shape_cast %get3A_200 : vector<1x16xf32> to vector<16xf32>
        %mul3A_202 = arith.constant 8.000000e+00 : f32
        %mul3A_203 = vector.broadcast %mul3A_202 : f32 to vector<16xf32>
        %mul3A_204 = arith.mulf %get3A_201, %mul3A_203 : vector<16xf32>
        %swap3A_205 = arith.index_cast %add3A_175 : i32 to index
        %swap3A_206 = arith.constant 32 : index
        %swap3A_207 = tpu.vector_load %arg8[%swap3A_205, %swap3A_206] {strides = array<i32>} : memref<320x64xf32, #tpu.memory_space<vmem>>, vector<1x16xf32>,
        %swap3A_208 = vector.shape_cast %swap3A_207 : vector<1x16xf32> to vector<16xf32>
        %swap3A_209 = vector.shape_cast %mul3A_204 : vector<16xf32> to vector<1x16xf32>
        tpu.vector_store %arg8[%swap3A_205, %swap3A_206], %swap3A_209 {strides = array<i32>} : memref<320x64xf32, #tpu.memory_space<vmem>>, vector<1x16xf32>,
        %get3A_210 = arith.index_cast %add3A_175 : i32 to index
        %get3A_211 = arith.constant 48 : index
        %get3A_212 = tpu.vector_load %arg8[%get3A_210, %get3A_211] {strides = array<i32>} : memref<320x64xf32, #tpu.memory_space<vmem>>, vector<1x16xf32>,
        %get3A_213 = vector.shape_cast %get3A_212 : vector<1x16xf32> to vector<16xf32>
        %mul3A_214 = arith.constant 8.000000e+00 : f32
        %mul3A_215 = vector.broadcast %mul3A_214 : f32 to vector<16xf32>
        %mul3A_216 = arith.mulf %get3A_213, %mul3A_215 : vector<16xf32>
        %swap3A_217 = arith.index_cast %add3A_175 : i32 to index
        %swap3A_218 = arith.constant 48 : index
        %swap3A_219 = tpu.vector_load %arg8[%swap3A_217, %swap3A_218] {strides = array<i32>} : memref<320x64xf32, #tpu.memory_space<vmem>>, vector<1x16xf32>,
        %swap3A_220 = vector.shape_cast %swap3A_219 : vector<1x16xf32> to vector<16xf32>
        %swap3A_221 = vector.shape_cast %mul3A_216 : vector<16xf32> to vector<1x16xf32>
        tpu.vector_store %arg8[%swap3A_217, %swap3A_218], %swap3A_221 {strides = array<i32>} : memref<320x64xf32, #tpu.memory_space<vmem>>, vector<1x16xf32>,
        %scan3A_222 = arith.constant 1 : i32
        %scan3A_223 = arith.addi %scan3A_171, %scan3A_222 : i32
        %mul3A_224 = arith.constant 1 : i32
        %mul3A_225 = arith.muli %scan3A_223, %mul3A_224 : i32
        %add3A_226 = arith.constant 0 : i32
        %add3A_227 = arith.addi %add3A_226, %mul3A_225 : i32
        %get3A_228 = arith.index_cast %add3A_227 : i32 to index
        %get3A_229 = arith.constant 0 : index
        %get3A_230 = tpu.vector_load %arg8[%get3A_228, %get3A_229] {strides = array<i32>} : memref<320x64xf32, #tpu.memory_space<vmem>>, vector<1x16xf32>,
        %get3A_231 = vector.shape_cast %get3A_230 : vector<1x16xf32> to vector<16xf32>
        %mul3A_232 = arith.constant 8.000000e+00 : f32
        %mul3A_233 = vector.broadcast %mul3A_232 : f32 to vector<16xf32>
        %mul3A_234 = arith.mulf %get3A_231, %mul3A_233 : vector<16xf32>
        %swap3A_235 = arith.index_cast %add3A_227 : i32 to index
        %swap3A_236 = arith.constant 0 : index
        %swap3A_237 = tpu.vector_load %arg8[%swap3A_235, %swap3A_236] {strides = array<i32>} : memref<320x64xf32, #tpu.memory_space<vmem>>, vector<1x16xf32>,
        %swap3A_238 = vector.shape_cast %swap3A_237 : vector<1x16xf32> to vector<16xf32>
        %swap3A_239 = vector.shape_cast %mul3A_234 : vector<16xf32> to vector<1x16xf32>
        tpu.vector_store %arg8[%swap3A_235, %swap3A_236], %swap3A_239 {strides = array<i32>} : memref<320x64xf32, #tpu.memory_space<vmem>>, vector<1x16xf32>,
        %get3A_240 = arith.index_cast %add3A_227 : i32 to index
        %get3A_241 = arith.constant 16 : index
        %get3A_242 = tpu.vector_load %arg8[%get3A_240, %get3A_241] {strides = array<i32>} : memref<320x64xf32, #tpu.memory_space<vmem>>, vector<1x16xf32>,
        %get3A_243 = vector.shape_cast %get3A_242 : vector<1x16xf32> to vector<16xf32>
        %mul3A_244 = arith.constant 8.000000e+00 : f32
        %mul3A_245 = vector.broadcast %mul3A_244 : f32 to vector<16xf32>
        %mul3A_246 = arith.mulf %get3A_243, %mul3A_245 : vector<16xf32>
        %swap3A_247 = arith.index_cast %add3A_227 : i32 to index
        %swap3A_248 = arith.constant 16 : index
        %swap3A_249 = tpu.vector_load %arg8[%swap3A_247, %swap3A_248] {strides = array<i32>} : memref<320x64xf32, #tpu.memory_space<vmem>>, vector<1x16xf32>,
        %swap3A_250 = vector.shape_cast %swap3A_249 : vector<1x16xf32> to vector<16xf32>
        %swap3A_251 = vector.shape_cast %mul3A_246 : vector<16xf32> to vector<1x16xf32>
        tpu.vector_store %arg8[%swap3A_247, %swap3A_248], %swap3A_251 {strides = array<i32>} : memref<320x64xf32, #tpu.memory_space<vmem>>, vector<1x16xf32>,
        %get3A_252 = arith.index_cast %add3A_227 : i32 to index
        %get3A_253 = arith.constant 32 : index
        %get3A_254 = tpu.vector_load %arg8[%get3A_252, %get3A_253] {strides = array<i32>} : memref<320x64xf32, #tpu.memory_space<vmem>>, vector<1x16xf32>,
        %get3A_255 = vector.shape_cast %get3A_254 : vector<1x16xf32> to vector<16xf32>
        %mul3A_256 = arith.constant 8.000000e+00 : f32
        %mul3A_257 = vector.broadcast %mul3A_256 : f32 to vector<16xf32>
        %mul3A_258 = arith.mulf %get3A_255, %mul3A_257 : vector<16xf32>
        %swap3A_259 = arith.index_cast %add3A_227 : i32 to index
        %swap3A_260 = arith.constant 32 : index
        %swap3A_261 = tpu.vector_load %arg8[%swap3A_259, %swap3A_260] {strides = array<i32>} : memref<320x64xf32, #tpu.memory_space<vmem>>, vector<1x16xf32>,
        %swap3A_262 = vector.shape_cast %swap3A_261 : vector<1x16xf32> to vector<16xf32>
        %swap3A_263 = vector.shape_cast %mul3A_258 : vector<16xf32> to vector<1x16xf32>
        tpu.vector_store %arg8[%swap3A_259, %swap3A_260], %swap3A_263 {strides = array<i32>} : memref<320x64xf32, #tpu.memory_space<vmem>>, vector<1x16xf32>,
        %get3A_264 = arith.index_cast %add3A_227 : i32 to index
        %get3A_265 = arith.constant 48 : index
        %get3A_266 = tpu.vector_load %arg8[%get3A_264, %get3A_265] {strides = array<i32>} : memref<320x64xf32, #tpu.memory_space<vmem>>, vector<1x16xf32>,
        %get3A_267 = vector.shape_cast %get3A_266 : vector<1x16xf32> to vector<16xf32>
        %mul3A_268 = arith.constant 8.000000e+00 : f32
        %mul3A_269 = vector.broadcast %mul3A_268 : f32 to vector<16xf32>
        %mul3A_270 = arith.mulf %get3A_267, %mul3A_269 : vector<16xf32>
        %swap3A_271 = arith.index_cast %add3A_227 : i32 to index
        %swap3A_272 = arith.constant 48 : index
        %swap3A_273 = tpu.vector_load %arg8[%swap3A_271, %swap3A_272] {strides = array<i32>} : memref<320x64xf32, #tpu.memory_space<vmem>>, vector<1x16xf32>,
        %swap3A_274 = vector.shape_cast %swap3A_273 : vector<1x16xf32> to vector<16xf32>
        %swap3A_275 = vector.shape_cast %mul3A_270 : vector<16xf32> to vector<1x16xf32>
        tpu.vector_store %arg8[%swap3A_271, %swap3A_272], %swap3A_275 {strides = array<i32>} : memref<320x64xf32, #tpu.memory_space<vmem>>, vector<1x16xf32>,
        %scan3A_276 = arith.constant 2 : i32
        %scan3A_277 = arith.addi %scan3A_171, %scan3A_276 : i32
        %mul3A_278 = arith.constant 1 : i32
        %mul3A_279 = arith.muli %scan3A_277, %mul3A_278 : i32
        %add3A_280 = arith.constant 0 : i32
        %add3A_281 = arith.addi %add3A_280, %mul3A_279 : i32
        %get3A_282 = arith.index_cast %add3A_281 : i32 to index
        %get3A_283 = arith.constant 0 : index
        %get3A_284 = tpu.vector_load %arg8[%get3A_282, %get3A_283] {strides = array<i32>} : memref<320x64xf32, #tpu.memory_space<vmem>>, vector<1x16xf32>,
        %get3A_285 = vector.shape_cast %get3A_284 : vector<1x16xf32> to vector<16xf32>
        %mul3A_286 = arith.constant 8.000000e+00 : f32
        %mul3A_287 = vector.broadcast %mul3A_286 : f32 to vector<16xf32>
        %mul3A_288 = arith.mulf %get3A_285, %mul3A_287 : vector<16xf32>
        %swap3A_289 = arith.index_cast %add3A_281 : i32 to index
        %swap3A_290 = arith.constant 0 : index
        %swap3A_291 = tpu.vector_load %arg8[%swap3A_289, %swap3A_290] {strides = array<i32>} : memref<320x64xf32, #tpu.memory_space<vmem>>, vector<1x16xf32>,
        %swap3A_292 = vector.shape_cast %swap3A_291 : vector<1x16xf32> to vector<16xf32>
        %swap3A_293 = vector.shape_cast %mul3A_288 : vector<16xf32> to vector<1x16xf32>
        tpu.vector_store %arg8[%swap3A_289, %swap3A_290], %swap3A_293 {strides = array<i32>} : memref<320x64xf32, #tpu.memory_space<vmem>>, vector<1x16xf32>,
        %get3A_294 = arith.index_cast %add3A_281 : i32 to index
        %get3A_295 = arith.constant 16 : index
        %get3A_296 = tpu.vector_load %arg8[%get3A_294, %get3A_295] {strides = array<i32>} : memref<320x64xf32, #tpu.memory_space<vmem>>, vector<1x16xf32>,
        %get3A_297 = vector.shape_cast %get3A_296 : vector<1x16xf32> to vector<16xf32>
        %mul3A_298 = arith.constant 8.000000e+00 : f32
        %mul3A_299 = vector.broadcast %mul3A_298 : f32 to vector<16xf32>
        %mul3A_300 = arith.mulf %get3A_297, %mul3A_299 : vector<16xf32>
        %swap3A_301 = arith.index_cast %add3A_281 : i32 to index
        %swap3A_302 = arith.constant 16 : index
        %swap3A_303 = tpu.vector_load %arg8[%swap3A_301, %swap3A_302] {strides = array<i32>} : memref<320x64xf32, #tpu.memory_space<vmem>>, vector<1x16xf32>,
        %swap3A_304 = vector.shape_cast %swap3A_303 : vector<1x16xf32> to vector<16xf32>
        %swap3A_305 = vector.shape_cast %mul3A_300 : vector<16xf32> to vector<1x16xf32>
        tpu.vector_store %arg8[%swap3A_301, %swap3A_302], %swap3A_305 {strides = array<i32>} : memref<320x64xf32, #tpu.memory_space<vmem>>, vector<1x16xf32>,
        %get3A_306 = arith.index_cast %add3A_281 : i32 to index
        %get3A_307 = arith.constant 32 : index
        %get3A_308 = tpu.vector_load %arg8[%get3A_306, %get3A_307] {strides = array<i32>} : memref<320x64xf32, #tpu.memory_space<vmem>>, vector<1x16xf32>,
        %get3A_309 = vector.shape_cast %get3A_308 : vector<1x16xf32> to vector<16xf32>
        %mul3A_310 = arith.constant 8.000000e+00 : f32
        %mul3A_311 = vector.broadcast %mul3A_310 : f32 to vector<16xf32>
        %mul3A_312 = arith.mulf %get3A_309, %mul3A_311 : vector<16xf32>
        %swap3A_313 = arith.index_cast %add3A_281 : i32 to index
        %swap3A_314 = arith.constant 32 : index
        %swap3A_315 = tpu.vector_load %arg8[%swap3A_313, %swap3A_314] {strides = array<i32>} : memref<320x64xf32, #tpu.memory_space<vmem>>, vector<1x16xf32>,
        %swap3A_316 = vector.shape_cast %swap3A_315 : vector<1x16xf32> to vector<16xf32>
        %swap3A_317 = vector.shape_cast %mul3A_312 : vector<16xf32> to vector<1x16xf32>
        tpu.vector_store %arg8[%swap3A_313, %swap3A_314], %swap3A_317 {strides = array<i32>} : memref<320x64xf32, #tpu.memory_space<vmem>>, vector<1x16xf32>,
        %get3A_318 = arith.index_cast %add3A_281 : i32 to index
        %get3A_319 = arith.constant 48 : index
        %get3A_320 = tpu.vector_load %arg8[%get3A_318, %get3A_319] {strides = array<i32>} : memref<320x64xf32, #tpu.memory_space<vmem>>, vector<1x16xf32>,
        %get3A_321 = vector.shape_cast %get3A_320 : vector<1x16xf32> to vector<16xf32>
        %mul3A_322 = arith.constant 8.000000e+00 : f32
        %mul3A_323 = vector.broadcast %mul3A_322 : f32 to vector<16xf32>
        %mul3A_324 = arith.mulf %get3A_321, %mul3A_323 : vector<16xf32>
        %swap3A_325 = arith.index_cast %add3A_281 : i32 to index
        %swap3A_326 = arith.constant 48 : index
        %swap3A_327 = tpu.vector_load %arg8[%swap3A_325, %swap3A_326] {strides = array<i32>} : memref<320x64xf32, #tpu.memory_space<vmem>>, vector<1x16xf32>,
        %swap3A_328 = vector.shape_cast %swap3A_327 : vector<1x16xf32> to vector<16xf32>
        %swap3A_329 = vector.shape_cast %mul3A_324 : vector<16xf32> to vector<1x16xf32>
        tpu.vector_store %arg8[%swap3A_325, %swap3A_326], %swap3A_329 {strides = array<i32>} : memref<320x64xf32, #tpu.memory_space<vmem>>, vector<1x16xf32>,
        %scan3A_330 = arith.constant 3 : i32
        %scan3A_331 = arith.addi %scan3A_171, %scan3A_330 : i32
        %mul3A_332 = arith.constant 1 : i32
        %mul3A_333 = arith.muli %scan3A_331, %mul3A_332 : i32
        %add3A_334 = arith.constant 0 : i32
        %add3A_335 = arith.addi %add3A_334, %mul3A_333 : i32
        %get3A_336 = arith.index_cast %add3A_335 : i32 to index
        %get3A_337 = arith.constant 0 : index
        %get3A_338 = tpu.vector_load %arg8[%get3A_336, %get3A_337] {strides = array<i32>} : memref<320x64xf32, #tpu.memory_space<vmem>>, vector<1x16xf32>,
        %get3A_339 = vector.shape_cast %get3A_338 : vector<1x16xf32> to vector<16xf32>
        %mul3A_340 = arith.constant 8.000000e+00 : f32
        %mul3A_341 = vector.broadcast %mul3A_340 : f32 to vector<16xf32>
        %mul3A_342 = arith.mulf %get3A_339, %mul3A_341 : vector<16xf32>
        %swap3A_343 = arith.index_cast %add3A_335 : i32 to index
        %swap3A_344 = arith.constant 0 : index
        %swap3A_345 = tpu.vector_load %arg8[%swap3A_343, %swap3A_344] {strides = array<i32>} : memref<320x64xf32, #tpu.memory_space<vmem>>, vector<1x16xf32>,
        %swap3A_346 = vector.shape_cast %swap3A_345 : vector<1x16xf32> to vector<16xf32>
        %swap3A_347 = vector.shape_cast %mul3A_342 : vector<16xf32> to vector<1x16xf32>
        tpu.vector_store %arg8[%swap3A_343, %swap3A_344], %swap3A_347 {strides = array<i32>} : memref<320x64xf32, #tpu.memory_space<vmem>>, vector<1x16xf32>,
        %get3A_348 = arith.index_cast %add3A_335 : i32 to index
        %get3A_349 = arith.constant 16 : index
        %get3A_350 = tpu.vector_load %arg8[%get3A_348, %get3A_349] {strides = array<i32>} : memref<320x64xf32, #tpu.memory_space<vmem>>, vector<1x16xf32>,
        %get3A_351 = vector.shape_cast %get3A_350 : vector<1x16xf32> to vector<16xf32>
        %mul3A_352 = arith.constant 8.000000e+00 : f32
        %mul3A_353 = vector.broadcast %mul3A_352 : f32 to vector<16xf32>
        %mul3A_354 = arith.mulf %get3A_351, %mul3A_353 : vector<16xf32>
        %swap3A_355 = arith.index_cast %add3A_335 : i32 to index
        %swap3A_356 = arith.constant 16 : index
        %swap3A_357 = tpu.vector_load %arg8[%swap3A_355, %swap3A_356] {strides = array<i32>} : memref<320x64xf32, #tpu.memory_space<vmem>>, vector<1x16xf32>,
        %swap3A_358 = vector.shape_cast %swap3A_357 : vector<1x16xf32> to vector<16xf32>
        %swap3A_359 = vector.shape_cast %mul3A_354 : vector<16xf32> to vector<1x16xf32>
        tpu.vector_store %arg8[%swap3A_355, %swap3A_356], %swap3A_359 {strides = array<i32>} : memref<320x64xf32, #tpu.memory_space<vmem>>, vector<1x16xf32>,
        %get3A_360 = arith.index_cast %add3A_335 : i32 to index
        %get3A_361 = arith.constant 32 : index
        %get3A_362 = tpu.vector_load %arg8[%get3A_360, %get3A_361] {strides = array<i32>} : memref<320x64xf32, #tpu.memory_space<vmem>>, vector<1x16xf32>,
        %get3A_363 = vector.shape_cast %get3A_362 : vector<1x16xf32> to vector<16xf32>
        %mul3A_364 = arith.constant 8.000000e+00 : f32
        %mul3A_365 = vector.broadcast %mul3A_364 : f32 to vector<16xf32>
        %mul3A_366 = arith.mulf %get3A_363, %mul3A_365 : vector<16xf32>
        %swap3A_367 = arith.index_cast %add3A_335 : i32 to index
        %swap3A_368 = arith.constant 32 : index
        %swap3A_369 = tpu.vector_load %arg8[%swap3A_367, %swap3A_368] {strides = array<i32>} : memref<320x64xf32, #tpu.memory_space<vmem>>, vector<1x16xf32>,
        %swap3A_370 = vector.shape_cast %swap3A_369 : vector<1x16xf32> to vector<16xf32>
        %swap3A_371 = vector.shape_cast %mul3A_366 : vector<16xf32> to vector<1x16xf32>
        tpu.vector_store %arg8[%swap3A_367, %swap3A_368], %swap3A_371 {strides = array<i32>} : memref<320x64xf32, #tpu.memory_space<vmem>>, vector<1x16xf32>,
        %get3A_372 = arith.index_cast %add3A_335 : i32 to index
        %get3A_373 = arith.constant 48 : index
        %get3A_374 = tpu.vector_load %arg8[%get3A_372, %get3A_373] {strides = array<i32>} : memref<320x64xf32, #tpu.memory_space<vmem>>, vector<1x16xf32>,
        %get3A_375 = vector.shape_cast %get3A_374 : vector<1x16xf32> to vector<16xf32>
        %mul3A_376 = arith.constant 8.000000e+00 : f32
        %mul3A_377 = vector.broadcast %mul3A_376 : f32 to vector<16xf32>
        %mul3A_378 = arith.mulf %get3A_375, %mul3A_377 : vector<16xf32>
        %swap3A_379 = arith.index_cast %add3A_335 : i32 to index
        %swap3A_380 = arith.constant 48 : index
        %swap3A_381 = tpu.vector_load %arg8[%swap3A_379, %swap3A_380] {strides = array<i32>} : memref<320x64xf32, #tpu.memory_space<vmem>>, vector<1x16xf32>,
        %swap3A_382 = vector.shape_cast %swap3A_381 : vector<1x16xf32> to vector<16xf32>
        %swap3A_383 = vector.shape_cast %mul3A_378 : vector<16xf32> to vector<1x16xf32>
        tpu.vector_store %arg8[%swap3A_379, %swap3A_380], %swap3A_383 {strides = array<i32>} : memref<320x64xf32, #tpu.memory_space<vmem>>, vector<1x16xf32>,
        %scan3A_384 = arith.constant 4 : i32
        %scan3A_385 = arith.addi %scan3A_171, %scan3A_384 : i32
        %mul3A_386 = arith.constant 1 : i32
        %mul3A_387 = arith.muli %scan3A_385, %mul3A_386 : i32
        %add3A_388 = arith.constant 0 : i32
        %add3A_389 = arith.addi %add3A_388, %mul3A_387 : i32
        %get3A_390 = arith.index_cast %add3A_389 : i32 to index
        %get3A_391 = arith.constant 0 : index
        %get3A_392 = tpu.vector_load %arg8[%get3A_390, %get3A_391] {strides = array<i32>} : memref<320x64xf32, #tpu.memory_space<vmem>>, vector<1x16xf32>,
        %get3A_393 = vector.shape_cast %get3A_392 : vector<1x16xf32> to vector<16xf32>
        %mul3A_394 = arith.constant 8.000000e+00 : f32
        %mul3A_395 = vector.broadcast %mul3A_394 : f32 to vector<16xf32>
        %mul3A_396 = arith.mulf %get3A_393, %mul3A_395 : vector<16xf32>
        %swap3A_397 = arith.index_cast %add3A_389 : i32 to index
        %swap3A_398 = arith.constant 0 : index
        %swap3A_399 = tpu.vector_load %arg8[%swap3A_397, %swap3A_398] {strides = array<i32>} : memref<320x64xf32, #tpu.memory_space<vmem>>, vector<1x16xf32>,
        %swap3A_400 = vector.shape_cast %swap3A_399 : vector<1x16xf32> to vector<16xf32>
        %swap3A_401 = vector.shape_cast %mul3A_396 : vector<16xf32> to vector<1x16xf32>
        tpu.vector_store %arg8[%swap3A_397, %swap3A_398], %swap3A_401 {strides = array<i32>} : memref<320x64xf32, #tpu.memory_space<vmem>>, vector<1x16xf32>,
        %get3A_402 = arith.index_cast %add3A_389 : i32 to index
        %get3A_403 = arith.constant 16 : index
        %get3A_404 = tpu.vector_load %arg8[%get3A_402, %get3A_403] {strides = array<i32>} : memref<320x64xf32, #tpu.memory_space<vmem>>, vector<1x16xf32>,
        %get3A_405 = vector.shape_cast %get3A_404 : vector<1x16xf32> to vector<16xf32>
        %mul3A_406 = arith.constant 8.000000e+00 : f32
        %mul3A_407 = vector.broadcast %mul3A_406 : f32 to vector<16xf32>
        %mul3A_408 = arith.mulf %get3A_405, %mul3A_407 : vector<16xf32>
        %swap3A_409 = arith.index_cast %add3A_389 : i32 to index
        %swap3A_410 = arith.constant 16 : index
        %swap3A_411 = tpu.vector_load %arg8[%swap3A_409, %swap3A_410] {strides = array<i32>} : memref<320x64xf32, #tpu.memory_space<vmem>>, vector<1x16xf32>,
        %swap3A_412 = vector.shape_cast %swap3A_411 : vector<1x16xf32> to vector<16xf32>
        %swap3A_413 = vector.shape_cast %mul3A_408 : vector<16xf32> to vector<1x16xf32>
        tpu.vector_store %arg8[%swap3A_409, %swap3A_410], %swap3A_413 {strides = array<i32>} : memref<320x64xf32, #tpu.memory_space<vmem>>, vector<1x16xf32>,
        %get3A_414 = arith.index_cast %add3A_389 : i32 to index
        %get3A_415 = arith.constant 32 : index
        %get3A_416 = tpu.vector_load %arg8[%get3A_414, %get3A_415] {strides = array<i32>} : memref<320x64xf32, #tpu.memory_space<vmem>>, vector<1x16xf32>,
        %get3A_417 = vector.shape_cast %get3A_416 : vector<1x16xf32> to vector<16xf32>
        %mul3A_418 = arith.constant 8.000000e+00 : f32
        %mul3A_419 = vector.broadcast %mul3A_418 : f32 to vector<16xf32>
        %mul3A_420 = arith.mulf %get3A_417, %mul3A_419 : vector<16xf32>
        %swap3A_421 = arith.index_cast %add3A_389 : i32 to index
        %swap3A_422 = arith.constant 32 : index
        %swap3A_423 = tpu.vector_load %arg8[%swap3A_421, %swap3A_422] {strides = array<i32>} : memref<320x64xf32, #tpu.memory_space<vmem>>, vector<1x16xf32>,
        %swap3A_424 = vector.shape_cast %swap3A_423 : vector<1x16xf32> to vector<16xf32>
        %swap3A_425 = vector.shape_cast %mul3A_420 : vector<16xf32> to vector<1x16xf32>
        tpu.vector_store %arg8[%swap3A_421, %swap3A_422], %swap3A_425 {strides = array<i32>} : memref<320x64xf32, #tpu.memory_space<vmem>>, vector<1x16xf32>,
        %get3A_426 = arith.index_cast %add3A_389 : i32 to index
        %get3A_427 = arith.constant 48 : index
        %get3A_428 = tpu.vector_load %arg8[%get3A_426, %get3A_427] {strides = array<i32>} : memref<320x64xf32, #tpu.memory_space<vmem>>, vector<1x16xf32>,
        %get3A_429 = vector.shape_cast %get3A_428 : vector<1x16xf32> to vector<16xf32>
        %mul3A_430 = arith.constant 8.000000e+00 : f32
        %mul3A_431 = vector.broadcast %mul3A_430 : f32 to vector<16xf32>
        %mul3A_432 = arith.mulf %get3A_429, %mul3A_431 : vector<16xf32>
        %swap3A_433 = arith.index_cast %add3A_389 : i32 to index
        %swap3A_434 = arith.constant 48 : index
        %swap3A_435 = tpu.vector_load %arg8[%swap3A_433, %swap3A_434] {strides = array<i32>} : memref<320x64xf32, #tpu.memory_space<vmem>>, vector<1x16xf32>,
        %swap3A_436 = vector.shape_cast %swap3A_435 : vector<1x16xf32> to vector<16xf32>
        %swap3A_437 = vector.shape_cast %mul3A_432 : vector<16xf32> to vector<1x16xf32>
        tpu.vector_store %arg8[%swap3A_433, %swap3A_434], %swap3A_437 {strides = array<i32>} : memref<320x64xf32, #tpu.memory_space<vmem>>, vector<1x16xf32>,
        %scan3A_438 = arith.constant 5 : i32
        %scan3A_439 = arith.addi %scan3A_171, %scan3A_438 : i32
        %mul3A_440 = arith.constant 1 : i32
        %mul3A_441 = arith.muli %scan3A_439, %mul3A_440 : i32
        %add3A_442 = arith.constant 0 : i32
        %add3A_443 = arith.addi %add3A_442, %mul3A_441 : i32
        %get3A_444 = arith.index_cast %add3A_443 : i32 to index
        %get3A_445 = arith.constant 0 : index
        %get3A_446 = tpu.vector_load %arg8[%get3A_444, %get3A_445] {strides = array<i32>} : memref<320x64xf32, #tpu.memory_space<vmem>>, vector<1x16xf32>,
        %get3A_447 = vector.shape_cast %get3A_446 : vector<1x16xf32> to vector<16xf32>
        %mul3A_448 = arith.constant 8.000000e+00 : f32
        %mul3A_449 = vector.broadcast %mul3A_448 : f32 to vector<16xf32>
        %mul3A_450 = arith.mulf %get3A_447, %mul3A_449 : vector<16xf32>
        %swap3A_451 = arith.index_cast %add3A_443 : i32 to index
        %swap3A_452 = arith.constant 0 : index
        %swap3A_453 = tpu.vector_load %arg8[%swap3A_451, %swap3A_452] {strides = array<i32>} : memref<320x64xf32, #tpu.memory_space<vmem>>, vector<1x16xf32>,
        %swap3A_454 = vector.shape_cast %swap3A_453 : vector<1x16xf32> to vector<16xf32>
        %swap3A_455 = vector.shape_cast %mul3A_450 : vector<16xf32> to vector<1x16xf32>
        tpu.vector_store %arg8[%swap3A_451, %swap3A_452], %swap3A_455 {strides = array<i32>} : memref<320x64xf32, #tpu.memory_space<vmem>>, vector<1x16xf32>,
        %get3A_456 = arith.index_cast %add3A_443 : i32 to index
        %get3A_457 = arith.constant 16 : index
        %get3A_458 = tpu.vector_load %arg8[%get3A_456, %get3A_457] {strides = array<i32>} : memref<320x64xf32, #tpu.memory_space<vmem>>, vector<1x16xf32>,
        %get3A_459 = vector.shape_cast %get3A_458 : vector<1x16xf32> to vector<16xf32>
        %mul3A_460 = arith.constant 8.000000e+00 : f32
        %mul3A_461 = vector.broadcast %mul3A_460 : f32 to vector<16xf32>
        %mul3A_462 = arith.mulf %get3A_459, %mul3A_461 : vector<16xf32>
        %swap3A_463 = arith.index_cast %add3A_443 : i32 to index
        %swap3A_464 = arith.constant 16 : index
        %swap3A_465 = tpu.vector_load %arg8[%swap3A_463, %swap3A_464] {strides = array<i32>} : memref<320x64xf32, #tpu.memory_space<vmem>>, vector<1x16xf32>,
        %swap3A_466 = vector.shape_cast %swap3A_465 : vector<1x16xf32> to vector<16xf32>
        %swap3A_467 = vector.shape_cast %mul3A_462 : vector<16xf32> to vector<1x16xf32>
        tpu.vector_store %arg8[%swap3A_463, %swap3A_464], %swap3A_467 {strides = array<i32>} : memref<320x64xf32, #tpu.memory_space<vmem>>, vector<1x16xf32>,
        %get3A_468 = arith.index_cast %add3A_443 : i32 to index
        %get3A_469 = arith.constant 32 : index
        %get3A_470 = tpu.vector_load %arg8[%get3A_468, %get3A_469] {strides = array<i32>} : memref<320x64xf32, #tpu.memory_space<vmem>>, vector<1x16xf32>,
        %get3A_471 = vector.shape_cast %get3A_470 : vector<1x16xf32> to vector<16xf32>
        %mul3A_472 = arith.constant 8.000000e+00 : f32
        %mul3A_473 = vector.broadcast %mul3A_472 : f32 to vector<16xf32>
        %mul3A_474 = arith.mulf %get3A_471, %mul3A_473 : vector<16xf32>
        %swap3A_475 = arith.index_cast %add3A_443 : i32 to index
        %swap3A_476 = arith.constant 32 : index
        %swap3A_477 = tpu.vector_load %arg8[%swap3A_475, %swap3A_476] {strides = array<i32>} : memref<320x64xf32, #tpu.memory_space<vmem>>, vector<1x16xf32>,
        %swap3A_478 = vector.shape_cast %swap3A_477 : vector<1x16xf32> to vector<16xf32>
        %swap3A_479 = vector.shape_cast %mul3A_474 : vector<16xf32> to vector<1x16xf32>
        tpu.vector_store %arg8[%swap3A_475, %swap3A_476], %swap3A_479 {strides = array<i32>} : memref<320x64xf32, #tpu.memory_space<vmem>>, vector<1x16xf32>,
        %get3A_480 = arith.index_cast %add3A_443 : i32 to index
        %get3A_481 = arith.constant 48 : index
        %get3A_482 = tpu.vector_load %arg8[%get3A_480, %get3A_481] {strides = array<i32>} : memref<320x64xf32, #tpu.memory_space<vmem>>, vector<1x16xf32>,
        %get3A_483 = vector.shape_cast %get3A_482 : vector<1x16xf32> to vector<16xf32>
        %mul3A_484 = arith.constant 8.000000e+00 : f32
        %mul3A_485 = vector.broadcast %mul3A_484 : f32 to vector<16xf32>
        %mul3A_486 = arith.mulf %get3A_483, %mul3A_485 : vector<16xf32>
        %swap3A_487 = arith.index_cast %add3A_443 : i32 to index
        %swap3A_488 = arith.constant 48 : index
        %swap3A_489 = tpu.vector_load %arg8[%swap3A_487, %swap3A_488] {strides = array<i32>} : memref<320x64xf32, #tpu.memory_space<vmem>>, vector<1x16xf32>,
        %swap3A_490 = vector.shape_cast %swap3A_489 : vector<1x16xf32> to vector<16xf32>
        %swap3A_491 = vector.shape_cast %mul3A_486 : vector<16xf32> to vector<1x16xf32>
        tpu.vector_store %arg8[%swap3A_487, %swap3A_488], %swap3A_491 {strides = array<i32>} : memref<320x64xf32, #tpu.memory_space<vmem>>, vector<1x16xf32>,
        %scan3A_492 = arith.constant 6 : i32
        %scan3A_493 = arith.addi %scan3A_171, %scan3A_492 : i32
        %mul3A_494 = arith.constant 1 : i32
        %mul3A_495 = arith.muli %scan3A_493, %mul3A_494 : i32
        %add3A_496 = arith.constant 0 : i32
        %add3A_497 = arith.addi %add3A_496, %mul3A_495 : i32
        %get3A_498 = arith.index_cast %add3A_497 : i32 to index
        %get3A_499 = arith.constant 0 : index
        %get3A_500 = tpu.vector_load %arg8[%get3A_498, %get3A_499] {strides = array<i32>} : memref<320x64xf32, #tpu.memory_space<vmem>>, vector<1x16xf32>,
        %get3A_501 = vector.shape_cast %get3A_500 : vector<1x16xf32> to vector<16xf32>
        %mul3A_502 = arith.constant 8.000000e+00 : f32
        %mul3A_503 = vector.broadcast %mul3A_502 : f32 to vector<16xf32>
        %mul3A_504 = arith.mulf %get3A_501, %mul3A_503 : vector<16xf32>
        %swap3A_505 = arith.index_cast %add3A_497 : i32 to index
        %swap3A_506 = arith.constant 0 : index
        %swap3A_507 = tpu.vector_load %arg8[%swap3A_505, %swap3A_506] {strides = array<i32>} : memref<320x64xf32, #tpu.memory_space<vmem>>, vector<1x16xf32>,
        %swap3A_508 = vector.shape_cast %swap3A_507 : vector<1x16xf32> to vector<16xf32>
        %swap3A_509 = vector.shape_cast %mul3A_504 : vector<16xf32> to vector<1x16xf32>
        tpu.vector_store %arg8[%swap3A_505, %swap3A_506], %swap3A_509 {strides = array<i32>} : memref<320x64xf32, #tpu.memory_space<vmem>>, vector<1x16xf32>,
        %get3A_510 = arith.index_cast %add3A_497 : i32 to index
        %get3A_511 = arith.constant 16 : index
        %get3A_512 = tpu.vector_load %arg8[%get3A_510, %get3A_511] {strides = array<i32>} : memref<320x64xf32, #tpu.memory_space<vmem>>, vector<1x16xf32>,
        %get3A_513 = vector.shape_cast %get3A_512 : vector<1x16xf32> to vector<16xf32>
        %mul3A_514 = arith.constant 8.000000e+00 : f32
        %mul3A_515 = vector.broadcast %mul3A_514 : f32 to vector<16xf32>
        %mul3A_516 = arith.mulf %get3A_513, %mul3A_515 : vector<16xf32>
        %swap3A_517 = arith.index_cast %add3A_497 : i32 to index
        %swap3A_518 = arith.constant 16 : index
        %swap3A_519 = tpu.vector_load %arg8[%swap3A_517, %swap3A_518] {strides = array<i32>} : memref<320x64xf32, #tpu.memory_space<vmem>>, vector<1x16xf32>,
        %swap3A_520 = vector.shape_cast %swap3A_519 : vector<1x16xf32> to vector<16xf32>
        %swap3A_521 = vector.shape_cast %mul3A_516 : vector<16xf32> to vector<1x16xf32>
        tpu.vector_store %arg8[%swap3A_517, %swap3A_518], %swap3A_521 {strides = array<i32>} : memref<320x64xf32, #tpu.memory_space<vmem>>, vector<1x16xf32>,
        %get3A_522 = arith.index_cast %add3A_497 : i32 to index
        %get3A_523 = arith.constant 32 : index
        %get3A_524 = tpu.vector_load %arg8[%get3A_522, %get3A_523] {strides = array<i32>} : memref<320x64xf32, #tpu.memory_space<vmem>>, vector<1x16xf32>,
        %get3A_525 = vector.shape_cast %get3A_524 : vector<1x16xf32> to vector<16xf32>
        %mul3A_526 = arith.constant 8.000000e+00 : f32
        %mul3A_527 = vector.broadcast %mul3A_526 : f32 to vector<16xf32>
        %mul3A_528 = arith.mulf %get3A_525, %mul3A_527 : vector<16xf32>
        %swap3A_529 = arith.index_cast %add3A_497 : i32 to index
        %swap3A_530 = arith.constant 32 : index
        %swap3A_531 = tpu.vector_load %arg8[%swap3A_529, %swap3A_530] {strides = array<i32>} : memref<320x64xf32, #tpu.memory_space<vmem>>, vector<1x16xf32>,
        %swap3A_532 = vector.shape_cast %swap3A_531 : vector<1x16xf32> to vector<16xf32>
        %swap3A_533 = vector.shape_cast %mul3A_528 : vector<16xf32> to vector<1x16xf32>
        tpu.vector_store %arg8[%swap3A_529, %swap3A_530], %swap3A_533 {strides = array<i32>} : memref<320x64xf32, #tpu.memory_space<vmem>>, vector<1x16xf32>,
        %get3A_534 = arith.index_cast %add3A_497 : i32 to index
        %get3A_535 = arith.constant 48 : index
        %get3A_536 = tpu.vector_load %arg8[%get3A_534, %get3A_535] {strides = array<i32>} : memref<320x64xf32, #tpu.memory_space<vmem>>, vector<1x16xf32>,
        %get3A_537 = vector.shape_cast %get3A_536 : vector<1x16xf32> to vector<16xf32>
        %mul3A_538 = arith.constant 8.000000e+00 : f32
        %mul3A_539 = vector.broadcast %mul3A_538 : f32 to vector<16xf32>
        %mul3A_540 = arith.mulf %get3A_537, %mul3A_539 : vector<16xf32>
        %swap3A_541 = arith.index_cast %add3A_497 : i32 to index
        %swap3A_542 = arith.constant 48 : index
        %swap3A_543 = tpu.vector_load %arg8[%swap3A_541, %swap3A_542] {strides = array<i32>} : memref<320x64xf32, #tpu.memory_space<vmem>>, vector<1x16xf32>,
        %swap3A_544 = vector.shape_cast %swap3A_543 : vector<1x16xf32> to vector<16xf32>
        %swap3A_545 = vector.shape_cast %mul3A_540 : vector<16xf32> to vector<1x16xf32>
        tpu.vector_store %arg8[%swap3A_541, %swap3A_542], %swap3A_545 {strides = array<i32>} : memref<320x64xf32, #tpu.memory_space<vmem>>, vector<1x16xf32>,
        %scan3A_546 = arith.constant 7 : i32
        %scan3A_547 = arith.addi %scan3A_171, %scan3A_546 : i32
        %mul3A_548 = arith.constant 1 : i32
        %mul3A_549 = arith.muli %scan3A_547, %mul3A_548 : i32
        %add3A_550 = arith.constant 0 : i32
        %add3A_551 = arith.addi %add3A_550, %mul3A_549 : i32
        %get3A_552 = arith.index_cast %add3A_551 : i32 to index
        %get3A_553 = arith.constant 0 : index
        %get3A_554 = tpu.vector_load %arg8[%get3A_552, %get3A_553] {strides = array<i32>} : memref<320x64xf32, #tpu.memory_space<vmem>>, vector<1x16xf32>,
        %get3A_555 = vector.shape_cast %get3A_554 : vector<1x16xf32> to vector<16xf32>
        %mul3A_556 = arith.constant 8.000000e+00 : f32
        %mul3A_557 = vector.broadcast %mul3A_556 : f32 to vector<16xf32>
        %mul3A_558 = arith.mulf %get3A_555, %mul3A_557 : vector<16xf32>
        %swap3A_559 = arith.index_cast %add3A_551 : i32 to index
        %swap3A_560 = arith.constant 0 : index
        %swap3A_561 = tpu.vector_load %arg8[%swap3A_559, %swap3A_560] {strides = array<i32>} : memref<320x64xf32, #tpu.memory_space<vmem>>, vector<1x16xf32>,
        %swap3A_562 = vector.shape_cast %swap3A_561 : vector<1x16xf32> to vector<16xf32>
        %swap3A_563 = vector.shape_cast %mul3A_558 : vector<16xf32> to vector<1x16xf32>
        tpu.vector_store %arg8[%swap3A_559, %swap3A_560], %swap3A_563 {strides = array<i32>} : memref<320x64xf32, #tpu.memory_space<vmem>>, vector<1x16xf32>,
        %get3A_564 = arith.index_cast %add3A_551 : i32 to index
        %get3A_565 = arith.constant 16 : index
        %get3A_566 = tpu.vector_load %arg8[%get3A_564, %get3A_565] {strides = array<i32>} : memref<320x64xf32, #tpu.memory_space<vmem>>, vector<1x16xf32>,
        %get3A_567 = vector.shape_cast %get3A_566 : vector<1x16xf32> to vector<16xf32>
        %mul3A_568 = arith.constant 8.000000e+00 : f32
        %mul3A_569 = vector.broadcast %mul3A_568 : f32 to vector<16xf32>
        %mul3A_570 = arith.mulf %get3A_567, %mul3A_569 : vector<16xf32>
        %swap3A_571 = arith.index_cast %add3A_551 : i32 to index
        %swap3A_572 = arith.constant 16 : index
        %swap3A_573 = tpu.vector_load %arg8[%swap3A_571, %swap3A_572] {strides = array<i32>} : memref<320x64xf32, #tpu.memory_space<vmem>>, vector<1x16xf32>,
        %swap3A_574 = vector.shape_cast %swap3A_573 : vector<1x16xf32> to vector<16xf32>
        %swap3A_575 = vector.shape_cast %mul3A_570 : vector<16xf32> to vector<1x16xf32>
        tpu.vector_store %arg8[%swap3A_571, %swap3A_572], %swap3A_575 {strides = array<i32>} : memref<320x64xf32, #tpu.memory_space<vmem>>, vector<1x16xf32>,
        %get3A_576 = arith.index_cast %add3A_551 : i32 to index
        %get3A_577 = arith.constant 32 : index
        %get3A_578 = tpu.vector_load %arg8[%get3A_576, %get3A_577] {strides = array<i32>} : memref<320x64xf32, #tpu.memory_space<vmem>>, vector<1x16xf32>,
        %get3A_579 = vector.shape_cast %get3A_578 : vector<1x16xf32> to vector<16xf32>
        %mul3A_580 = arith.constant 8.000000e+00 : f32
        %mul3A_581 = vector.broadcast %mul3A_580 : f32 to vector<16xf32>
        %mul3A_582 = arith.mulf %get3A_579, %mul3A_581 : vector<16xf32>
        %swap3A_583 = arith.index_cast %add3A_551 : i32 to index
        %swap3A_584 = arith.constant 32 : index
        %swap3A_585 = tpu.vector_load %arg8[%swap3A_583, %swap3A_584] {strides = array<i32>} : memref<320x64xf32, #tpu.memory_space<vmem>>, vector<1x16xf32>,
        %swap3A_586 = vector.shape_cast %swap3A_585 : vector<1x16xf32> to vector<16xf32>
        %swap3A_587 = vector.shape_cast %mul3A_582 : vector<16xf32> to vector<1x16xf32>
        tpu.vector_store %arg8[%swap3A_583, %swap3A_584], %swap3A_587 {strides = array<i32>} : memref<320x64xf32, #tpu.memory_space<vmem>>, vector<1x16xf32>,
        %get3A_588 = arith.index_cast %add3A_551 : i32 to index
        %get3A_589 = arith.constant 48 : index
        %get3A_590 = tpu.vector_load %arg8[%get3A_588, %get3A_589] {strides = array<i32>} : memref<320x64xf32, #tpu.memory_space<vmem>>, vector<1x16xf32>,
        %get3A_591 = vector.shape_cast %get3A_590 : vector<1x16xf32> to vector<16xf32>
        %mul3A_592 = arith.constant 8.000000e+00 : f32
        %mul3A_593 = vector.broadcast %mul3A_592 : f32 to vector<16xf32>
        %mul3A_594 = arith.mulf %get3A_591, %mul3A_593 : vector<16xf32>
        %swap3A_595 = arith.index_cast %add3A_551 : i32 to index
        %swap3A_596 = arith.constant 48 : index
        %swap3A_597 = tpu.vector_load %arg8[%swap3A_595, %swap3A_596] {strides = array<i32>} : memref<320x64xf32, #tpu.memory_space<vmem>>, vector<1x16xf32>,
        %swap3A_598 = vector.shape_cast %swap3A_597 : vector<1x16xf32> to vector<16xf32>
        %swap3A_599 = vector.shape_cast %mul3A_594 : vector<16xf32> to vector<1x16xf32>
        tpu.vector_store %arg8[%swap3A_595, %swap3A_596], %swap3A_599 {strides = array<i32>} : memref<320x64xf32, #tpu.memory_space<vmem>>, vector<1x16xf32>,
      }
      %scan3A_82 = arith.constant 320 : i32
      %mul3A_83 = arith.constant 320 : i32
      %mul3A_84 = arith.muli %add3A_71, %mul3A_83 : i32
      %add3A_85 = arith.addi %mul3A_2, %mul3A_84 : i32
      %dma_start3A_86 = arith.constant 0 : i32
      %dma_start3A_87 = tpu.memref_slice %arg4[%add3A_85, %dma_start3A_86] : memref<819200x64xf32, #tpu.memory_space<hbm>> -> memref<320x64xf32, #tpu.memory_space<hbm>>
      %dma_start3A_88 = arith.constant 0 : i32
      %dma_start3A_89 = tpu.memref_slice %arg4[%add3A_85, %dma_start3A_88] : memref<819200x64xf32, #tpu.memory_space<hbm>> -> memref<320x64xf32, #tpu.memory_space<hbm>>
      tpu.enqueue_dma source(%arg8 : memref<320x64xf32, #tpu.memory_space<vmem>>) target(%dma_start3A_89 : memref<320x64xf32, #tpu.memory_space<hbm>>) target_semaphore(%arg16 : memref<!tpu.dma_semaphore, #tpu.memory_space<semaphore_mem>>)
      %add3A_90 = arith.constant 3 : i32
      %add3A_91 = arith.addi %add3A_30, %add3A_90 : i32
      %mul3A_92 = arith.constant 320 : i32
      %mul3A_93 = arith.muli %add3A_91, %mul3A_92 : i32
      %dma_wait3A_94 = tpu.memref_slice %arg5[%mul3A_93] : memref<25600xi32, #tpu.memory_space<vmem>> -> memref<320xi32, #tpu.memory_space<vmem>>
      %dma_wait3A_95 = arith.constant 0 : i32
      %dma_wait3A_96 = arith.constant 0 : i32
      %dma_wait3A_97 = tpu.memref_slice %arg3[%dma_wait3A_95, %dma_wait3A_96] : memref<1000000x64xf32, #tpu.memory_space<hbm>> -> memref<1000000x64xf32, #tpu.memory_space<hbm>>
      tpu.wait_indirect_dma semaphore(%arg13 : memref<!tpu.dma_semaphore, #tpu.memory_space<semaphore_mem>>) src(%dma_wait3A_97 : memref<1000000x64xf32, #tpu.memory_space<hbm>>) dst(%arg9 : memref<320x64xf32, #tpu.memory_space<vmem>>)
      %scan3A_98 = arith.constant 0 : i32
      %scan3A_99 = arith.constant 320 : i32
      %scan3A_100 = arith.addi %scan3A_98, %scan3A_99 : i32
      %scan3A_101 = arith.constant 8 : i32
      scf.for %scan3A_171 = %scan3A_98 to %scan3A_100 step %scan3A_101  : i32 {
        %mul3A_172 = arith.constant 1 : i32
        %mul3A_173 = arith.muli %scan3A_171, %mul3A_172 : i32
        %add3A_174 = arith.constant 0 : i32
        %add3A_175 = arith.addi %add3A_174, %mul3A_173 : i32
        %get3A = arith.index_cast %add3A_175 : i32 to index
        %get3A_176 = arith.constant 0 : index
        %get3A_177 = tpu.vector_load %arg9[%get3A, %get3A_176] {strides = array<i32>} : memref<320x64xf32, #tpu.memory_space<vmem>>, vector<1x16xf32>,
        %get3A_178 = vector.shape_cast %get3A_177 : vector<1x16xf32> to vector<16xf32>
        %mul3A_179 = arith.constant 8.000000e+00 : f32
        %mul3A_180 = vector.broadcast %mul3A_179 : f32 to vector<16xf32>
        %mul3A_181 = arith.mulf %get3A_178, %mul3A_180 : vector<16xf32>
        %swap3A = arith.index_cast %add3A_175 : i32 to index
        %swap3A_182 = arith.constant 0 : index
        %swap3A_183 = tpu.vector_load %arg9[%swap3A, %swap3A_182] {strides = array<i32>} : memref<320x64xf32, #tpu.memory_space<vmem>>, vector<1x16xf32>,
        %swap3A_184 = vector.shape_cast %swap3A_183 : vector<1x16xf32> to vector<16xf32>
        %swap3A_185 = vector.shape_cast %mul3A_181 : vector<16xf32> to vector<1x16xf32>
        tpu.vector_store %arg9[%swap3A, %swap3A_182], %swap3A_185 {strides = array<i32>} : memref<320x64xf32, #tpu.memory_space<vmem>>, vector<1x16xf32>,
        %get3A_186 = arith.index_cast %add3A_175 : i32 to index
        %get3A_187 = arith.constant 16 : index
        %get3A_188 = tpu.vector_load %arg9[%get3A_186, %get3A_187] {strides = array<i32>} : memref<320x64xf32, #tpu.memory_space<vmem>>, vector<1x16xf32>,
        %get3A_189 = vector.shape_cast %get3A_188 : vector<1x16xf32> to vector<16xf32>
        %mul3A_190 = arith.constant 8.000000e+00 : f32
        %mul3A_191 = vector.broadcast %mul3A_190 : f32 to vector<16xf32>
        %mul3A_192 = arith.mulf %get3A_189, %mul3A_191 : vector<16xf32>
        %swap3A_193 = arith.index_cast %add3A_175 : i32 to index
        %swap3A_194 = arith.constant 16 : index
        %swap3A_195 = tpu.vector_load %arg9[%swap3A_193, %swap3A_194] {strides = array<i32>} : memref<320x64xf32, #tpu.memory_space<vmem>>, vector<1x16xf32>,
        %swap3A_196 = vector.shape_cast %swap3A_195 : vector<1x16xf32> to vector<16xf32>
        %swap3A_197 = vector.shape_cast %mul3A_192 : vector<16xf32> to vector<1x16xf32>
        tpu.vector_store %arg9[%swap3A_193, %swap3A_194], %swap3A_197 {strides = array<i32>} : memref<320x64xf32, #tpu.memory_space<vmem>>, vector<1x16xf32>,
        %get3A_198 = arith.index_cast %add3A_175 : i32 to index
        %get3A_199 = arith.constant 32 : index
        %get3A_200 = tpu.vector_load %arg9[%get3A_198, %get3A_199] {strides = array<i32>} : memref<320x64xf32, #tpu.memory_space<vmem>>, vector<1x16xf32>,
        %get3A_201 = vector.shape_cast %get3A_200 : vector<1x16xf32> to vector<16xf32>
        %mul3A_202 = arith.constant 8.000000e+00 : f32
        %mul3A_203 = vector.broadcast %mul3A_202 : f32 to vector<16xf32>
        %mul3A_204 = arith.mulf %get3A_201, %mul3A_203 : vector<16xf32>
        %swap3A_205 = arith.index_cast %add3A_175 : i32 to index
        %swap3A_206 = arith.constant 32 : index
        %swap3A_207 = tpu.vector_load %arg9[%swap3A_205, %swap3A_206] {strides = array<i32>} : memref<320x64xf32, #tpu.memory_space<vmem>>, vector<1x16xf32>,
        %swap3A_208 = vector.shape_cast %swap3A_207 : vector<1x16xf32> to vector<16xf32>
        %swap3A_209 = vector.shape_cast %mul3A_204 : vector<16xf32> to vector<1x16xf32>
        tpu.vector_store %arg9[%swap3A_205, %swap3A_206], %swap3A_209 {strides = array<i32>} : memref<320x64xf32, #tpu.memory_space<vmem>>, vector<1x16xf32>,
        %get3A_210 = arith.index_cast %add3A_175 : i32 to index
        %get3A_211 = arith.constant 48 : index
        %get3A_212 = tpu.vector_load %arg9[%get3A_210, %get3A_211] {strides = array<i32>} : memref<320x64xf32, #tpu.memory_space<vmem>>, vector<1x16xf32>,
        %get3A_213 = vector.shape_cast %get3A_212 : vector<1x16xf32> to vector<16xf32>
        %mul3A_214 = arith.constant 8.000000e+00 : f32
        %mul3A_215 = vector.broadcast %mul3A_214 : f32 to vector<16xf32>
        %mul3A_216 = arith.mulf %get3A_213, %mul3A_215 : vector<16xf32>
        %swap3A_217 = arith.index_cast %add3A_175 : i32 to index
        %swap3A_218 = arith.constant 48 : index
        %swap3A_219 = tpu.vector_load %arg9[%swap3A_217, %swap3A_218] {strides = array<i32>} : memref<320x64xf32, #tpu.memory_space<vmem>>, vector<1x16xf32>,
        %swap3A_220 = vector.shape_cast %swap3A_219 : vector<1x16xf32> to vector<16xf32>
        %swap3A_221 = vector.shape_cast %mul3A_216 : vector<16xf32> to vector<1x16xf32>
        tpu.vector_store %arg9[%swap3A_217, %swap3A_218], %swap3A_221 {strides = array<i32>} : memref<320x64xf32, #tpu.memory_space<vmem>>, vector<1x16xf32>,
        %scan3A_222 = arith.constant 1 : i32
        %scan3A_223 = arith.addi %scan3A_171, %scan3A_222 : i32
        %mul3A_224 = arith.constant 1 : i32
        %mul3A_225 = arith.muli %scan3A_223, %mul3A_224 : i32
        %add3A_226 = arith.constant 0 : i32
        %add3A_227 = arith.addi %add3A_226, %mul3A_225 : i32
        %get3A_228 = arith.index_cast %add3A_227 : i32 to index
        %get3A_229 = arith.constant 0 : index
        %get3A_230 = tpu.vector_load %arg9[%get3A_228, %get3A_229] {strides = array<i32>} : memref<320x64xf32, #tpu.memory_space<vmem>>, vector<1x16xf32>,
        %get3A_231 = vector.shape_cast %get3A_230 : vector<1x16xf32> to vector<16xf32>
        %mul3A_232 = arith.constant 8.000000e+00 : f32
        %mul3A_233 = vector.broadcast %mul3A_232 : f32 to vector<16xf32>
        %mul3A_234 = arith.mulf %get3A_231, %mul3A_233 : vector<16xf32>
        %swap3A_235 = arith.index_cast %add3A_227 : i32 to index
        %swap3A_236 = arith.constant 0 : index
        %swap3A_237 = tpu.vector_load %arg9[%swap3A_235, %swap3A_236] {strides = array<i32>} : memref<320x64xf32, #tpu.memory_space<vmem>>, vector<1x16xf32>,
        %swap3A_238 = vector.shape_cast %swap3A_237 : vector<1x16xf32> to vector<16xf32>
        %swap3A_239 = vector.shape_cast %mul3A_234 : vector<16xf32> to vector<1x16xf32>
        tpu.vector_store %arg9[%swap3A_235, %swap3A_236], %swap3A_239 {strides = array<i32>} : memref<320x64xf32, #tpu.memory_space<vmem>>, vector<1x16xf32>,
        %get3A_240 = arith.index_cast %add3A_227 : i32 to index
        %get3A_241 = arith.constant 16 : index
        %get3A_242 = tpu.vector_load %arg9[%get3A_240, %get3A_241] {strides = array<i32>} : memref<320x64xf32, #tpu.memory_space<vmem>>, vector<1x16xf32>,
        %get3A_243 = vector.shape_cast %get3A_242 : vector<1x16xf32> to vector<16xf32>
        %mul3A_244 = arith.constant 8.000000e+00 : f32
        %mul3A_245 = vector.broadcast %mul3A_244 : f32 to vector<16xf32>
        %mul3A_246 = arith.mulf %get3A_243, %mul3A_245 : vector<16xf32>
        %swap3A_247 = arith.index_cast %add3A_227 : i32 to index
        %swap3A_248 = arith.constant 16 : index
        %swap3A_249 = tpu.vector_load %arg9[%swap3A_247, %swap3A_248] {strides = array<i32>} : memref<320x64xf32, #tpu.memory_space<vmem>>, vector<1x16xf32>,
        %swap3A_250 = vector.shape_cast %swap3A_249 : vector<1x16xf32> to vector<16xf32>
        %swap3A_251 = vector.shape_cast %mul3A_246 : vector<16xf32> to vector<1x16xf32>
        tpu.vector_store %arg9[%swap3A_247, %swap3A_248], %swap3A_251 {strides = array<i32>} : memref<320x64xf32, #tpu.memory_space<vmem>>, vector<1x16xf32>,
        %get3A_252 = arith.index_cast %add3A_227 : i32 to index
        %get3A_253 = arith.constant 32 : index
        %get3A_254 = tpu.vector_load %arg9[%get3A_252, %get3A_253] {strides = array<i32>} : memref<320x64xf32, #tpu.memory_space<vmem>>, vector<1x16xf32>,
        %get3A_255 = vector.shape_cast %get3A_254 : vector<1x16xf32> to vector<16xf32>
        %mul3A_256 = arith.constant 8.000000e+00 : f32
        %mul3A_257 = vector.broadcast %mul3A_256 : f32 to vector<16xf32>
        %mul3A_258 = arith.mulf %get3A_255, %mul3A_257 : vector<16xf32>
        %swap3A_259 = arith.index_cast %add3A_227 : i32 to index
        %swap3A_260 = arith.constant 32 : index
        %swap3A_261 = tpu.vector_load %arg9[%swap3A_259, %swap3A_260] {strides = array<i32>} : memref<320x64xf32, #tpu.memory_space<vmem>>, vector<1x16xf32>,
        %swap3A_262 = vector.shape_cast %swap3A_261 : vector<1x16xf32> to vector<16xf32>
        %swap3A_263 = vector.shape_cast %mul3A_258 : vector<16xf32> to vector<1x16xf32>
        tpu.vector_store %arg9[%swap3A_259, %swap3A_260], %swap3A_263 {strides = array<i32>} : memref<320x64xf32, #tpu.memory_space<vmem>>, vector<1x16xf32>,
        %get3A_264 = arith.index_cast %add3A_227 : i32 to index
        %get3A_265 = arith.constant 48 : index
        %get3A_266 = tpu.vector_load %arg9[%get3A_264, %get3A_265] {strides = array<i32>} : memref<320x64xf32, #tpu.memory_space<vmem>>, vector<1x16xf32>,
        %get3A_267 = vector.shape_cast %get3A_266 : vector<1x16xf32> to vector<16xf32>
        %mul3A_268 = arith.constant 8.000000e+00 : f32
        %mul3A_269 = vector.broadcast %mul3A_268 : f32 to vector<16xf32>
        %mul3A_270 = arith.mulf %get3A_267, %mul3A_269 : vector<16xf32>
        %swap3A_271 = arith.index_cast %add3A_227 : i32 to index
        %swap3A_272 = arith.constant 48 : index
        %swap3A_273 = tpu.vector_load %arg9[%swap3A_271, %swap3A_272] {strides = array<i32>} : memref<320x64xf32, #tpu.memory_space<vmem>>, vector<1x16xf32>,
        %swap3A_274 = vector.shape_cast %swap3A_273 : vector<1x16xf32> to vector<16xf32>
        %swap3A_275 = vector.shape_cast %mul3A_270 : vector<16xf32> to vector<1x16xf32>
        tpu.vector_store %arg9[%swap3A_271, %swap3A_272], %swap3A_275 {strides = array<i32>} : memref<320x64xf32, #tpu.memory_space<vmem>>, vector<1x16xf32>,
        %scan3A_276 = arith.constant 2 : i32
        %scan3A_277 = arith.addi %scan3A_171, %scan3A_276 : i32
        %mul3A_278 = arith.constant 1 : i32
        %mul3A_279 = arith.muli %scan3A_277, %mul3A_278 : i32
        %add3A_280 = arith.constant 0 : i32
        %add3A_281 = arith.addi %add3A_280, %mul3A_279 : i32
        %get3A_282 = arith.index_cast %add3A_281 : i32 to index
        %get3A_283 = arith.constant 0 : index
        %get3A_284 = tpu.vector_load %arg9[%get3A_282, %get3A_283] {strides = array<i32>} : memref<320x64xf32, #tpu.memory_space<vmem>>, vector<1x16xf32>,
        %get3A_285 = vector.shape_cast %get3A_284 : vector<1x16xf32> to vector<16xf32>
        %mul3A_286 = arith.constant 8.000000e+00 : f32
        %mul3A_287 = vector.broadcast %mul3A_286 : f32 to vector<16xf32>
        %mul3A_288 = arith.mulf %get3A_285, %mul3A_287 : vector<16xf32>
        %swap3A_289 = arith.index_cast %add3A_281 : i32 to index
        %swap3A_290 = arith.constant 0 : index
        %swap3A_291 = tpu.vector_load %arg9[%swap3A_289, %swap3A_290] {strides = array<i32>} : memref<320x64xf32, #tpu.memory_space<vmem>>, vector<1x16xf32>,
        %swap3A_292 = vector.shape_cast %swap3A_291 : vector<1x16xf32> to vector<16xf32>
        %swap3A_293 = vector.shape_cast %mul3A_288 : vector<16xf32> to vector<1x16xf32>
        tpu.vector_store %arg9[%swap3A_289, %swap3A_290], %swap3A_293 {strides = array<i32>} : memref<320x64xf32, #tpu.memory_space<vmem>>, vector<1x16xf32>,
        %get3A_294 = arith.index_cast %add3A_281 : i32 to index
        %get3A_295 = arith.constant 16 : index
        %get3A_296 = tpu.vector_load %arg9[%get3A_294, %get3A_295] {strides = array<i32>} : memref<320x64xf32, #tpu.memory_space<vmem>>, vector<1x16xf32>,
        %get3A_297 = vector.shape_cast %get3A_296 : vector<1x16xf32> to vector<16xf32>
        %mul3A_298 = arith.constant 8.000000e+00 : f32
        %mul3A_299 = vector.broadcast %mul3A_298 : f32 to vector<16xf32>
        %mul3A_300 = arith.mulf %get3A_297, %mul3A_299 : vector<16xf32>
        %swap3A_301 = arith.index_cast %add3A_281 : i32 to index
        %swap3A_302 = arith.constant 16 : index
        %swap3A_303 = tpu.vector_load %arg9[%swap3A_301, %swap3A_302] {strides = array<i32>} : memref<320x64xf32, #tpu.memory_space<vmem>>, vector<1x16xf32>,
        %swap3A_304 = vector.shape_cast %swap3A_303 : vector<1x16xf32> to vector<16xf32>
        %swap3A_305 = vector.shape_cast %mul3A_300 : vector<16xf32> to vector<1x16xf32>
        tpu.vector_store %arg9[%swap3A_301, %swap3A_302], %swap3A_305 {strides = array<i32>} : memref<320x64xf32, #tpu.memory_space<vmem>>, vector<1x16xf32>,
        %get3A_306 = arith.index_cast %add3A_281 : i32 to index
        %get3A_307 = arith.constant 32 : index
        %get3A_308 = tpu.vector_load %arg9[%get3A_306, %get3A_307] {strides = array<i32>} : memref<320x64xf32, #tpu.memory_space<vmem>>, vector<1x16xf32>,
        %get3A_309 = vector.shape_cast %get3A_308 : vector<1x16xf32> to vector<16xf32>
        %mul3A_310 = arith.constant 8.000000e+00 : f32
        %mul3A_311 = vector.broadcast %mul3A_310 : f32 to vector<16xf32>
        %mul3A_312 = arith.mulf %get3A_309, %mul3A_311 : vector<16xf32>
        %swap3A_313 = arith.index_cast %add3A_281 : i32 to index
        %swap3A_314 = arith.constant 32 : index
        %swap3A_315 = tpu.vector_load %arg9[%swap3A_313, %swap3A_314] {strides = array<i32>} : memref<320x64xf32, #tpu.memory_space<vmem>>, vector<1x16xf32>,
        %swap3A_316 = vector.shape_cast %swap3A_315 : vector<1x16xf32> to vector<16xf32>
        %swap3A_317 = vector.shape_cast %mul3A_312 : vector<16xf32> to vector<1x16xf32>
        tpu.vector_store %arg9[%swap3A_313, %swap3A_314], %swap3A_317 {strides = array<i32>} : memref<320x64xf32, #tpu.memory_space<vmem>>, vector<1x16xf32>,
        %get3A_318 = arith.index_cast %add3A_281 : i32 to index
        %get3A_319 = arith.constant 48 : index
        %get3A_320 = tpu.vector_load %arg9[%get3A_318, %get3A_319] {strides = array<i32>} : memref<320x64xf32, #tpu.memory_space<vmem>>, vector<1x16xf32>,
        %get3A_321 = vector.shape_cast %get3A_320 : vector<1x16xf32> to vector<16xf32>
        %mul3A_322 = arith.constant 8.000000e+00 : f32
        %mul3A_323 = vector.broadcast %mul3A_322 : f32 to vector<16xf32>
        %mul3A_324 = arith.mulf %get3A_321, %mul3A_323 : vector<16xf32>
        %swap3A_325 = arith.index_cast %add3A_281 : i32 to index
        %swap3A_326 = arith.constant 48 : index
        %swap3A_327 = tpu.vector_load %arg9[%swap3A_325, %swap3A_326] {strides = array<i32>} : memref<320x64xf32, #tpu.memory_space<vmem>>, vector<1x16xf32>,
        %swap3A_328 = vector.shape_cast %swap3A_327 : vector<1x16xf32> to vector<16xf32>
        %swap3A_329 = vector.shape_cast %mul3A_324 : vector<16xf32> to vector<1x16xf32>
        tpu.vector_store %arg9[%swap3A_325, %swap3A_326], %swap3A_329 {strides = array<i32>} : memref<320x64xf32, #tpu.memory_space<vmem>>, vector<1x16xf32>,
        %scan3A_330 = arith.constant 3 : i32
        %scan3A_331 = arith.addi %scan3A_171, %scan3A_330 : i32
        %mul3A_332 = arith.constant 1 : i32
        %mul3A_333 = arith.muli %scan3A_331, %mul3A_332 : i32
        %add3A_334 = arith.constant 0 : i32
        %add3A_335 = arith.addi %add3A_334, %mul3A_333 : i32
        %get3A_336 = arith.index_cast %add3A_335 : i32 to index
        %get3A_337 = arith.constant 0 : index
        %get3A_338 = tpu.vector_load %arg9[%get3A_336, %get3A_337] {strides = array<i32>} : memref<320x64xf32, #tpu.memory_space<vmem>>, vector<1x16xf32>,
        %get3A_339 = vector.shape_cast %get3A_338 : vector<1x16xf32> to vector<16xf32>
        %mul3A_340 = arith.constant 8.000000e+00 : f32
        %mul3A_341 = vector.broadcast %mul3A_340 : f32 to vector<16xf32>
        %mul3A_342 = arith.mulf %get3A_339, %mul3A_341 : vector<16xf32>
        %swap3A_343 = arith.index_cast %add3A_335 : i32 to index
        %swap3A_344 = arith.constant 0 : index
        %swap3A_345 = tpu.vector_load %arg9[%swap3A_343, %swap3A_344] {strides = array<i32>} : memref<320x64xf32, #tpu.memory_space<vmem>>, vector<1x16xf32>,
        %swap3A_346 = vector.shape_cast %swap3A_345 : vector<1x16xf32> to vector<16xf32>
        %swap3A_347 = vector.shape_cast %mul3A_342 : vector<16xf32> to vector<1x16xf32>
        tpu.vector_store %arg9[%swap3A_343, %swap3A_344], %swap3A_347 {strides = array<i32>} : memref<320x64xf32, #tpu.memory_space<vmem>>, vector<1x16xf32>,
        %get3A_348 = arith.index_cast %add3A_335 : i32 to index
        %get3A_349 = arith.constant 16 : index
        %get3A_350 = tpu.vector_load %arg9[%get3A_348, %get3A_349] {strides = array<i32>} : memref<320x64xf32, #tpu.memory_space<vmem>>, vector<1x16xf32>,
        %get3A_351 = vector.shape_cast %get3A_350 : vector<1x16xf32> to vector<16xf32>
        %mul3A_352 = arith.constant 8.000000e+00 : f32
        %mul3A_353 = vector.broadcast %mul3A_352 : f32 to vector<16xf32>
        %mul3A_354 = arith.mulf %get3A_351, %mul3A_353 : vector<16xf32>
        %swap3A_355 = arith.index_cast %add3A_335 : i32 to index
        %swap3A_356 = arith.constant 16 : index
        %swap3A_357 = tpu.vector_load %arg9[%swap3A_355, %swap3A_356] {strides = array<i32>} : memref<320x64xf32, #tpu.memory_space<vmem>>, vector<1x16xf32>,
        %swap3A_358 = vector.shape_cast %swap3A_357 : vector<1x16xf32> to vector<16xf32>
        %swap3A_359 = vector.shape_cast %mul3A_354 : vector<16xf32> to vector<1x16xf32>
        tpu.vector_store %arg9[%swap3A_355, %swap3A_356], %swap3A_359 {strides = array<i32>} : memref<320x64xf32, #tpu.memory_space<vmem>>, vector<1x16xf32>,
        %get3A_360 = arith.index_cast %add3A_335 : i32 to index
        %get3A_361 = arith.constant 32 : index
        %get3A_362 = tpu.vector_load %arg9[%get3A_360, %get3A_361] {strides = array<i32>} : memref<320x64xf32, #tpu.memory_space<vmem>>, vector<1x16xf32>,
        %get3A_363 = vector.shape_cast %get3A_362 : vector<1x16xf32> to vector<16xf32>
        %mul3A_364 = arith.constant 8.000000e+00 : f32
        %mul3A_365 = vector.broadcast %mul3A_364 : f32 to vector<16xf32>
        %mul3A_366 = arith.mulf %get3A_363, %mul3A_365 : vector<16xf32>
        %swap3A_367 = arith.index_cast %add3A_335 : i32 to index
        %swap3A_368 = arith.constant 32 : index
        %swap3A_369 = tpu.vector_load %arg9[%swap3A_367, %swap3A_368] {strides = array<i32>} : memref<320x64xf32, #tpu.memory_space<vmem>>, vector<1x16xf32>,
        %swap3A_370 = vector.shape_cast %swap3A_369 : vector<1x16xf32> to vector<16xf32>
        %swap3A_371 = vector.shape_cast %mul3A_366 : vector<16xf32> to vector<1x16xf32>
        tpu.vector_store %arg9[%swap3A_367, %swap3A_368], %swap3A_371 {strides = array<i32>} : memref<320x64xf32, #tpu.memory_space<vmem>>, vector<1x16xf32>,
        %get3A_372 = arith.index_cast %add3A_335 : i32 to index
        %get3A_373 = arith.constant 48 : index
        %get3A_374 = tpu.vector_load %arg9[%get3A_372, %get3A_373] {strides = array<i32>} : memref<320x64xf32, #tpu.memory_space<vmem>>, vector<1x16xf32>,
        %get3A_375 = vector.shape_cast %get3A_374 : vector<1x16xf32> to vector<16xf32>
        %mul3A_376 = arith.constant 8.000000e+00 : f32
        %mul3A_377 = vector.broadcast %mul3A_376 : f32 to vector<16xf32>
        %mul3A_378 = arith.mulf %get3A_375, %mul3A_377 : vector<16xf32>
        %swap3A_379 = arith.index_cast %add3A_335 : i32 to index
        %swap3A_380 = arith.constant 48 : index
        %swap3A_381 = tpu.vector_load %arg9[%swap3A_379, %swap3A_380] {strides = array<i32>} : memref<320x64xf32, #tpu.memory_space<vmem>>, vector<1x16xf32>,
        %swap3A_382 = vector.shape_cast %swap3A_381 : vector<1x16xf32> to vector<16xf32>
        %swap3A_383 = vector.shape_cast %mul3A_378 : vector<16xf32> to vector<1x16xf32>
        tpu.vector_store %arg9[%swap3A_379, %swap3A_380], %swap3A_383 {strides = array<i32>} : memref<320x64xf32, #tpu.memory_space<vmem>>, vector<1x16xf32>,
        %scan3A_384 = arith.constant 4 : i32
        %scan3A_385 = arith.addi %scan3A_171, %scan3A_384 : i32
        %mul3A_386 = arith.constant 1 : i32
        %mul3A_387 = arith.muli %scan3A_385, %mul3A_386 : i32
        %add3A_388 = arith.constant 0 : i32
        %add3A_389 = arith.addi %add3A_388, %mul3A_387 : i32
        %get3A_390 = arith.index_cast %add3A_389 : i32 to index
        %get3A_391 = arith.constant 0 : index
        %get3A_392 = tpu.vector_load %arg9[%get3A_390, %get3A_391] {strides = array<i32>} : memref<320x64xf32, #tpu.memory_space<vmem>>, vector<1x16xf32>,
        %get3A_393 = vector.shape_cast %get3A_392 : vector<1x16xf32> to vector<16xf32>
        %mul3A_394 = arith.constant 8.000000e+00 : f32
        %mul3A_395 = vector.broadcast %mul3A_394 : f32 to vector<16xf32>
        %mul3A_396 = arith.mulf %get3A_393, %mul3A_395 : vector<16xf32>
        %swap3A_397 = arith.index_cast %add3A_389 : i32 to index
        %swap3A_398 = arith.constant 0 : index
        %swap3A_399 = tpu.vector_load %arg9[%swap3A_397, %swap3A_398] {strides = array<i32>} : memref<320x64xf32, #tpu.memory_space<vmem>>, vector<1x16xf32>,
        %swap3A_400 = vector.shape_cast %swap3A_399 : vector<1x16xf32> to vector<16xf32>
        %swap3A_401 = vector.shape_cast %mul3A_396 : vector<16xf32> to vector<1x16xf32>
        tpu.vector_store %arg9[%swap3A_397, %swap3A_398], %swap3A_401 {strides = array<i32>} : memref<320x64xf32, #tpu.memory_space<vmem>>, vector<1x16xf32>,
        %get3A_402 = arith.index_cast %add3A_389 : i32 to index
        %get3A_403 = arith.constant 16 : index
        %get3A_404 = tpu.vector_load %arg9[%get3A_402, %get3A_403] {strides = array<i32>} : memref<320x64xf32, #tpu.memory_space<vmem>>, vector<1x16xf32>,
        %get3A_405 = vector.shape_cast %get3A_404 : vector<1x16xf32> to vector<16xf32>
        %mul3A_406 = arith.constant 8.000000e+00 : f32
        %mul3A_407 = vector.broadcast %mul3A_406 : f32 to vector<16xf32>
        %mul3A_408 = arith.mulf %get3A_405, %mul3A_407 : vector<16xf32>
        %swap3A_409 = arith.index_cast %add3A_389 : i32 to index
        %swap3A_410 = arith.constant 16 : index
        %swap3A_411 = tpu.vector_load %arg9[%swap3A_409, %swap3A_410] {strides = array<i32>} : memref<320x64xf32, #tpu.memory_space<vmem>>, vector<1x16xf32>,
        %swap3A_412 = vector.shape_cast %swap3A_411 : vector<1x16xf32> to vector<16xf32>
        %swap3A_413 = vector.shape_cast %mul3A_408 : vector<16xf32> to vector<1x16xf32>
        tpu.vector_store %arg9[%swap3A_409, %swap3A_410], %swap3A_413 {strides = array<i32>} : memref<320x64xf32, #tpu.memory_space<vmem>>, vector<1x16xf32>,
        %get3A_414 = arith.index_cast %add3A_389 : i32 to index
        %get3A_415 = arith.constant 32 : index
        %get3A_416 = tpu.vector_load %arg9[%get3A_414, %get3A_415] {strides = array<i32>} : memref<320x64xf32, #tpu.memory_space<vmem>>, vector<1x16xf32>,
        %get3A_417 = vector.shape_cast %get3A_416 : vector<1x16xf32> to vector<16xf32>
        %mul3A_418 = arith.constant 8.000000e+00 : f32
        %mul3A_419 = vector.broadcast %mul3A_418 : f32 to vector<16xf32>
        %mul3A_420 = arith.mulf %get3A_417, %mul3A_419 : vector<16xf32>
        %swap3A_421 = arith.index_cast %add3A_389 : i32 to index
        %swap3A_422 = arith.constant 32 : index
        %swap3A_423 = tpu.vector_load %arg9[%swap3A_421, %swap3A_422] {strides = array<i32>} : memref<320x64xf32, #tpu.memory_space<vmem>>, vector<1x16xf32>,
        %swap3A_424 = vector.shape_cast %swap3A_423 : vector<1x16xf32> to vector<16xf32>
        %swap3A_425 = vector.shape_cast %mul3A_420 : vector<16xf32> to vector<1x16xf32>
        tpu.vector_store %arg9[%swap3A_421, %swap3A_422], %swap3A_425 {strides = array<i32>} : memref<320x64xf32, #tpu.memory_space<vmem>>, vector<1x16xf32>,
        %get3A_426 = arith.index_cast %add3A_389 : i32 to index
        %get3A_427 = arith.constant 48 : index
        %get3A_428 = tpu.vector_load %arg9[%get3A_426, %get3A_427] {strides = array<i32>} : memref<320x64xf32, #tpu.memory_space<vmem>>, vector<1x16xf32>,
        %get3A_429 = vector.shape_cast %get3A_428 : vector<1x16xf32> to vector<16xf32>
        %mul3A_430 = arith.constant 8.000000e+00 : f32
        %mul3A_431 = vector.broadcast %mul3A_430 : f32 to vector<16xf32>
        %mul3A_432 = arith.mulf %get3A_429, %mul3A_431 : vector<16xf32>
        %swap3A_433 = arith.index_cast %add3A_389 : i32 to index
        %swap3A_434 = arith.constant 48 : index
        %swap3A_435 = tpu.vector_load %arg9[%swap3A_433, %swap3A_434] {strides = array<i32>} : memref<320x64xf32, #tpu.memory_space<vmem>>, vector<1x16xf32>,
        %swap3A_436 = vector.shape_cast %swap3A_435 : vector<1x16xf32> to vector<16xf32>
        %swap3A_437 = vector.shape_cast %mul3A_432 : vector<16xf32> to vector<1x16xf32>
        tpu.vector_store %arg9[%swap3A_433, %swap3A_434], %swap3A_437 {strides = array<i32>} : memref<320x64xf32, #tpu.memory_space<vmem>>, vector<1x16xf32>,
        %scan3A_438 = arith.constant 5 : i32
        %scan3A_439 = arith.addi %scan3A_171, %scan3A_438 : i32
        %mul3A_440 = arith.constant 1 : i32
        %mul3A_441 = arith.muli %scan3A_439, %mul3A_440 : i32
        %add3A_442 = arith.constant 0 : i32
        %add3A_443 = arith.addi %add3A_442, %mul3A_441 : i32
        %get3A_444 = arith.index_cast %add3A_443 : i32 to index
        %get3A_445 = arith.constant 0 : index
        %get3A_446 = tpu.vector_load %arg9[%get3A_444, %get3A_445] {strides = array<i32>} : memref<320x64xf32, #tpu.memory_space<vmem>>, vector<1x16xf32>,
        %get3A_447 = vector.shape_cast %get3A_446 : vector<1x16xf32> to vector<16xf32>
        %mul3A_448 = arith.constant 8.000000e+00 : f32
        %mul3A_449 = vector.broadcast %mul3A_448 : f32 to vector<16xf32>
        %mul3A_450 = arith.mulf %get3A_447, %mul3A_449 : vector<16xf32>
        %swap3A_451 = arith.index_cast %add3A_443 : i32 to index
        %swap3A_452 = arith.constant 0 : index
        %swap3A_453 = tpu.vector_load %arg9[%swap3A_451, %swap3A_452] {strides = array<i32>} : memref<320x64xf32, #tpu.memory_space<vmem>>, vector<1x16xf32>,
        %swap3A_454 = vector.shape_cast %swap3A_453 : vector<1x16xf32> to vector<16xf32>
        %swap3A_455 = vector.shape_cast %mul3A_450 : vector<16xf32> to vector<1x16xf32>
        tpu.vector_store %arg9[%swap3A_451, %swap3A_452], %swap3A_455 {strides = array<i32>} : memref<320x64xf32, #tpu.memory_space<vmem>>, vector<1x16xf32>,
        %get3A_456 = arith.index_cast %add3A_443 : i32 to index
        %get3A_457 = arith.constant 16 : index
        %get3A_458 = tpu.vector_load %arg9[%get3A_456, %get3A_457] {strides = array<i32>} : memref<320x64xf32, #tpu.memory_space<vmem>>, vector<1x16xf32>,
        %get3A_459 = vector.shape_cast %get3A_458 : vector<1x16xf32> to vector<16xf32>
        %mul3A_460 = arith.constant 8.000000e+00 : f32
        %mul3A_461 = vector.broadcast %mul3A_460 : f32 to vector<16xf32>
        %mul3A_462 = arith.mulf %get3A_459, %mul3A_461 : vector<16xf32>
        %swap3A_463 = arith.index_cast %add3A_443 : i32 to index
        %swap3A_464 = arith.constant 16 : index
        %swap3A_465 = tpu.vector_load %arg9[%swap3A_463, %swap3A_464] {strides = array<i32>} : memref<320x64xf32, #tpu.memory_space<vmem>>, vector<1x16xf32>,
        %swap3A_466 = vector.shape_cast %swap3A_465 : vector<1x16xf32> to vector<16xf32>
        %swap3A_467 = vector.shape_cast %mul3A_462 : vector<16xf32> to vector<1x16xf32>
        tpu.vector_store %arg9[%swap3A_463, %swap3A_464], %swap3A_467 {strides = array<i32>} : memref<320x64xf32, #tpu.memory_space<vmem>>, vector<1x16xf32>,
        %get3A_468 = arith.index_cast %add3A_443 : i32 to index
        %get3A_469 = arith.constant 32 : index
        %get3A_470 = tpu.vector_load %arg9[%get3A_468, %get3A_469] {strides = array<i32>} : memref<320x64xf32, #tpu.memory_space<vmem>>, vector<1x16xf32>,
        %get3A_471 = vector.shape_cast %get3A_470 : vector<1x16xf32> to vector<16xf32>
        %mul3A_472 = arith.constant 8.000000e+00 : f32
        %mul3A_473 = vector.broadcast %mul3A_472 : f32 to vector<16xf32>
        %mul3A_474 = arith.mulf %get3A_471, %mul3A_473 : vector<16xf32>
        %swap3A_475 = arith.index_cast %add3A_443 : i32 to index
        %swap3A_476 = arith.constant 32 : index
        %swap3A_477 = tpu.vector_load %arg9[%swap3A_475, %swap3A_476] {strides = array<i32>} : memref<320x64xf32, #tpu.memory_space<vmem>>, vector<1x16xf32>,
        %swap3A_478 = vector.shape_cast %swap3A_477 : vector<1x16xf32> to vector<16xf32>
        %swap3A_479 = vector.shape_cast %mul3A_474 : vector<16xf32> to vector<1x16xf32>
        tpu.vector_store %arg9[%swap3A_475, %swap3A_476], %swap3A_479 {strides = array<i32>} : memref<320x64xf32, #tpu.memory_space<vmem>>, vector<1x16xf32>,
        %get3A_480 = arith.index_cast %add3A_443 : i32 to index
        %get3A_481 = arith.constant 48 : index
        %get3A_482 = tpu.vector_load %arg9[%get3A_480, %get3A_481] {strides = array<i32>} : memref<320x64xf32, #tpu.memory_space<vmem>>, vector<1x16xf32>,
        %get3A_483 = vector.shape_cast %get3A_482 : vector<1x16xf32> to vector<16xf32>
        %mul3A_484 = arith.constant 8.000000e+00 : f32
        %mul3A_485 = vector.broadcast %mul3A_484 : f32 to vector<16xf32>
        %mul3A_486 = arith.mulf %get3A_483, %mul3A_485 : vector<16xf32>
        %swap3A_487 = arith.index_cast %add3A_443 : i32 to index
        %swap3A_488 = arith.constant 48 : index
        %swap3A_489 = tpu.vector_load %arg9[%swap3A_487, %swap3A_488] {strides = array<i32>} : memref<320x64xf32, #tpu.memory_space<vmem>>, vector<1x16xf32>,
        %swap3A_490 = vector.shape_cast %swap3A_489 : vector<1x16xf32> to vector<16xf32>
        %swap3A_491 = vector.shape_cast %mul3A_486 : vector<16xf32> to vector<1x16xf32>
        tpu.vector_store %arg9[%swap3A_487, %swap3A_488], %swap3A_491 {strides = array<i32>} : memref<320x64xf32, #tpu.memory_space<vmem>>, vector<1x16xf32>,
        %scan3A_492 = arith.constant 6 : i32
        %scan3A_493 = arith.addi %scan3A_171, %scan3A_492 : i32
        %mul3A_494 = arith.constant 1 : i32
        %mul3A_495 = arith.muli %scan3A_493, %mul3A_494 : i32
        %add3A_496 = arith.constant 0 : i32
        %add3A_497 = arith.addi %add3A_496, %mul3A_495 : i32
        %get3A_498 = arith.index_cast %add3A_497 : i32 to index
        %get3A_499 = arith.constant 0 : index
        %get3A_500 = tpu.vector_load %arg9[%get3A_498, %get3A_499] {strides = array<i32>} : memref<320x64xf32, #tpu.memory_space<vmem>>, vector<1x16xf32>,
        %get3A_501 = vector.shape_cast %get3A_500 : vector<1x16xf32> to vector<16xf32>
        %mul3A_502 = arith.constant 8.000000e+00 : f32
        %mul3A_503 = vector.broadcast %mul3A_502 : f32 to vector<16xf32>
        %mul3A_504 = arith.mulf %get3A_501, %mul3A_503 : vector<16xf32>
        %swap3A_505 = arith.index_cast %add3A_497 : i32 to index
        %swap3A_506 = arith.constant 0 : index
        %swap3A_507 = tpu.vector_load %arg9[%swap3A_505, %swap3A_506] {strides = array<i32>} : memref<320x64xf32, #tpu.memory_space<vmem>>, vector<1x16xf32>,
        %swap3A_508 = vector.shape_cast %swap3A_507 : vector<1x16xf32> to vector<16xf32>
        %swap3A_509 = vector.shape_cast %mul3A_504 : vector<16xf32> to vector<1x16xf32>
        tpu.vector_store %arg9[%swap3A_505, %swap3A_506], %swap3A_509 {strides = array<i32>} : memref<320x64xf32, #tpu.memory_space<vmem>>, vector<1x16xf32>,
        %get3A_510 = arith.index_cast %add3A_497 : i32 to index
        %get3A_511 = arith.constant 16 : index
        %get3A_512 = tpu.vector_load %arg9[%get3A_510, %get3A_511] {strides = array<i32>} : memref<320x64xf32, #tpu.memory_space<vmem>>, vector<1x16xf32>,
        %get3A_513 = vector.shape_cast %get3A_512 : vector<1x16xf32> to vector<16xf32>
        %mul3A_514 = arith.constant 8.000000e+00 : f32
        %mul3A_515 = vector.broadcast %mul3A_514 : f32 to vector<16xf32>
        %mul3A_516 = arith.mulf %get3A_513, %mul3A_515 : vector<16xf32>
        %swap3A_517 = arith.index_cast %add3A_497 : i32 to index
        %swap3A_518 = arith.constant 16 : index
        %swap3A_519 = tpu.vector_load %arg9[%swap3A_517, %swap3A_518] {strides = array<i32>} : memref<320x64xf32, #tpu.memory_space<vmem>>, vector<1x16xf32>,
        %swap3A_520 = vector.shape_cast %swap3A_519 : vector<1x16xf32> to vector<16xf32>
        %swap3A_521 = vector.shape_cast %mul3A_516 : vector<16xf32> to vector<1x16xf32>
        tpu.vector_store %arg9[%swap3A_517, %swap3A_518], %swap3A_521 {strides = array<i32>} : memref<320x64xf32, #tpu.memory_space<vmem>>, vector<1x16xf32>,
        %get3A_522 = arith.index_cast %add3A_497 : i32 to index
        %get3A_523 = arith.constant 32 : index
        %get3A_524 = tpu.vector_load %arg9[%get3A_522, %get3A_523] {strides = array<i32>} : memref<320x64xf32, #tpu.memory_space<vmem>>, vector<1x16xf32>,
        %get3A_525 = vector.shape_cast %get3A_524 : vector<1x16xf32> to vector<16xf32>
        %mul3A_526 = arith.constant 8.000000e+00 : f32
        %mul3A_527 = vector.broadcast %mul3A_526 : f32 to vector<16xf32>
        %mul3A_528 = arith.mulf %get3A_525, %mul3A_527 : vector<16xf32>
        %swap3A_529 = arith.index_cast %add3A_497 : i32 to index
        %swap3A_530 = arith.constant 32 : index
        %swap3A_531 = tpu.vector_load %arg9[%swap3A_529, %swap3A_530] {strides = array<i32>} : memref<320x64xf32, #tpu.memory_space<vmem>>, vector<1x16xf32>,
        %swap3A_532 = vector.shape_cast %swap3A_531 : vector<1x16xf32> to vector<16xf32>
        %swap3A_533 = vector.shape_cast %mul3A_528 : vector<16xf32> to vector<1x16xf32>
        tpu.vector_store %arg9[%swap3A_529, %swap3A_530], %swap3A_533 {strides = array<i32>} : memref<320x64xf32, #tpu.memory_space<vmem>>, vector<1x16xf32>,
        %get3A_534 = arith.index_cast %add3A_497 : i32 to index
        %get3A_535 = arith.constant 48 : index
        %get3A_536 = tpu.vector_load %arg9[%get3A_534, %get3A_535] {strides = array<i32>} : memref<320x64xf32, #tpu.memory_space<vmem>>, vector<1x16xf32>,
        %get3A_537 = vector.shape_cast %get3A_536 : vector<1x16xf32> to vector<16xf32>
        %mul3A_538 = arith.constant 8.000000e+00 : f32
        %mul3A_539 = vector.broadcast %mul3A_538 : f32 to vector<16xf32>
        %mul3A_540 = arith.mulf %get3A_537, %mul3A_539 : vector<16xf32>
        %swap3A_541 = arith.index_cast %add3A_497 : i32 to index
        %swap3A_542 = arith.constant 48 : index
        %swap3A_543 = tpu.vector_load %arg9[%swap3A_541, %swap3A_542] {strides = array<i32>} : memref<320x64xf32, #tpu.memory_space<vmem>>, vector<1x16xf32>,
        %swap3A_544 = vector.shape_cast %swap3A_543 : vector<1x16xf32> to vector<16xf32>
        %swap3A_545 = vector.shape_cast %mul3A_540 : vector<16xf32> to vector<1x16xf32>
        tpu.vector_store %arg9[%swap3A_541, %swap3A_542], %swap3A_545 {strides = array<i32>} : memref<320x64xf32, #tpu.memory_space<vmem>>, vector<1x16xf32>,
        %scan3A_546 = arith.constant 7 : i32
        %scan3A_547 = arith.addi %scan3A_171, %scan3A_546 : i32
        %mul3A_548 = arith.constant 1 : i32
        %mul3A_549 = arith.muli %scan3A_547, %mul3A_548 : i32
        %add3A_550 = arith.constant 0 : i32
        %add3A_551 = arith.addi %add3A_550, %mul3A_549 : i32
        %get3A_552 = arith.index_cast %add3A_551 : i32 to index
        %get3A_553 = arith.constant 0 : index
        %get3A_554 = tpu.vector_load %arg9[%get3A_552, %get3A_553] {strides = array<i32>} : memref<320x64xf32, #tpu.memory_space<vmem>>, vector<1x16xf32>,
        %get3A_555 = vector.shape_cast %get3A_554 : vector<1x16xf32> to vector<16xf32>
        %mul3A_556 = arith.constant 8.000000e+00 : f32
        %mul3A_557 = vector.broadcast %mul3A_556 : f32 to vector<16xf32>
        %mul3A_558 = arith.mulf %get3A_555, %mul3A_557 : vector<16xf32>
        %swap3A_559 = arith.index_cast %add3A_551 : i32 to index
        %swap3A_560 = arith.constant 0 : index
        %swap3A_561 = tpu.vector_load %arg9[%swap3A_559, %swap3A_560] {strides = array<i32>} : memref<320x64xf32, #tpu.memory_space<vmem>>, vector<1x16xf32>,
        %swap3A_562 = vector.shape_cast %swap3A_561 : vector<1x16xf32> to vector<16xf32>
        %swap3A_563 = vector.shape_cast %mul3A_558 : vector<16xf32> to vector<1x16xf32>
        tpu.vector_store %arg9[%swap3A_559, %swap3A_560], %swap3A_563 {strides = array<i32>} : memref<320x64xf32, #tpu.memory_space<vmem>>, vector<1x16xf32>,
        %get3A_564 = arith.index_cast %add3A_551 : i32 to index
        %get3A_565 = arith.constant 16 : index
        %get3A_566 = tpu.vector_load %arg9[%get3A_564, %get3A_565] {strides = array<i32>} : memref<320x64xf32, #tpu.memory_space<vmem>>, vector<1x16xf32>,
        %get3A_567 = vector.shape_cast %get3A_566 : vector<1x16xf32> to vector<16xf32>
        %mul3A_568 = arith.constant 8.000000e+00 : f32
        %mul3A_569 = vector.broadcast %mul3A_568 : f32 to vector<16xf32>
        %mul3A_570 = arith.mulf %get3A_567, %mul3A_569 : vector<16xf32>
        %swap3A_571 = arith.index_cast %add3A_551 : i32 to index
        %swap3A_572 = arith.constant 16 : index
        %swap3A_573 = tpu.vector_load %arg9[%swap3A_571, %swap3A_572] {strides = array<i32>} : memref<320x64xf32, #tpu.memory_space<vmem>>, vector<1x16xf32>,
        %swap3A_574 = vector.shape_cast %swap3A_573 : vector<1x16xf32> to vector<16xf32>
        %swap3A_575 = vector.shape_cast %mul3A_570 : vector<16xf32> to vector<1x16xf32>
        tpu.vector_store %arg9[%swap3A_571, %swap3A_572], %swap3A_575 {strides = array<i32>} : memref<320x64xf32, #tpu.memory_space<vmem>>, vector<1x16xf32>,
        %get3A_576 = arith.index_cast %add3A_551 : i32 to index
        %get3A_577 = arith.constant 32 : index
        %get3A_578 = tpu.vector_load %arg9[%get3A_576, %get3A_577] {strides = array<i32>} : memref<320x64xf32, #tpu.memory_space<vmem>>, vector<1x16xf32>,
        %get3A_579 = vector.shape_cast %get3A_578 : vector<1x16xf32> to vector<16xf32>
        %mul3A_580 = arith.constant 8.000000e+00 : f32
        %mul3A_581 = vector.broadcast %mul3A_580 : f32 to vector<16xf32>
        %mul3A_582 = arith.mulf %get3A_579, %mul3A_581 : vector<16xf32>
        %swap3A_583 = arith.index_cast %add3A_551 : i32 to index
        %swap3A_584 = arith.constant 32 : index
        %swap3A_585 = tpu.vector_load %arg9[%swap3A_583, %swap3A_584] {strides = array<i32>} : memref<320x64xf32, #tpu.memory_space<vmem>>, vector<1x16xf32>,
        %swap3A_586 = vector.shape_cast %swap3A_585 : vector<1x16xf32> to vector<16xf32>
        %swap3A_587 = vector.shape_cast %mul3A_582 : vector<16xf32> to vector<1x16xf32>
        tpu.vector_store %arg9[%swap3A_583, %swap3A_584], %swap3A_587 {strides = array<i32>} : memref<320x64xf32, #tpu.memory_space<vmem>>, vector<1x16xf32>,
        %get3A_588 = arith.index_cast %add3A_551 : i32 to index
        %get3A_589 = arith.constant 48 : index
        %get3A_590 = tpu.vector_load %arg9[%get3A_588, %get3A_589] {strides = array<i32>} : memref<320x64xf32, #tpu.memory_space<vmem>>, vector<1x16xf32>,
        %get3A_591 = vector.shape_cast %get3A_590 : vector<1x16xf32> to vector<16xf32>
        %mul3A_592 = arith.constant 8.000000e+00 : f32
        %mul3A_593 = vector.broadcast %mul3A_592 : f32 to vector<16xf32>
        %mul3A_594 = arith.mulf %get3A_591, %mul3A_593 : vector<16xf32>
        %swap3A_595 = arith.index_cast %add3A_551 : i32 to index
        %swap3A_596 = arith.constant 48 : index
        %swap3A_597 = tpu.vector_load %arg9[%swap3A_595, %swap3A_596] {strides = array<i32>} : memref<320x64xf32, #tpu.memory_space<vmem>>, vector<1x16xf32>,
        %swap3A_598 = vector.shape_cast %swap3A_597 : vector<1x16xf32> to vector<16xf32>
        %swap3A_599 = vector.shape_cast %mul3A_594 : vector<16xf32> to vector<1x16xf32>
        tpu.vector_store %arg9[%swap3A_595, %swap3A_596], %swap3A_599 {strides = array<i32>} : memref<320x64xf32, #tpu.memory_space<vmem>>, vector<1x16xf32>,
      }
      %scan3A_102 = arith.constant 320 : i32
      %mul3A_103 = arith.constant 320 : i32
      %mul3A_104 = arith.muli %add3A_91, %mul3A_103 : i32
      %add3A_105 = arith.addi %mul3A_2, %mul3A_104 : i32
      %dma_start3A_106 = arith.constant 0 : i32
      %dma_start3A_107 = tpu.memref_slice %arg4[%add3A_105, %dma_start3A_106] : memref<819200x64xf32, #tpu.memory_space<hbm>> -> memref<320x64xf32, #tpu.memory_space<hbm>>
      %dma_start3A_108 = arith.constant 0 : i32
      %dma_start3A_109 = tpu.memref_slice %arg4[%add3A_105, %dma_start3A_108] : memref<819200x64xf32, #tpu.memory_space<hbm>> -> memref<320x64xf32, #tpu.memory_space<hbm>>
      tpu.enqueue_dma source(%arg9 : memref<320x64xf32, #tpu.memory_space<vmem>>) target(%dma_start3A_109 : memref<320x64xf32, #tpu.memory_space<hbm>>) target_semaphore(%arg17 : memref<!tpu.dma_semaphore, #tpu.memory_space<semaphore_mem>>)
      %add3A_110 = arith.constant 0 : i32
      %add3A_111 = arith.addi %add3A_30, %add3A_110 : i32
      %mul3A_112 = arith.constant 320 : i32
      %mul3A_113 = arith.muli %add3A_111, %mul3A_112 : i32
      %add3A_114 = arith.addi %mul3A_2, %mul3A_113 : i32
      %dma_wait3A_115 = arith.constant 0 : i32
      %dma_wait3A_116 = tpu.memref_slice %arg4[%add3A_114, %dma_wait3A_115] : memref<819200x64xf32, #tpu.memory_space<hbm>> -> memref<320x64xf32, #tpu.memory_space<hbm>>
      %dma_wait3A_117 = arith.constant 0 : i32
      %dma_wait3A_118 = tpu.memref_slice %arg4[%add3A_114, %dma_wait3A_117] : memref<819200x64xf32, #tpu.memory_space<hbm>> -> memref<320x64xf32, #tpu.memory_space<hbm>>
      tpu.wait_dma2 semaphore(%arg14 : memref<!tpu.dma_semaphore, #tpu.memory_space<semaphore_mem>>) src(%arg6 : memref<320x64xf32, #tpu.memory_space<vmem>>) dst(%dma_wait3A_118 : memref<320x64xf32, #tpu.memory_space<hbm>>)
      %add3A_119 = arith.constant 4 : i32
      %add3A_120 = arith.addi %add3A_111, %add3A_119 : i32
      %lt3A = arith.constant 80 : i32
      %lt3A_121 = arith.cmpi slt, %add3A_120, %lt3A : i32
      %convert_element_type3A = arith.extui %lt3A_121 : i1 to i32
      %cond3A = arith.constant 0 : i32
      %cond3A_122 = arith.cmpi ne, %convert_element_type3A, %cond3A : i32
      scf.if %cond3A_122 {
        %mul3A_171 = arith.constant 320 : i32
        %mul3A_172 = arith.muli %add3A_120, %mul3A_171 : i32
        %dma_start3A_173 = tpu.memref_slice %arg5[%mul3A_172] : memref<25600xi32, #tpu.memory_space<vmem>> -> memref<320xi32, #tpu.memory_space<vmem>>
        %dma_start3A_174 = arith.constant 0 : i32
        %dma_start3A_175 = arith.constant 0 : i32
        %dma_start3A_176 = tpu.memref_slice %arg3[%dma_start3A_174, %dma_start3A_175] : memref<1000000x64xf32, #tpu.memory_space<hbm>> -> memref<1000000x64xf32, #tpu.memory_space<hbm>>
        tpu.enqueue_indirect_dma source(%dma_start3A_176 : memref<1000000x64xf32, #tpu.memory_space<hbm>>) target(%arg6 : memref<320x64xf32, #tpu.memory_space<vmem>>) offsets(%dma_start3A_173 : memref<320xi32, #tpu.memory_space<vmem>>) semaphore(%arg10 : memref<!tpu.dma_semaphore, #tpu.memory_space<semaphore_mem>>)
      } else {
      }
      %add3A_123 = arith.constant 1 : i32
      %add3A_124 = arith.addi %add3A_30, %add3A_123 : i32
      %mul3A_125 = arith.constant 320 : i32
      %mul3A_126 = arith.muli %add3A_124, %mul3A_125 : i32
      %add3A_127 = arith.addi %mul3A_2, %mul3A_126 : i32
      %dma_wait3A_128 = arith.constant 0 : i32
      %dma_wait3A_129 = tpu.memref_slice %arg4[%add3A_127, %dma_wait3A_128] : memref<819200x64xf32, #tpu.memory_space<hbm>> -> memref<320x64xf32, #tpu.memory_space<hbm>>
      %dma_wait3A_130 = arith.constant 0 : i32
      %dma_wait3A_131 = tpu.memref_slice %arg4[%add3A_127, %dma_wait3A_130] : memref<819200x64xf32, #tpu.memory_space<hbm>> -> memref<320x64xf32, #tpu.memory_space<hbm>>
      tpu.wait_dma2 semaphore(%arg15 : memref<!tpu.dma_semaphore, #tpu.memory_space<semaphore_mem>>) src(%arg7 : memref<320x64xf32, #tpu.memory_space<vmem>>) dst(%dma_wait3A_131 : memref<320x64xf32, #tpu.memory_space<hbm>>)
      %add3A_132 = arith.constant 4 : i32
      %add3A_133 = arith.addi %add3A_124, %add3A_132 : i32
      %lt3A_134 = arith.constant 80 : i32
      %lt3A_135 = arith.cmpi slt, %add3A_133, %lt3A_134 : i32
      %convert_element_type3A_136 = arith.extui %lt3A_135 : i1 to i32
      %cond3A_137 = arith.constant 0 : i32
      %cond3A_138 = arith.cmpi ne, %convert_element_type3A_136, %cond3A_137 : i32
      scf.if %cond3A_138 {
        %mul3A_171 = arith.constant 320 : i32
        %mul3A_172 = arith.muli %add3A_133, %mul3A_171 : i32
        %dma_start3A_173 = tpu.memref_slice %arg5[%mul3A_172] : memref<25600xi32, #tpu.memory_space<vmem>> -> memref<320xi32, #tpu.memory_space<vmem>>
        %dma_start3A_174 = arith.constant 0 : i32
        %dma_start3A_175 = arith.constant 0 : i32
        %dma_start3A_176 = tpu.memref_slice %arg3[%dma_start3A_174, %dma_start3A_175] : memref<1000000x64xf32, #tpu.memory_space<hbm>> -> memref<1000000x64xf32, #tpu.memory_space<hbm>>
        tpu.enqueue_indirect_dma source(%dma_start3A_176 : memref<1000000x64xf32, #tpu.memory_space<hbm>>) target(%arg7 : memref<320x64xf32, #tpu.memory_space<vmem>>) offsets(%dma_start3A_173 : memref<320xi32, #tpu.memory_space<vmem>>) semaphore(%arg11 : memref<!tpu.dma_semaphore, #tpu.memory_space<semaphore_mem>>)
      } else {
      }
      %add3A_139 = arith.constant 2 : i32
      %add3A_140 = arith.addi %add3A_30, %add3A_139 : i32
      %mul3A_141 = arith.constant 320 : i32
      %mul3A_142 = arith.muli %add3A_140, %mul3A_141 : i32
      %add3A_143 = arith.addi %mul3A_2, %mul3A_142 : i32
      %dma_wait3A_144 = arith.constant 0 : i32
      %dma_wait3A_145 = tpu.memref_slice %arg4[%add3A_143, %dma_wait3A_144] : memref<819200x64xf32, #tpu.memory_space<hbm>> -> memref<320x64xf32, #tpu.memory_space<hbm>>
      %dma_wait3A_146 = arith.constant 0 : i32
      %dma_wait3A_147 = tpu.memref_slice %arg4[%add3A_143, %dma_wait3A_146] : memref<819200x64xf32, #tpu.memory_space<hbm>> -> memref<320x64xf32, #tpu.memory_space<hbm>>
      tpu.wait_dma2 semaphore(%arg16 : memref<!tpu.dma_semaphore, #tpu.memory_space<semaphore_mem>>) src(%arg8 : memref<320x64xf32, #tpu.memory_space<vmem>>) dst(%dma_wait3A_147 : memref<320x64xf32, #tpu.memory_space<hbm>>)
      %add3A_148 = arith.constant 4 : i32
      %add3A_149 = arith.addi %add3A_140, %add3A_148 : i32
      %lt3A_150 = arith.constant 80 : i32
      %lt3A_151 = arith.cmpi slt, %add3A_149, %lt3A_150 : i32
      %convert_element_type3A_152 = arith.extui %lt3A_151 : i1 to i32
      %cond3A_153 = arith.constant 0 : i32
      %cond3A_154 = arith.cmpi ne, %convert_element_type3A_152, %cond3A_153 : i32
      scf.if %cond3A_154 {
        %mul3A_171 = arith.constant 320 : i32
        %mul3A_172 = arith.muli %add3A_149, %mul3A_171 : i32
        %dma_start3A_173 = tpu.memref_slice %arg5[%mul3A_172] : memref<25600xi32, #tpu.memory_space<vmem>> -> memref<320xi32, #tpu.memory_space<vmem>>
        %dma_start3A_174 = arith.constant 0 : i32
        %dma_start3A_175 = arith.constant 0 : i32
        %dma_start3A_176 = tpu.memref_slice %arg3[%dma_start3A_174, %dma_start3A_175] : memref<1000000x64xf32, #tpu.memory_space<hbm>> -> memref<1000000x64xf32, #tpu.memory_space<hbm>>
        tpu.enqueue_indirect_dma source(%dma_start3A_176 : memref<1000000x64xf32, #tpu.memory_space<hbm>>) target(%arg8 : memref<320x64xf32, #tpu.memory_space<vmem>>) offsets(%dma_start3A_173 : memref<320xi32, #tpu.memory_space<vmem>>) semaphore(%arg12 : memref<!tpu.dma_semaphore, #tpu.memory_space<semaphore_mem>>)
      } else {
      }
      %add3A_155 = arith.constant 3 : i32
      %add3A_156 = arith.addi %add3A_30, %add3A_155 : i32
      %mul3A_157 = arith.constant 320 : i32
      %mul3A_158 = arith.muli %add3A_156, %mul3A_157 : i32
      %add3A_159 = arith.addi %mul3A_2, %mul3A_158 : i32
      %dma_wait3A_160 = arith.constant 0 : i32
      %dma_wait3A_161 = tpu.memref_slice %arg4[%add3A_159, %dma_wait3A_160] : memref<819200x64xf32, #tpu.memory_space<hbm>> -> memref<320x64xf32, #tpu.memory_space<hbm>>
      %dma_wait3A_162 = arith.constant 0 : i32
      %dma_wait3A_163 = tpu.memref_slice %arg4[%add3A_159, %dma_wait3A_162] : memref<819200x64xf32, #tpu.memory_space<hbm>> -> memref<320x64xf32, #tpu.memory_space<hbm>>
      tpu.wait_dma2 semaphore(%arg17 : memref<!tpu.dma_semaphore, #tpu.memory_space<semaphore_mem>>) src(%arg9 : memref<320x64xf32, #tpu.memory_space<vmem>>) dst(%dma_wait3A_163 : memref<320x64xf32, #tpu.memory_space<hbm>>)
      %add3A_164 = arith.constant 4 : i32
      %add3A_165 = arith.addi %add3A_156, %add3A_164 : i32
      %lt3A_166 = arith.constant 80 : i32
      %lt3A_167 = arith.cmpi slt, %add3A_165, %lt3A_166 : i32
      %convert_element_type3A_168 = arith.extui %lt3A_167 : i1 to i32
      %cond3A_169 = arith.constant 0 : i32
      %cond3A_170 = arith.cmpi ne, %convert_element_type3A_168, %cond3A_169 : i32
      scf.if %cond3A_170 {
        %mul3A_171 = arith.constant 320 : i32
        %mul3A_172 = arith.muli %add3A_165, %mul3A_171 : i32
        %dma_start3A_173 = tpu.memref_slice %arg5[%mul3A_172] : memref<25600xi32, #tpu.memory_space<vmem>> -> memref<320xi32, #tpu.memory_space<vmem>>
        %dma_start3A_174 = arith.constant 0 : i32
        %dma_start3A_175 = arith.constant 0 : i32
        %dma_start3A_176 = tpu.memref_slice %arg3[%dma_start3A_174, %dma_start3A_175] : memref<1000000x64xf32, #tpu.memory_space<hbm>> -> memref<1000000x64xf32, #tpu.memory_space<hbm>>
        tpu.enqueue_indirect_dma source(%dma_start3A_176 : memref<1000000x64xf32, #tpu.memory_space<hbm>>) target(%arg9 : memref<320x64xf32, #tpu.memory_space<vmem>>) offsets(%dma_start3A_173 : memref<320xi32, #tpu.memory_space<vmem>>) semaphore(%arg13 : memref<!tpu.dma_semaphore, #tpu.memory_space<semaphore_mem>>)
      } else {
      }
    }
    %scan3A_25 = arith.constant 20 : i32
    return
  }
}

</mosaic_0001>

<sc_bundles>
// kernel: kernel.3.cloned.1.call-start
scs
__scs_entry_jumppad:
0x0: {  	(pc) =	sbr.rel $0x88, $3  }
0x1: {  	(tag) =	ssettag $0x0;
	lr =	simm.s32 $0x1  }
0x2: {  	[smem:$0x3F9F] =	sst lr;
	_ =	strace $0xD0000000  }
0x3: {  	_ = 	snop  }
0x4: {  	_ = 	snop  }
0x5: {  	_ = 	snop  }
0x6: {  	_ = 	snop  }
0x7: {  	_ = 	snop  }
__scs_overlays_trampoline_lowered:
0x8: {  	[smem:$0x3FAE] =	sst s0  }
0x9: {  	[smem:$0x3FAF] =	sst s1  }
0xa: {  	[smem:$0x3FB0] =	sst s2  }
0xb: {  	[smem:$0x3FB1] =	sst s3  }
0xc: {  	[smem:$0x3FB2] =	sst s4  }
0xd: {  	[smem:$0x3FB3] =	sst s5  }
0xe: {  	[smem:$0x3FB4] =	sst s6  }
0xf: {  	[smem:$0x3FB5] =	sst s7  }
0x10: {  	[smem:$0x3FB6] =	sst s8  }
0x11: {  	[smem:$0x3FB7] =	sst s9;
	s0 =	simm.s32 @!p0 $0x0  }
0x12: {  	s1 =	sld [smem:$0x3F9D];
	s0 =	simm.s32 @p0 $0x1  }
0x13: {  	[smem:$0x3FB8] =	sst s0;
	s0 =	simm.s32 @!p1 $0x0  }
0x14: {  	s2 =	sld [smem:$0x3F9C];
	s0 =	simm.s32 @p1 $0x1  }
0x15: {  	[smem:$0x3FB9] =	sst s0;
	s0 =	simm.s32 @!p2 $0x0  }
0x16: {  	s3 =	sld [smem:$0x3FDB];
	s0 =	simm.s32 @p2 $0x1  }
0x17: {  	s4 =	simm.s32 $0x1BF5;
	[smem:$0x3FBB] =	sst s0  }
0x18: {  	s0 =	sld [smem:$0x3F9E];
	_ =	swait.ge [sflag:s4], $0x0  }
0x19: {  	s7 =	sld [smem:$0x3F9F]  }
0x1a: {  	s8 =	sadd.s32 $0xFFFFE003, lr  }
0x1b: {  	s9 =	sadd.s32 $0xFFFFFEF7, lr;
	s5 =	simm.s32 $0xFFFFFFFF;
	p2 =	slt.u32 s8, $0xFFFFF086  }
0x1c: {  	p1 =	slt.u32 s9, $0xF7A;
	s5 =	simm.s32 @!p2 $0x0  }
0x1d: {  	s5 =	simm.s32 @p1 $0x1;
	p0 =	seq.s32 s7, s2  }
0x1e: {  	s7 =	smul.u32 @!p0 $0xF7A, s2;
	p2 =	seq.s32 @!p0 s5, $0x0  }
0x1f: {  	s9 =	smul.u32 $0xF7A, s1;
	s8 =	simm.s32 @!p0 $0x1BF5;
	p2 =	por !p2, p0  }
0x20: {  	[sflag:s8] =	ssyncset.s32 @!p0 $0xFFFFF086;
	s6 =	sadd.s32 @!p0 s3, s7;
	s7 =	simm.s32 @!p0 $0x108  }
0x21: {  	s3 =	sadd.s32 s3, s9;
	s6 =	sadd.s32 @!p0 $0x88, s6;
	s7 =	simm.s32 @p2 $0x1082  }
0x22: {  	[simem:s7], [sflag:s8] =	dma.local @!p0 [hbm:s6], $0xF7A  }
0x23: {  	s9 =	sor.u32 $0xD0000000, s2;
	s6 =	simm.s32 $0x108;
	_ =	swait.ge @!p0 [sflag:s8], $0x0  }
0x24: {  	s3 =	sadd.s32 $0x88, s3;
	s6 =	simm.s32 @!p1 $0x1082;
	[sflag:s4] =	ssyncset.s32 $0xFFFFF086  }
0x25: {  	[simem:s6], [sflag:s4] =	dma.local [hbm:s3], $0xF7A  }
0x26: {  	[smem:$0x3F9F] =	sst s1;
	(tag) =	ssettag s2;
	_ =	strace s9  }
0x27: {  	s1 =	sld [smem:$0x3FAF]  }
0x28: {  	s2 =	sld [smem:$0x3FB0]  }
0x29: {  	s4 =	sld [smem:$0x3FB2]  }
0x2a: {  	p0 =	seq.s32 s5, $0x0;
	s5 =	sld [smem:$0x3FB3]  }
0x2b: {  	s6 =	sld [smem:$0x3FB4]  }
0x2c: {  	s7 =	sld [smem:$0x3FB5]  }
0x2d: {  	s3 =	simm.s32 $0x108;
	s8 =	sld [smem:$0x3FB6]  }
0x2e: {  	s3 =	simm.s32 @!p0 $0x1082;
	s9 =	sld [smem:$0x3FB7]  }
0x2f: {  	lr =	sadd.s32 s0, s3;
	s0 =	sld [smem:$0x3FAE]  }
0x30: {  	s3 =	sld [smem:$0x3FB1]  }
0x31: {  	[smem:$0x3FBA] =	sst s10  }
0x32: {  	s10 =	sld [smem:$0x3FB8];
	_ =	sdelay $0x3  }
0x33: {  	p0 =	seq.s32 s10, $0x1;
	s10 =	sld [smem:$0x3FBA];
	_ =	sdelay $0x3  }
0x34: {  	[smem:$0x3FBA] =	sst s10  }
0x35: {  	s10 =	sld [smem:$0x3FB9];
	_ =	sdelay $0x3  }
0x36: {  	p1 =	seq.s32 s10, $0x1;
	s10 =	sld [smem:$0x3FBA];
	_ =	sdelay $0x3  }
0x37: {  	[smem:$0x3FBA] =	sst s10  }
0x38: {  	s10 =	sld [smem:$0x3FBB]  }
0x39: {  	_ = 	snop;
	(pc) =	sbr.ind lr, $3  }
0x3a: {  	_ = 	snop  }
0x3b: {  	_ = 	snop  }
0x3c: {  	p2 =	seq.s32 s10, $0x1;
	s10 =	sld [smem:$0x3FBA]  }
0x3d: {  	_ =	shalt  }
0x3e: {  	_ =	shalt  }
0x3f: {  	_ =	shalt  }
0x40: {  	_ =	shalt  }
0x41: {  	_ =	shalt  }
0x42: {  	_ =	shalt  }
0x43: {  	_ =	shalt  }
0x44: {  	_ =	shalt  }
0x45: {  	_ =	shalt  }
0x46: {  	_ =	shalt  }
0x47: {  	_ =	shalt  }
0x48: {  	_ =	shalt  }
0x49: {  	_ =	shalt  }
0x4a: {  	_ =	shalt  }
0x4b: {  	_ =	shalt  }
0x4c: {  	_ =	shalt  }
0x4d: {  	_ =	shalt  }
0x4e: {  	_ =	shalt  }
0x4f: {  	_ =	shalt  }
0x50: {  	_ =	shalt  }
0x51: {  	_ =	shalt  }
0x52: {  	_ =	shalt  }
0x53: {  	_ =	shalt  }
0x54: {  	_ =	shalt  }
0x55: {  	_ =	shalt  }
0x56: {  	_ =	shalt  }
0x57: {  	_ =	shalt  }
0x58: {  	_ =	shalt  }
0x59: {  	_ =	shalt  }
0x5a: {  	_ =	shalt  }
0x5b: {  	_ =	shalt  }
0x5c: {  	_ =	shalt  }
0x5d: {  	_ =	shalt  }
0x5e: {  	_ =	shalt  }
0x5f: {  	_ =	shalt  }
0x60: {  	_ =	shalt  }
0x61: {  	_ =	shalt  }
0x62: {  	_ =	shalt  }
0x63: {  	_ =	shalt  }
0x64: {  	_ =	shalt  }
0x65: {  	_ =	shalt  }
0x66: {  	_ =	shalt  }
0x67: {  	_ =	shalt  }
0x68: {  	_ =	shalt  }
0x69: {  	_ =	shalt  }
0x6a: {  	_ =	shalt  }
0x6b: {  	_ =	shalt  }
0x6c: {  	_ =	shalt  }
0x6d: {  	_ =	shalt  }
0x6e: {  	_ =	shalt  }
0x6f: {  	_ =	shalt  }
0x70: {  	_ =	shalt  }
0x71: {  	_ =	shalt  }
0x72: {  	_ =	shalt  }
0x73: {  	_ =	shalt  }
0x74: {  	_ =	shalt  }
0x75: {  	_ =	shalt  }
0x76: {  	_ =	shalt  }
0x77: {  	_ =	shalt  }
0x78: {  	_ =	shalt  }
0x79: {  	_ =	shalt  }
0x7a: {  	_ =	shalt  }
0x7b: {  	_ =	shalt  }
0x7c: {  	_ =	shalt  }
0x7d: {  	_ =	shalt  }
0x7e: {  	_ =	shalt  }
0x7f: {  	_ =	shalt  }
0x80: {  	_ =	shalt  }
0x81: {  	_ =	shalt  }
0x82: {  	_ =	shalt  }
0x83: {  	_ =	shalt  }
0x84: {  	_ =	shalt  }
0x85: {  	_ =	shalt  }
0x86: {  	_ =	shalt  }
0x87: {  	_ =	shalt  }
.Lfunc_end0:
.L_simem_size_0:
called_computation.1_lowered:
.L_overlay_start_0:
0x88: {  	s2 =	sld [smem:$0x3FD9]  }
0x89: {  	s3 =	sld [smem:$0x3FFE];
	_ =	sdelay $0x1  }
0x8a: {  	s1 =	srdreg.scid  }
0x8b: {  	s0 =	sand.u32 $0x1, s1  }
0x8c: {  	s17 =	sshll.u32 s0, $0xA;
	s2 =	sadd.s32 s3, s2  }
0x8d: {  	s2 =	sadd.s32 s2, s17  }
0x8e: {  	[smem:$0x3FC6] =	sst s2  }
0x8f: {  	_ = 	snop  }
0x90: {  	s2 =	sld [smem:$0x3FD0];
	(tm) =	ssettm $0x1  }
0x91: {  	s18 =	sld [smem:$0x3FFB];
	_ =	sdelay $0x3  }
0x92: {  	_ =	strace s18  }
0x93: {  	s3 =	sld [smem:$0x3FFC];
	_ =	sdelay $0x3  }
0x94: {  	_ =	strace s3  }
0x95: {  	s3 =	sld [smem:$0x3FFD];
	_ =	sdelay $0x3  }
0x96: {  	_ =	strace s3  }
0x97: {  	_ =	strace $0x8FFFFFFF  }
0x98: {  	s19 =	sld [smem:$0x3FDB];
	_ =	sdelay $0x1  }
0x99: {  	s4 =	simm.s32 $_scs_section_size  }
0x9a: {  	s5 =	simm.s32 $_size__tile_overlayer_lowered;
	s6 =	simm.s32 $_tile_overlayer_lowered  }
0x9b: {  	s22 =	simm.s32 $0x1BFF;
	s21 =	sshll.u32 s6, $0x1;
	s3 =	sadd.s32 s4, s19  }
0x9c: {  	s7 =	simm.s32 $0x0;
	s20 =	sshll.u32 s5, $0x1;
	s5 =	sadd.s32 s21, s3  }
0x9d: {  	[timem:s7], [sflag:s22] =	dma.local [hbm:s5], s20  }
0x9e: {  	_ =	swait.ge [sflag:s22], s20  }
0x9f: {  	s4 =	ssub.s32 $0x0, s20;
	[sflag:s22] =	ssyncset.done $0x0  }
0xa0: {  	[sflag:s22] =	ssyncadd.s32 s4;
	_ =	sdelay $0x1  }
0xa1: {  	s23 =	simm.s32 $0x1B8B  }
0xa2: {  	_ =	swait.ge [sflag:s23], $0x1  }
0xa3: {  	[sflag:s23] =	ssyncset.done $0x0  }
0xa4: {  	s25 =	simm.s32 $0x1B8E;
	s24 =	sld [smem:$0x3FFE];
	[sflag:s23] =	ssyncadd.s32 $0xFFFFFFFF  }
0xa5: {  	s26 =	simm.s32 $execute0_lowered;
	[smem:$0x3FD2] =	sst s25  }
0xa6: {  	s5 =	sshll.u32 s26, $0x1;
	_ =	strace $0x80000046;
	[dreg:$0x1] =	wrdreg $0xFFFFFFFF  }
0xa7: {  	s28 =	simm.s32 $_size_execute0_lowered;
	s3 =	sadd.s32 s3, s5;
	[dreg:$0x0] =	wrdreg $0x0  }
0xa8: {  	s5 =	sshll.u32 s28, $0x1;
	[dreg:$0x2] =	wrdreg s3  }
0xa9: {  	[dreg:$0x3] =	wrdreg s5  }
0xaa: {  	[dreg:$0x4] =	wrdreg $0xC0  }
0xab: {  	_ =	task [dreg:s7], $0x5FFFF  }
0xac: {  	[dreg:$0x1] =	wrdreg $0xFFFFFFFF  }
0xad: {  	[dreg:$0x0] =	wrdreg $0x60  }
0xae: {  	[dreg:$0x2] =	wrdreg s24  }
0xaf: {  	[dreg:$0x3] =	wrdreg s2  }
0xb0: {  	[dreg:$0x4] =	wrdreg $0x9  }
0xb1: {  	_ =	task.clear_ibuf [dreg:s7], $0x5FFFF;
	_ =	strace $0x90000046  }
0xb2: {  	s29 =	simm.s32 $0x9;
	_ =	strace $0x80000048  }
0xb3: {  	_ =	swait.ge [sflag:s29], $0x1  }
0xb4: {  	[sflag:s29] =	ssyncadd.s32 $0xFFFFFFFF  }
0xb5: {  	_ =	strace $0x90000048  }
0xb6: {  	_ =	sfence  }
0xb7: {  	s30 =	sld [smem:$0x0];
	_ =	sdelay $0x2  }
0xb8: {  	s31 =	sshll.u32 s1, $0xD;
	s1 =	sshrl.u32 s1, $0x2  }
0xb9: {  	s3 =	sand.u32 $0x4000, s31;
	s1 =	sadd.s32 s1, s30  }
0xba: {  	s0 =	sor.u32 s3, s0;
	s1 =	sshll.u32 s1, $0x11  }
0xbb: {  	s0 =	sor.u32 s1, s0  }
0xbc: {  	s0 =	sadd.s32 $0x8F2B, s0  }
0xbd: {  	[sflag:s0] =	ssyncadd.remote.s32 $0x1  }
0xbe: {  	_ =	sfence.sel $0xFFFF  }
0xbf: {  	[dreg:$0x0] =	wrdreg $0xFFFFFFFF;
	(pc) =	sbr.abs _section_cstart, $3  }
0xc0: {  	[dreg:$0x1] =	wrdreg $0xFFFFFFFF  }
0xc1: {  	_ =	task.clear_ibuf [dreg:s7], $0x2FFFF;
	_ =	strace $0x9FFFFFFF  }
0xc2: {  	(tm) =	ssettm $0x7FFFFFFF  }
0xc3: {  	_ =	shalt  }
tec
execute0_lowered:
.L_overlay_start_1:
0x0: {  	(tag) =	ssettag $0x1  }
0x1: {  	s0 =	srdreg.scid;
	s5 =	rddreg [dreg:$0x0]  }
0x2: {  	s1 =	stileid.u32;
	s2 =	rddreg [dreg:$0x1]  }
0x3: {  	s4 =	simm.s32 $0x0;
	s11 =	simm.s32 $0x9;
	s12 =	simm.s32 $0x140  }
0x4: {  	s13 =	simm.s32 $0x6400;
	s14 =	simm.s32 $0xB400;
	s15 =	simm.s32 $0x280  }
0x5: {  	s16 =	simm.s32 $0x10400;
	s17 =	simm.s32 $0x3C0;
	s18 =	simm.s32 $0x15400  }
0x6: {  	s19 =	simm.s32 $0x1;
	s20 =	simm.s32 $0x2;
	s21 =	simm.s32 $0x3  }
0x7: {  	s22 =	simm.s32 $0x4;
	s0 =	sand.u32 $0x1, s0;
	s1 =	sshll.u32 s1, $0x1  }
0x8: {  	s23 =	simm.s32 $0x5;
	s24 =	simm.s32 $0x6;
	s1 =	sor.u32 s0, s1  }
0x9: {  	s25 =	simm.s32 $0x7;
	s26 =	simm.s32 $0x8;
	s3 =	smul.u32 $0x6400, s1  }
.Ltmp0:
0xa: {  	[smem:$0x7FF] =	sst s4;
	s0 =	ssub.s32 $0x2, s0;
	(pc) =	sbr.rel .LBB2_1-.Ltmp0, $4  }
0xb: {  	s28 =	simm.s32 $0x0;
	_ =	strace $0x80000047;
	s6 =	sshrl.u32 s0, $0x1  }
0xc: {  	s0 =	ssub.s32 s0, s6;
	s1 =	sshrl.u32 s3, $0x3;
	s7 =	sor.u32 $0x140, s3  }
0xd: {  	s8 =	sor.u32 $0x280, s3;
	s9 =	sor.u32 $0x3C0, s3;
	s1 =	sadd.s32 s1, s5  }
0xe: {  	s10 =	smax.u32 s0, $0x1;
	s5 =	sadd.s32 $0xF42E00, s5;
	s6 =	sadd.s32 $0xA00, s1  }
.LBB2_12:
0xf: {  	_ =	swait.ge [sflag:s24], $0x5000  }
0x10: {  	[sflag:s24] =	ssyncset.done $0x0  }
0x11: {  	s28 =	sadd.s32 $0x1, s28;
	[sflag:s24] =	ssyncadd.s32 $0xFFFFB000  }
0x12: {  	p0 =	sne.s32 s28, s10;
	_ =	swait.ge [sflag:s25], $0x5000  }
.Ltmp1:
0x13: {  	[sflag:s25] =	ssyncset.done $0x0;
	(pc) =	sbr.rel @!p0 .LBB2_13-.Ltmp1, $4  }
0x14: {  	[sflag:s25] =	ssyncadd.s32 $0xFFFFB000  }
0x15: {  	_ =	swait.ge [sflag:s26], $0x5000  }
0x16: {  	[sflag:s26] =	ssyncset.done $0x0  }
0x17: {  	[sflag:s26] =	ssyncadd.s32 $0xFFFFB000  }
.LBB2_1:
0x18: {  	[tilespmem:s4], [sflag:$0x9] =	stream.linear.gather [hbm4b:s6+s4], $0x6400, $0x38;
	[tilespmem:$0x1A400] =	vst v63  }
0x19: {  	_ =	swait.ge [sflag:s11], $0x6400  }
0x1a: {  	[sflag:s11] =	ssyncset.done $0x0  }
0x1b: {  	[sflag:s11] =	ssyncadd.s32 $0xFFFF9C00  }
0x1c: {  	[tilespmem:s13], [sflag:$0x1] =	stream.indirect.gather [hbm4b:s5+s12], $0x40, s4, s12, $0xb8;
	[tilespmem:$0x1A400] =	vst v63  }
0x1d: {  	_ = 	snop  }
0x1e: {  	[tilespmem:s14], [sflag:$0x2] =	stream.indirect.gather [hbm4b:s5+s12], $0x40, s12, s12, $0xb8;
	[tilespmem:$0x1A400] =	vst v63  }
0x1f: {  	_ = 	snop  }
0x20: {  	[tilespmem:s16], [sflag:$0x3] =	stream.indirect.gather [hbm4b:s5+s12], $0x40, s15, s12, $0xb8;
	[tilespmem:$0x1A400] =	vst v63  }
0x21: {  	s29 =	simm.s32 $0x0  }
0x22: {  	[tilespmem:s18], [sflag:$0x4] =	stream.indirect.gather [hbm4b:s5+s12], $0x40, s17, s12, $0xb8;
	[tilespmem:$0x1A400] =	vst v63  }
.LBB2_2:
0x23: {  	_ =	swait.ge [sflag:s19], $0x5000  }
0x24: {  	[sflag:s19] =	ssyncset.done $0x0  }
0x25: {  	s31 =	simm.s32 $0x6500;
	[sflag:s19] =	ssyncadd.s32 $0xFFFFB000  }
0x26: {  	v0 =	vld [tilespmem:s31+$0xFFFFFF00]  }
0x27: {  	v1 =	vld [tilespmem:s31+$0xFFFFFF10]  }
0x28: {  	v2 =	vld [tilespmem:s31+$0xFFFFFF20]  }
0x29: {  	v3 =	vld [tilespmem:s31+$0xFFFFFF30]  }
0x2a: {  	v4 =	vld [tilespmem:s31+$0xFFFFFF40]  }
0x2b: {  	v5 =	vld [tilespmem:s31+$0xFFFFFF50];
	v0 =	vmul.f32 $8.000000000e+00, v0  }
0x2c: {  	v6 =	vld [tilespmem:s31+$0xFFFFFF60];
	v1 =	vmul.f32 $8.000000000e+00, v1  }
0x2d: {  	[tilespmem:s31+$0xFFFFFF00] =	vst v0;
	v0 =	vmul.f32 $8.000000000e+00, v2;
	v2 =	vld [tilespmem:s31+$0xFFFFFF70]  }
0x2e: {  	[tilespmem:s31+$0xFFFFFF10] =	vst v1;
	v1 =	vmul.f32 $8.000000000e+00, v3;
	v3 =	vld [tilespmem:s31+$0xFFFFFF80]  }
0x2f: {  	[tilespmem:s31+$0xFFFFFF20] =	vst v0;
	v0 =	vmul.f32 $8.000000000e+00, v4;
	v4 =	vld [tilespmem:s31+$0xFFFFFF90]  }
0x30: {  	[tilespmem:s31+$0xFFFFFF30] =	vst v1;
	v1 =	vmul.f32 $8.000000000e+00, v5;
	v5 =	vld [tilespmem:s31+$0xFFFFFFA0]  }
0x31: {  	[tilespmem:s31+$0xFFFFFF40] =	vst v0;
	v0 =	vmul.f32 $8.000000000e+00, v6;
	v6 =	vld [tilespmem:s31+$0xFFFFFFB0]  }
0x32: {  	[tilespmem:s31+$0xFFFFFF50] =	vst v1;
	v1 =	vmul.f32 $8.000000000e+00, v2;
	v2 =	vld [tilespmem:s31+$0xFFFFFFC0]  }
0x33: {  	[tilespmem:s31+$0xFFFFFF60] =	vst v0;
	v0 =	vmul.f32 $8.000000000e+00, v3;
	v3 =	vld [tilespmem:s31+$0xFFFFFFD0]  }
0x34: {  	[tilespmem:s31+$0xFFFFFF70] =	vst v1;
	v1 =	vmul.f32 $8.000000000e+00, v4;
	v4 =	vld [tilespmem:s31+$0xFFFFFFE0]  }
0x35: {  	[tilespmem:s31+$0xFFFFFF80] =	vst v0;
	v0 =	vmul.f32 $8.000000000e+00, v5;
	v5 =	vld [tilespmem:s31+$0x0]  }
0x36: {  	[tilespmem:s31+$0xFFFFFF90] =	vst v1;
	v1 =	vmul.f32 $8.000000000e+00, v6;
	v6 =	vld [tilespmem:s31+$0x10]  }
0x37: {  	[tilespmem:s31+$0xFFFFFFA0] =	vst v0;
	v0 =	vmul.f32 $8.000000000e+00, v2;
	v2 =	vld [tilespmem:s31+$0x20]  }
0x38: {  	[tilespmem:s31+$0xFFFFFFB0] =	vst v1;
	v1 =	vmul.f32 $8.000000000e+00, v3;
	v3 =	vld [tilespmem:s31+$0x30]  }
0x39: {  	[tilespmem:s31+$0xFFFFFFC0] =	vst v0;
	v0 =	vmul.f32 $8.000000000e+00, v4;
	v4 =	vld [tilespmem:s31+$0x40]  }
0x3a: {  	[tilespmem:s31+$0xFFFFFFD0] =	vst v1;
	v1 =	vmul.f32 $8.000000000e+00, v5;
	v5 =	vld [tilespmem:s31+$0x50]  }
0x3b: {  	[tilespmem:s31+$0xFFFFFFE0] =	vst v0;
	v0 =	vmul.f32 $8.000000000e+00, v6;
	v6 =	vld [tilespmem:s31+$0x60]  }
0x3c: {  	[tilespmem:s31+$0x0] =	vst v1;
	v1 =	vmul.f32 $8.000000000e+00, v2;
	v2 =	vld [tilespmem:s31+$0x70]  }
0x3d: {  	[tilespmem:s31+$0x10] =	vst v0;
	v0 =	vmul.f32 $8.000000000e+00, v3;
	v3 =	vld [tilespmem:s31+$0x80]  }
0x3e: {  	[tilespmem:s31+$0x20] =	vst v1;
	v1 =	vmul.f32 $8.000000000e+00, v4;
	v4 =	vld [tilespmem:s31+$0x90]  }
0x3f: {  	[tilespmem:s31+$0x30] =	vst v0;
	v0 =	vmul.f32 $8.000000000e+00, v5;
	v5 =	vld [tilespmem:s31+$0xA0]  }
0x40: {  	[tilespmem:s31+$0x40] =	vst v1;
	v1 =	vmul.f32 $8.000000000e+00, v6;
	v6 =	vld [tilespmem:s31+$0xB0]  }
0x41: {  	[tilespmem:s31+$0x50] =	vst v0;
	v2 =	vmul.f32 $8.000000000e+00, v2;
	v0 =	vld [tilespmem:s31+$0xC0]  }
0x42: {  	[tilespmem:s31+$0x60] =	vst v1;
	v7 =	vmul.f32 $8.000000000e+00, v3;
	v1 =	vld [tilespmem:s31+$0xD0]  }
0x43: {  	v3 =	vld [tilespmem:s31+$0xE0];
	[tilespmem:s31+$0x70] =	vst v2;
	v8 =	vmul.f32 $8.000000000e+00, v4  }
0x44: {  	v2 =	vld [tilespmem:s31+$0xF0];
	[tilespmem:s31+$0x80] =	vst v7;
	v5 =	vmul.f32 $8.000000000e+00, v5  }
0x45: {  	s30 =	simm.s32 $0x0;
	s1 =	simm.s32 $0x6700;
	v4 =	vld [tilespmem:s31+$0xFFFFFFF0];
	[tilespmem:s31+$0x90] =	vst v8;
	v6 =	vmul.f32 $8.000000000e+00, v6  }
.LBB2_3:
0x46: {  	v7 =	vld [tilespmem:s1+$0xFFFFFF00];
	[tilespmem:s31+$0xA0] =	vst v5;
	v0 =	vmul.f32 $8.000000000e+00, v0  }
0x47: {  	v5 =	vld [tilespmem:s1+$0xFFFFFF10];
	[tilespmem:s31+$0xB0] =	vst v6;
	v1 =	vmul.f32 $8.000000000e+00, v1  }
0x48: {  	v6 =	vld [tilespmem:s1+$0xFFFFFF20];
	[tilespmem:s31+$0xC0] =	vst v0;
	v0 =	vmul.f32 $8.000000000e+00, v3  }
0x49: {  	v3 =	vld [tilespmem:s1+$0xFFFFFF30];
	[tilespmem:s31+$0xD0] =	vst v1;
	v1 =	vmul.f32 $8.000000000e+00, v2  }
0x4a: {  	v2 =	vld [tilespmem:s1+$0xFFFFFF40];
	v4 =	vmul.f32 $8.000000000e+00, v4;
	[tilespmem:s31+$0xE0] =	vst v0  }
0x4b: {  	v0 =	vmul.f32 $8.000000000e+00, v7;
	v7 =	vld [tilespmem:s1+$0xFFFFFF50];
	[tilespmem:s31+$0xF0] =	vst v1  }
0x4c: {  	v1 =	vmul.f32 $8.000000000e+00, v5;
	v5 =	vld [tilespmem:s1+$0xFFFFFF60];
	[tilespmem:s31+$0xFFFFFFF0] =	vst v4;
	s31 =	smov.u32 s1  }
0x4d: {  	[tilespmem:s1+$0xFFFFFF00] =	vst v0;
	v0 =	vmul.f32 $8.000000000e+00, v6;
	v4 =	vld [tilespmem:s1+$0xFFFFFF70]  }
0x4e: {  	[tilespmem:s1+$0xFFFFFF10] =	vst v1;
	v1 =	vmul.f32 $8.000000000e+00, v3;
	v3 =	vld [tilespmem:s1+$0xFFFFFF80]  }
0x4f: {  	[tilespmem:s1+$0xFFFFFF20] =	vst v0;
	v0 =	vmul.f32 $8.000000000e+00, v2;
	v2 =	vld [tilespmem:s1+$0xFFFFFF90]  }
0x50: {  	[tilespmem:s1+$0xFFFFFF30] =	vst v1;
	v1 =	vmul.f32 $8.000000000e+00, v7;
	v6 =	vld [tilespmem:s1+$0xFFFFFFA0]  }
0x51: {  	[tilespmem:s1+$0xFFFFFF40] =	vst v0;
	v0 =	vmul.f32 $8.000000000e+00, v5;
	v5 =	vld [tilespmem:s1+$0xFFFFFFB0]  }
0x52: {  	[tilespmem:s1+$0xFFFFFF50] =	vst v1;
	v1 =	vmul.f32 $8.000000000e+00, v4;
	v4 =	vld [tilespmem:s1+$0xFFFFFFC0]  }
0x53: {  	[tilespmem:s1+$0xFFFFFF60] =	vst v0;
	v0 =	vmul.f32 $8.000000000e+00, v3;
	v3 =	vld [tilespmem:s1+$0xFFFFFFD0]  }
0x54: {  	[tilespmem:s1+$0xFFFFFF70] =	vst v1;
	v1 =	vmul.f32 $8.000000000e+00, v2;
	v2 =	vld [tilespmem:s1+$0xFFFFFFE0]  }
0x55: {  	[tilespmem:s1+$0xFFFFFF80] =	vst v0;
	v0 =	vmul.f32 $8.000000000e+00, v6;
	v6 =	vld [tilespmem:s1+$0x0]  }
0x56: {  	[tilespmem:s1+$0xFFFFFF90] =	vst v1;
	v1 =	vmul.f32 $8.000000000e+00, v5;
	v5 =	vld [tilespmem:s1+$0x10]  }
0x57: {  	[tilespmem:s1+$0xFFFFFFA0] =	vst v0;
	v0 =	vmul.f32 $8.000000000e+00, v4;
	v4 =	vld [tilespmem:s1+$0x20]  }
0x58: {  	[tilespmem:s1+$0xFFFFFFB0] =	vst v1;
	v1 =	vmul.f32 $8.000000000e+00, v3;
	v3 =	vld [tilespmem:s1+$0x30]  }
0x59: {  	[tilespmem:s1+$0xFFFFFFC0] =	vst v0;
	v0 =	vmul.f32 $8.000000000e+00, v2;
	v2 =	vld [tilespmem:s1+$0x40]  }
0x5a: {  	[tilespmem:s1+$0xFFFFFFD0] =	vst v1;
	v1 =	vmul.f32 $8.000000000e+00, v6;
	v6 =	vld [tilespmem:s1+$0x50]  }
0x5b: {  	[tilespmem:s1+$0xFFFFFFE0] =	vst v0;
	v0 =	vmul.f32 $8.000000000e+00, v5;
	v5 =	vld [tilespmem:s1+$0x60]  }
0x5c: {  	[tilespmem:s1+$0x0] =	vst v1;
	v1 =	vmul.f32 $8.000000000e+00, v4;
	v4 =	vld [tilespmem:s1+$0x70]  }
0x5d: {  	[tilespmem:s1+$0x10] =	vst v0;
	v0 =	vmul.f32 $8.000000000e+00, v3;
	v3 =	vld [tilespmem:s1+$0x80]  }
0x5e: {  	[tilespmem:s1+$0x20] =	vst v1;
	v1 =	vmul.f32 $8.000000000e+00, v2;
	v2 =	vld [tilespmem:s1+$0x90]  }
0x5f: {  	s30 =	sadd.s32 $0x8, s30;
	[tilespmem:s1+$0x30] =	vst v0;
	v0 =	vmul.f32 $8.000000000e+00, v6;
	v6 =	vld [tilespmem:s1+$0xA0]  }
0x60: {  	p0 =	slt.u32 s30, $0x138;
	[tilespmem:s1+$0x40] =	vst v1;
	v1 =	vmul.f32 $8.000000000e+00, v5;
	v7 =	vld [tilespmem:s1+$0xB0]  }
.Ltmp2:
0x61: {  	[tilespmem:s1+$0x50] =	vst v0;
	v4 =	vmul.f32 $8.000000000e+00, v4;
	v0 =	vld [tilespmem:s1+$0xC0];
	(pc) =	sbr.rel @p0 .LBB2_3-.Ltmp2, $4  }
0x62: {  	[tilespmem:s1+$0x60] =	vst v1;
	v5 =	vmul.f32 $8.000000000e+00, v3;
	v1 =	vld [tilespmem:s1+$0xD0]  }
0x63: {  	[tilespmem:s1+$0x70] =	vst v4;
	v8 =	vmul.f32 $8.000000000e+00, v2;
	v3 =	vld [tilespmem:s1+$0xE0]  }
0x64: {  	[tilespmem:s1+$0x80] =	vst v5;
	v5 =	vmul.f32 $8.000000000e+00, v6;
	v2 =	vld [tilespmem:s1+$0xF0]  }
0x65: {  	s1 =	sadd.s32 $0x200, s1;
	v4 =	vld [tilespmem:s31+$0xFFFFFFF0];
	[tilespmem:s31+$0x90] =	vst v8;
	v6 =	vmul.f32 $8.000000000e+00, v7  }
0x66: {  	[tilespmem:s31+$0xA0] =	vst v5;
	v0 =	vmul.f32 $8.000000000e+00, v0  }
0x67: {  	[tilespmem:s31+$0xB0] =	vst v6;
	v1 =	vmul.f32 $8.000000000e+00, v1  }
0x68: {  	s30 =	smul.u32 $0x500, s29;
	[tilespmem:s31+$0xC0] =	vst v0;
	v0 =	vmul.f32 $8.000000000e+00, v3  }
0x69: {  	[tilespmem:s31+$0xD0] =	vst v1;
	v1 =	vmul.f32 $8.000000000e+00, v2  }
0x6a: {  	s0 =	sadd.s32 s3, s30;
	v2 =	vmul.f32 $8.000000000e+00, v4;
	[tilespmem:s31+$0xE0] =	vst v0  }
0x6b: {  	s0 =	sshll.u32 s0, $0x3;
	[tilespmem:s31+$0xF0] =	vst v1  }
0x6c: {  	s0 =	sadd.s32 s2, s0;
	[tilespmem:s31+$0xFFFFFFF0] =	vst v2  }
0x6d: {  	[hbm4b:s0+s4] =	stream.linear.scatter [tilespmem:s13], [sflag:$0x5], $0x5000, $0x38;
	[tilespmem:$0x1A400] =	vst v63  }
0x6e: {  	_ =	swait.ge [sflag:s20], $0x5000  }
0x6f: {  	[sflag:s20] =	ssyncset.done $0x0  }
0x70: {  	s31 =	simm.s32 $0xB500;
	[sflag:s20] =	ssyncadd.s32 $0xFFFFB000  }
0x71: {  	v0 =	vld [tilespmem:s31+$0xFFFFFF00]  }
0x72: {  	v1 =	vld [tilespmem:s31+$0xFFFFFF10]  }
0x73: {  	v2 =	vld [tilespmem:s31+$0xFFFFFF20]  }
0x74: {  	v3 =	vld [tilespmem:s31+$0xFFFFFF30]  }
0x75: {  	v4 =	vld [tilespmem:s31+$0xFFFFFF40]  }
0x76: {  	v5 =	vld [tilespmem:s31+$0xFFFFFF50];
	v0 =	vmul.f32 $8.000000000e+00, v0  }
0x77: {  	v6 =	vld [tilespmem:s31+$0xFFFFFF60];
	v1 =	vmul.f32 $8.000000000e+00, v1  }
0x78: {  	[tilespmem:s31+$0xFFFFFF00] =	vst v0;
	v0 =	vmul.f32 $8.000000000e+00, v2;
	v2 =	vld [tilespmem:s31+$0xFFFFFF70]  }
0x79: {  	[tilespmem:s31+$0xFFFFFF10] =	vst v1;
	v1 =	vmul.f32 $8.000000000e+00, v3;
	v3 =	vld [tilespmem:s31+$0xFFFFFF80]  }
0x7a: {  	[tilespmem:s31+$0xFFFFFF20] =	vst v0;
	v0 =	vmul.f32 $8.000000000e+00, v4;
	v4 =	vld [tilespmem:s31+$0xFFFFFF90]  }
0x7b: {  	[tilespmem:s31+$0xFFFFFF30] =	vst v1;
	v1 =	vmul.f32 $8.000000000e+00, v5;
	v5 =	vld [tilespmem:s31+$0xFFFFFFA0]  }
0x7c: {  	[tilespmem:s31+$0xFFFFFF40] =	vst v0;
	v0 =	vmul.f32 $8.000000000e+00, v6;
	v6 =	vld [tilespmem:s31+$0xFFFFFFB0]  }
0x7d: {  	[tilespmem:s31+$0xFFFFFF50] =	vst v1;
	v1 =	vmul.f32 $8.000000000e+00, v2;
	v2 =	vld [tilespmem:s31+$0xFFFFFFC0]  }
0x7e: {  	[tilespmem:s31+$0xFFFFFF60] =	vst v0;
	v0 =	vmul.f32 $8.000000000e+00, v3;
	v3 =	vld [tilespmem:s31+$0xFFFFFFD0]  }
0x7f: {  	[tilespmem:s31+$0xFFFFFF70] =	vst v1;
	v1 =	vmul.f32 $8.000000000e+00, v4;
	v4 =	vld [tilespmem:s31+$0xFFFFFFE0]  }
0x80: {  	[tilespmem:s31+$0xFFFFFF80] =	vst v0;
	v0 =	vmul.f32 $8.000000000e+00, v5;
	v5 =	vld [tilespmem:s31+$0x0]  }
0x81: {  	[tilespmem:s31+$0xFFFFFF90] =	vst v1;
	v1 =	vmul.f32 $8.000000000e+00, v6;
	v6 =	vld [tilespmem:s31+$0x10]  }
0x82: {  	[tilespmem:s31+$0xFFFFFFA0] =	vst v0;
	v0 =	vmul.f32 $8.000000000e+00, v2;
	v2 =	vld [tilespmem:s31+$0x20]  }
0x83: {  	[tilespmem:s31+$0xFFFFFFB0] =	vst v1;
	v1 =	vmul.f32 $8.000000000e+00, v3;
	v3 =	vld [tilespmem:s31+$0x30]  }
0x84: {  	[tilespmem:s31+$0xFFFFFFC0] =	vst v0;
	v0 =	vmul.f32 $8.000000000e+00, v4;
	v4 =	vld [tilespmem:s31+$0x40]  }
0x85: {  	[tilespmem:s31+$0xFFFFFFD0] =	vst v1;
	v1 =	vmul.f32 $8.000000000e+00, v5;
	v5 =	vld [tilespmem:s31+$0x50]  }
0x86: {  	[tilespmem:s31+$0xFFFFFFE0] =	vst v0;
	v0 =	vmul.f32 $8.000000000e+00, v6;
	v6 =	vld [tilespmem:s31+$0x60]  }
0x87: {  	[tilespmem:s31+$0x0] =	vst v1;
	v1 =	vmul.f32 $8.000000000e+00, v2;
	v2 =	vld [tilespmem:s31+$0x70]  }
0x88: {  	[tilespmem:s31+$0x10] =	vst v0;
	v0 =	vmul.f32 $8.000000000e+00, v3;
	v3 =	vld [tilespmem:s31+$0x80]  }
0x89: {  	[tilespmem:s31+$0x20] =	vst v1;
	v1 =	vmul.f32 $8.000000000e+00, v4;
	v4 =	vld [tilespmem:s31+$0x90]  }
0x8a: {  	[tilespmem:s31+$0x30] =	vst v0;
	v0 =	vmul.f32 $8.000000000e+00, v5;
	v5 =	vld [tilespmem:s31+$0xA0]  }
0x8b: {  	[tilespmem:s31+$0x40] =	vst v1;
	v1 =	vmul.f32 $8.000000000e+00, v6;
	v6 =	vld [tilespmem:s31+$0xB0]  }
0x8c: {  	[tilespmem:s31+$0x50] =	vst v0;
	v2 =	vmul.f32 $8.000000000e+00, v2;
	v0 =	vld [tilespmem:s31+$0xC0]  }
0x8d: {  	[tilespmem:s31+$0x60] =	vst v1;
	v3 =	vmul.f32 $8.000000000e+00, v3;
	v1 =	vld [tilespmem:s31+$0xD0]  }
0x8e: {  	[tilespmem:s31+$0x70] =	vst v2;
	v7 =	vmul.f32 $8.000000000e+00, v4;
	v2 =	vld [tilespmem:s31+$0xE0]  }
0x8f: {  	[tilespmem:s31+$0x80] =	vst v3;
	v3 =	vld [tilespmem:s31+$0xF0];
	v5 =	vmul.f32 $8.000000000e+00, v5  }
0x90: {  	s1 =	simm.s32 $0x0;
	s0 =	simm.s32 $0xB700;
	v4 =	vld [tilespmem:s31+$0xFFFFFFF0];
	[tilespmem:s31+$0x90] =	vst v7;
	v6 =	vmul.f32 $8.000000000e+00, v6  }
.LBB2_5:
0x91: {  	v7 =	vld [tilespmem:s0+$0xFFFFFF00];
	[tilespmem:s31+$0xA0] =	vst v5;
	v0 =	vmul.f32 $8.000000000e+00, v0  }
0x92: {  	v5 =	vld [tilespmem:s0+$0xFFFFFF10];
	[tilespmem:s31+$0xB0] =	vst v6;
	v1 =	vmul.f32 $8.000000000e+00, v1  }
0x93: {  	v6 =	vld [tilespmem:s0+$0xFFFFFF20];
	[tilespmem:s31+$0xC0] =	vst v0;
	v0 =	vmul.f32 $8.000000000e+00, v2  }
0x94: {  	v2 =	vld [tilespmem:s0+$0xFFFFFF30];
	[tilespmem:s31+$0xD0] =	vst v1;
	v1 =	vmul.f32 $8.000000000e+00, v3  }
0x95: {  	v3 =	vld [tilespmem:s0+$0xFFFFFF40];
	v4 =	vmul.f32 $8.000000000e+00, v4;
	[tilespmem:s31+$0xE0] =	vst v0  }
0x96: {  	v0 =	vmul.f32 $8.000000000e+00, v7;
	v7 =	vld [tilespmem:s0+$0xFFFFFF50];
	[tilespmem:s31+$0xF0] =	vst v1  }
0x97: {  	v1 =	vmul.f32 $8.000000000e+00, v5;
	v5 =	vld [tilespmem:s0+$0xFFFFFF60];
	[tilespmem:s31+$0xFFFFFFF0] =	vst v4;
	s31 =	smov.u32 s0  }
0x98: {  	[tilespmem:s0+$0xFFFFFF00] =	vst v0;
	v0 =	vmul.f32 $8.000000000e+00, v6;
	v4 =	vld [tilespmem:s0+$0xFFFFFF70]  }
0x99: {  	[tilespmem:s0+$0xFFFFFF10] =	vst v1;
	v1 =	vmul.f32 $8.000000000e+00, v2;
	v2 =	vld [tilespmem:s0+$0xFFFFFF80]  }
0x9a: {  	[tilespmem:s0+$0xFFFFFF20] =	vst v0;
	v0 =	vmul.f32 $8.000000000e+00, v3;
	v3 =	vld [tilespmem:s0+$0xFFFFFF90]  }
0x9b: {  	[tilespmem:s0+$0xFFFFFF30] =	vst v1;
	v1 =	vmul.f32 $8.000000000e+00, v7;
	v6 =	vld [tilespmem:s0+$0xFFFFFFA0]  }
0x9c: {  	[tilespmem:s0+$0xFFFFFF40] =	vst v0;
	v0 =	vmul.f32 $8.000000000e+00, v5;
	v5 =	vld [tilespmem:s0+$0xFFFFFFB0]  }
0x9d: {  	[tilespmem:s0+$0xFFFFFF50] =	vst v1;
	v1 =	vmul.f32 $8.000000000e+00, v4;
	v4 =	vld [tilespmem:s0+$0xFFFFFFC0]  }
0x9e: {  	[tilespmem:s0+$0xFFFFFF60] =	vst v0;
	v0 =	vmul.f32 $8.000000000e+00, v2;
	v2 =	vld [tilespmem:s0+$0xFFFFFFD0]  }
0x9f: {  	[tilespmem:s0+$0xFFFFFF70] =	vst v1;
	v1 =	vmul.f32 $8.000000000e+00, v3;
	v3 =	vld [tilespmem:s0+$0xFFFFFFE0]  }
0xa0: {  	[tilespmem:s0+$0xFFFFFF80] =	vst v0;
	v0 =	vmul.f32 $8.000000000e+00, v6;
	v6 =	vld [tilespmem:s0+$0x0]  }
0xa1: {  	[tilespmem:s0+$0xFFFFFF90] =	vst v1;
	v1 =	vmul.f32 $8.000000000e+00, v5;
	v5 =	vld [tilespmem:s0+$0x10]  }
0xa2: {  	[tilespmem:s0+$0xFFFFFFA0] =	vst v0;
	v0 =	vmul.f32 $8.000000000e+00, v4;
	v4 =	vld [tilespmem:s0+$0x20]  }
0xa3: {  	[tilespmem:s0+$0xFFFFFFB0] =	vst v1;
	v1 =	vmul.f32 $8.000000000e+00, v2;
	v2 =	vld [tilespmem:s0+$0x30]  }
0xa4: {  	[tilespmem:s0+$0xFFFFFFC0] =	vst v0;
	v0 =	vmul.f32 $8.000000000e+00, v3;
	v3 =	vld [tilespmem:s0+$0x40]  }
0xa5: {  	[tilespmem:s0+$0xFFFFFFD0] =	vst v1;
	v1 =	vmul.f32 $8.000000000e+00, v6;
	v6 =	vld [tilespmem:s0+$0x50]  }
0xa6: {  	[tilespmem:s0+$0xFFFFFFE0] =	vst v0;
	v0 =	vmul.f32 $8.000000000e+00, v5;
	v5 =	vld [tilespmem:s0+$0x60]  }
0xa7: {  	[tilespmem:s0+$0x0] =	vst v1;
	v1 =	vmul.f32 $8.000000000e+00, v4;
	v4 =	vld [tilespmem:s0+$0x70]  }
0xa8: {  	[tilespmem:s0+$0x10] =	vst v0;
	v0 =	vmul.f32 $8.000000000e+00, v2;
	v2 =	vld [tilespmem:s0+$0x80]  }
0xa9: {  	[tilespmem:s0+$0x20] =	vst v1;
	v1 =	vmul.f32 $8.000000000e+00, v3;
	v3 =	vld [tilespmem:s0+$0x90]  }
0xaa: {  	s1 =	sadd.s32 $0x8, s1;
	[tilespmem:s0+$0x30] =	vst v0;
	v0 =	vmul.f32 $8.000000000e+00, v6;
	v6 =	vld [tilespmem:s0+$0xA0]  }
0xab: {  	p0 =	slt.u32 s1, $0x138;
	[tilespmem:s0+$0x40] =	vst v1;
	v1 =	vmul.f32 $8.000000000e+00, v5;
	v7 =	vld [tilespmem:s0+$0xB0]  }
.Ltmp3:
0xac: {  	[tilespmem:s0+$0x50] =	vst v0;
	v4 =	vmul.f32 $8.000000000e+00, v4;
	v0 =	vld [tilespmem:s0+$0xC0];
	(pc) =	sbr.rel @p0 .LBB2_5-.Ltmp3, $4  }
0xad: {  	[tilespmem:s0+$0x60] =	vst v1;
	v5 =	vmul.f32 $8.000000000e+00, v2;
	v1 =	vld [tilespmem:s0+$0xD0]  }
0xae: {  	[tilespmem:s0+$0x70] =	vst v4;
	v8 =	vmul.f32 $8.000000000e+00, v3;
	v2 =	vld [tilespmem:s0+$0xE0]  }
0xaf: {  	[tilespmem:s0+$0x80] =	vst v5;
	v5 =	vmul.f32 $8.000000000e+00, v6;
	v3 =	vld [tilespmem:s0+$0xF0]  }
0xb0: {  	s0 =	sadd.s32 $0x200, s0;
	v4 =	vld [tilespmem:s31+$0xFFFFFFF0];
	[tilespmem:s31+$0x90] =	vst v8;
	v6 =	vmul.f32 $8.000000000e+00, v7  }
0xb1: {  	[tilespmem:s31+$0xA0] =	vst v5;
	v0 =	vmul.f32 $8.000000000e+00, v0  }
0xb2: {  	[tilespmem:s31+$0xB0] =	vst v6;
	v1 =	vmul.f32 $8.000000000e+00, v1  }
0xb3: {  	[tilespmem:s31+$0xC0] =	vst v0;
	v0 =	vmul.f32 $8.000000000e+00, v2  }
0xb4: {  	s0 =	sadd.s32 s30, s7;
	[tilespmem:s31+$0xD0] =	vst v1;
	v1 =	vmul.f32 $8.000000000e+00, v3  }
0xb5: {  	s0 =	sshll.u32 s0, $0x3;
	v2 =	vmul.f32 $8.000000000e+00, v4;
	[tilespmem:s31+$0xE0] =	vst v0  }
0xb6: {  	s0 =	sand.u32 $0x1FFFFA00, s0;
	[tilespmem:s31+$0xF0] =	vst v1  }
0xb7: {  	s0 =	sadd.s32 s2, s0;
	[tilespmem:s31+$0xFFFFFFF0] =	vst v2  }
0xb8: {  	[hbm4b:s0+s4] =	stream.linear.scatter [tilespmem:s14], [sflag:$0x6], $0x5000, $0x38;
	[tilespmem:$0x1A400] =	vst v63  }
0xb9: {  	_ =	swait.ge [sflag:s21], $0x5000  }
0xba: {  	[sflag:s21] =	ssyncset.done $0x0  }
0xbb: {  	s31 =	simm.s32 $0x10500;
	[sflag:s21] =	ssyncadd.s32 $0xFFFFB000  }
0xbc: {  	v0 =	vld [tilespmem:s31+$0xFFFFFF00]  }
0xbd: {  	v1 =	vld [tilespmem:s31+$0xFFFFFF10]  }
0xbe: {  	v2 =	vld [tilespmem:s31+$0xFFFFFF20]  }
0xbf: {  	v3 =	vld [tilespmem:s31+$0xFFFFFF30]  }
0xc0: {  	v4 =	vld [tilespmem:s31+$0xFFFFFF40]  }
0xc1: {  	v5 =	vld [tilespmem:s31+$0xFFFFFF50];
	v0 =	vmul.f32 $8.000000000e+00, v0  }
0xc2: {  	v6 =	vld [tilespmem:s31+$0xFFFFFF60];
	v1 =	vmul.f32 $8.000000000e+00, v1  }
0xc3: {  	[tilespmem:s31+$0xFFFFFF00] =	vst v0;
	v0 =	vmul.f32 $8.000000000e+00, v2;
	v2 =	vld [tilespmem:s31+$0xFFFFFF70]  }
0xc4: {  	[tilespmem:s31+$0xFFFFFF10] =	vst v1;
	v1 =	vmul.f32 $8.000000000e+00, v3;
	v3 =	vld [tilespmem:s31+$0xFFFFFF80]  }
0xc5: {  	[tilespmem:s31+$0xFFFFFF20] =	vst v0;
	v0 =	vmul.f32 $8.000000000e+00, v4;
	v4 =	vld [tilespmem:s31+$0xFFFFFF90]  }
0xc6: {  	[tilespmem:s31+$0xFFFFFF30] =	vst v1;
	v1 =	vmul.f32 $8.000000000e+00, v5;
	v5 =	vld [tilespmem:s31+$0xFFFFFFA0]  }
0xc7: {  	[tilespmem:s31+$0xFFFFFF40] =	vst v0;
	v0 =	vmul.f32 $8.000000000e+00, v6;
	v6 =	vld [tilespmem:s31+$0xFFFFFFB0]  }
0xc8: {  	[tilespmem:s31+$0xFFFFFF50] =	vst v1;
	v1 =	vmul.f32 $8.000000000e+00, v2;
	v2 =	vld [tilespmem:s31+$0xFFFFFFC0]  }
0xc9: {  	[tilespmem:s31+$0xFFFFFF60] =	vst v0;
	v0 =	vmul.f32 $8.000000000e+00, v3;
	v3 =	vld [tilespmem:s31+$0xFFFFFFD0]  }
0xca: {  	[tilespmem:s31+$0xFFFFFF70] =	vst v1;
	v1 =	vmul.f32 $8.000000000e+00, v4;
	v4 =	vld [tilespmem:s31+$0xFFFFFFE0]  }
0xcb: {  	[tilespmem:s31+$0xFFFFFF80] =	vst v0;
	v0 =	vmul.f32 $8.000000000e+00, v5;
	v5 =	vld [tilespmem:s31+$0x0]  }
0xcc: {  	[tilespmem:s31+$0xFFFFFF90] =	vst v1;
	v1 =	vmul.f32 $8.000000000e+00, v6;
	v6 =	vld [tilespmem:s31+$0x10]  }
0xcd: {  	[tilespmem:s31+$0xFFFFFFA0] =	vst v0;
	v0 =	vmul.f32 $8.000000000e+00, v2;
	v2 =	vld [tilespmem:s31+$0x20]  }
0xce: {  	[tilespmem:s31+$0xFFFFFFB0] =	vst v1;
	v1 =	vmul.f32 $8.000000000e+00, v3;
	v3 =	vld [tilespmem:s31+$0x30]  }
0xcf: {  	[tilespmem:s31+$0xFFFFFFC0] =	vst v0;
	v0 =	vmul.f32 $8.000000000e+00, v4;
	v4 =	vld [tilespmem:s31+$0x40]  }
0xd0: {  	[tilespmem:s31+$0xFFFFFFD0] =	vst v1;
	v1 =	vmul.f32 $8.000000000e+00, v5;
	v5 =	vld [tilespmem:s31+$0x50]  }
0xd1: {  	[tilespmem:s31+$0xFFFFFFE0] =	vst v0;
	v0 =	vmul.f32 $8.000000000e+00, v6;
	v6 =	vld [tilespmem:s31+$0x60]  }
0xd2: {  	[tilespmem:s31+$0x0] =	vst v1;
	v1 =	vmul.f32 $8.000000000e+00, v2;
	v2 =	vld [tilespmem:s31+$0x70]  }
0xd3: {  	[tilespmem:s31+$0x10] =	vst v0;
	v0 =	vmul.f32 $8.000000000e+00, v3;
	v3 =	vld [tilespmem:s31+$0x80]  }
0xd4: {  	[tilespmem:s31+$0x20] =	vst v1;
	v1 =	vmul.f32 $8.000000000e+00, v4;
	v4 =	vld [tilespmem:s31+$0x90]  }
0xd5: {  	[tilespmem:s31+$0x30] =	vst v0;
	v0 =	vmul.f32 $8.000000000e+00, v5;
	v5 =	vld [tilespmem:s31+$0xA0]  }
0xd6: {  	[tilespmem:s31+$0x40] =	vst v1;
	v1 =	vmul.f32 $8.000000000e+00, v6;
	v6 =	vld [tilespmem:s31+$0xB0]  }
0xd7: {  	[tilespmem:s31+$0x50] =	vst v0;
	v2 =	vmul.f32 $8.000000000e+00, v2;
	v0 =	vld [tilespmem:s31+$0xC0]  }
0xd8: {  	[tilespmem:s31+$0x60] =	vst v1;
	v3 =	vmul.f32 $8.000000000e+00, v3;
	v1 =	vld [tilespmem:s31+$0xD0]  }
0xd9: {  	[tilespmem:s31+$0x70] =	vst v2;
	v7 =	vmul.f32 $8.000000000e+00, v4;
	v2 =	vld [tilespmem:s31+$0xE0]  }
0xda: {  	[tilespmem:s31+$0x80] =	vst v3;
	v3 =	vld [tilespmem:s31+$0xF0];
	v5 =	vmul.f32 $8.000000000e+00, v5  }
0xdb: {  	s1 =	simm.s32 $0x0;
	s0 =	simm.s32 $0x10700;
	v4 =	vld [tilespmem:s31+$0xFFFFFFF0];
	[tilespmem:s31+$0x90] =	vst v7;
	v6 =	vmul.f32 $8.000000000e+00, v6  }
.LBB2_7:
0xdc: {  	v7 =	vld [tilespmem:s0+$0xFFFFFF00];
	[tilespmem:s31+$0xA0] =	vst v5;
	v0 =	vmul.f32 $8.000000000e+00, v0  }
0xdd: {  	v5 =	vld [tilespmem:s0+$0xFFFFFF10];
	[tilespmem:s31+$0xB0] =	vst v6;
	v1 =	vmul.f32 $8.000000000e+00, v1  }
0xde: {  	v6 =	vld [tilespmem:s0+$0xFFFFFF20];
	[tilespmem:s31+$0xC0] =	vst v0;
	v0 =	vmul.f32 $8.000000000e+00, v2  }
0xdf: {  	v2 =	vld [tilespmem:s0+$0xFFFFFF30];
	[tilespmem:s31+$0xD0] =	vst v1;
	v1 =	vmul.f32 $8.000000000e+00, v3  }
0xe0: {  	v3 =	vld [tilespmem:s0+$0xFFFFFF40];
	v4 =	vmul.f32 $8.000000000e+00, v4;
	[tilespmem:s31+$0xE0] =	vst v0  }
0xe1: {  	v0 =	vmul.f32 $8.000000000e+00, v7;
	v7 =	vld [tilespmem:s0+$0xFFFFFF50];
	[tilespmem:s31+$0xF0] =	vst v1  }
0xe2: {  	v1 =	vmul.f32 $8.000000000e+00, v5;
	v5 =	vld [tilespmem:s0+$0xFFFFFF60];
	[tilespmem:s31+$0xFFFFFFF0] =	vst v4;
	s31 =	smov.u32 s0  }
0xe3: {  	[tilespmem:s0+$0xFFFFFF00] =	vst v0;
	v0 =	vmul.f32 $8.000000000e+00, v6;
	v4 =	vld [tilespmem:s0+$0xFFFFFF70]  }
0xe4: {  	[tilespmem:s0+$0xFFFFFF10] =	vst v1;
	v1 =	vmul.f32 $8.000000000e+00, v2;
	v2 =	vld [tilespmem:s0+$0xFFFFFF80]  }
0xe5: {  	[tilespmem:s0+$0xFFFFFF20] =	vst v0;
	v0 =	vmul.f32 $8.000000000e+00, v3;
	v3 =	vld [tilespmem:s0+$0xFFFFFF90]  }
0xe6: {  	[tilespmem:s0+$0xFFFFFF30] =	vst v1;
	v1 =	vmul.f32 $8.000000000e+00, v7;
	v6 =	vld [tilespmem:s0+$0xFFFFFFA0]  }
0xe7: {  	[tilespmem:s0+$0xFFFFFF40] =	vst v0;
	v0 =	vmul.f32 $8.000000000e+00, v5;
	v5 =	vld [tilespmem:s0+$0xFFFFFFB0]  }
0xe8: {  	[tilespmem:s0+$0xFFFFFF50] =	vst v1;
	v1 =	vmul.f32 $8.000000000e+00, v4;
	v4 =	vld [tilespmem:s0+$0xFFFFFFC0]  }
0xe9: {  	[tilespmem:s0+$0xFFFFFF60] =	vst v0;
	v0 =	vmul.f32 $8.000000000e+00, v2;
	v2 =	vld [tilespmem:s0+$0xFFFFFFD0]  }
0xea: {  	[tilespmem:s0+$0xFFFFFF70] =	vst v1;
	v1 =	vmul.f32 $8.000000000e+00, v3;
	v3 =	vld [tilespmem:s0+$0xFFFFFFE0]  }
0xeb: {  	[tilespmem:s0+$0xFFFFFF80] =	vst v0;
	v0 =	vmul.f32 $8.000000000e+00, v6;
	v6 =	vld [tilespmem:s0+$0x0]  }
0xec: {  	[tilespmem:s0+$0xFFFFFF90] =	vst v1;
	v1 =	vmul.f32 $8.000000000e+00, v5;
	v5 =	vld [tilespmem:s0+$0x10]  }
0xed: {  	[tilespmem:s0+$0xFFFFFFA0] =	vst v0;
	v0 =	vmul.f32 $8.000000000e+00, v4;
	v4 =	vld [tilespmem:s0+$0x20]  }
0xee: {  	[tilespmem:s0+$0xFFFFFFB0] =	vst v1;
	v1 =	vmul.f32 $8.000000000e+00, v2;
	v2 =	vld [tilespmem:s0+$0x30]  }
0xef: {  	[tilespmem:s0+$0xFFFFFFC0] =	vst v0;
	v0 =	vmul.f32 $8.000000000e+00, v3;
	v3 =	vld [tilespmem:s0+$0x40]  }
0xf0: {  	[tilespmem:s0+$0xFFFFFFD0] =	vst v1;
	v1 =	vmul.f32 $8.000000000e+00, v6;
	v6 =	vld [tilespmem:s0+$0x50]  }
0xf1: {  	[tilespmem:s0+$0xFFFFFFE0] =	vst v0;
	v0 =	vmul.f32 $8.000000000e+00, v5;
	v5 =	vld [tilespmem:s0+$0x60]  }
0xf2: {  	[tilespmem:s0+$0x0] =	vst v1;
	v1 =	vmul.f32 $8.000000000e+00, v4;
	v4 =	vld [tilespmem:s0+$0x70]  }
0xf3: {  	[tilespmem:s0+$0x10] =	vst v0;
	v0 =	vmul.f32 $8.000000000e+00, v2;
	v2 =	vld [tilespmem:s0+$0x80]  }
0xf4: {  	[tilespmem:s0+$0x20] =	vst v1;
	v1 =	vmul.f32 $8.000000000e+00, v3;
	v3 =	vld [tilespmem:s0+$0x90]  }
0xf5: {  	s1 =	sadd.s32 $0x8, s1;
	[tilespmem:s0+$0x30] =	vst v0;
	v0 =	vmul.f32 $8.000000000e+00, v6;
	v6 =	vld [tilespmem:s0+$0xA0]  }
0xf6: {  	p0 =	slt.u32 s1, $0x138;
	[tilespmem:s0+$0x40] =	vst v1;
	v1 =	vmul.f32 $8.000000000e+00, v5;
	v7 =	vld [tilespmem:s0+$0xB0]  }
.Ltmp4:
0xf7: {  	[tilespmem:s0+$0x50] =	vst v0;
	v4 =	vmul.f32 $8.000000000e+00, v4;
	v0 =	vld [tilespmem:s0+$0xC0];
	(pc) =	sbr.rel @p0 .LBB2_7-.Ltmp4, $4  }
0xf8: {  	[tilespmem:s0+$0x60] =	vst v1;
	v5 =	vmul.f32 $8.000000000e+00, v2;
	v1 =	vld [tilespmem:s0+$0xD0]  }
0xf9: {  	[tilespmem:s0+$0x70] =	vst v4;
	v8 =	vmul.f32 $8.000000000e+00, v3;
	v2 =	vld [tilespmem:s0+$0xE0]  }
0xfa: {  	[tilespmem:s0+$0x80] =	vst v5;
	v5 =	vmul.f32 $8.000000000e+00, v6;
	v3 =	vld [tilespmem:s0+$0xF0]  }
0xfb: {  	s0 =	sadd.s32 $0x200, s0;
	v4 =	vld [tilespmem:s31+$0xFFFFFFF0];
	[tilespmem:s31+$0x90] =	vst v8;
	v6 =	vmul.f32 $8.000000000e+00, v7  }
0xfc: {  	[tilespmem:s31+$0xA0] =	vst v5;
	v0 =	vmul.f32 $8.000000000e+00, v0  }
0xfd: {  	[tilespmem:s31+$0xB0] =	vst v6;
	v1 =	vmul.f32 $8.000000000e+00, v1  }
0xfe: {  	[tilespmem:s31+$0xC0] =	vst v0;
	v0 =	vmul.f32 $8.000000000e+00, v2  }
0xff: {  	s0 =	sadd.s32 s30, s8;
	[tilespmem:s31+$0xD0] =	vst v1;
	v1 =	vmul.f32 $8.000000000e+00, v3  }
0x100: {  	s0 =	sshll.u32 s0, $0x3;
	v2 =	vmul.f32 $8.000000000e+00, v4;
	[tilespmem:s31+$0xE0] =	vst v0  }
0x101: {  	s0 =	sand.u32 $0x1FFFFC00, s0;
	[tilespmem:s31+$0xF0] =	vst v1  }
0x102: {  	s0 =	sadd.s32 s2, s0;
	[tilespmem:s31+$0xFFFFFFF0] =	vst v2  }
0x103: {  	[hbm4b:s0+s4] =	stream.linear.scatter [tilespmem:s16], [sflag:$0x7], $0x5000, $0x38;
	[tilespmem:$0x1A400] =	vst v63  }
0x104: {  	_ =	swait.ge [sflag:s22], $0x5000  }
0x105: {  	[sflag:s22] =	ssyncset.done $0x0  }
0x106: {  	s31 =	simm.s32 $0x15500;
	[sflag:s22] =	ssyncadd.s32 $0xFFFFB000  }
0x107: {  	v0 =	vld [tilespmem:s31+$0xFFFFFF00]  }
0x108: {  	v1 =	vld [tilespmem:s31+$0xFFFFFF10]  }
0x109: {  	v2 =	vld [tilespmem:s31+$0xFFFFFF20]  }
0x10a: {  	v3 =	vld [tilespmem:s31+$0xFFFFFF30]  }
0x10b: {  	v4 =	vld [tilespmem:s31+$0xFFFFFF40]  }
0x10c: {  	v5 =	vld [tilespmem:s31+$0xFFFFFF50];
	v0 =	vmul.f32 $8.000000000e+00, v0  }
0x10d: {  	v6 =	vld [tilespmem:s31+$0xFFFFFF60];
	v1 =	vmul.f32 $8.000000000e+00, v1  }
0x10e: {  	[tilespmem:s31+$0xFFFFFF00] =	vst v0;
	v0 =	vmul.f32 $8.000000000e+00, v2;
	v2 =	vld [tilespmem:s31+$0xFFFFFF70]  }
0x10f: {  	[tilespmem:s31+$0xFFFFFF10] =	vst v1;
	v1 =	vmul.f32 $8.000000000e+00, v3;
	v3 =	vld [tilespmem:s31+$0xFFFFFF80]  }
0x110: {  	[tilespmem:s31+$0xFFFFFF20] =	vst v0;
	v0 =	vmul.f32 $8.000000000e+00, v4;
	v4 =	vld [tilespmem:s31+$0xFFFFFF90]  }
0x111: {  	[tilespmem:s31+$0xFFFFFF30] =	vst v1;
	v1 =	vmul.f32 $8.000000000e+00, v5;
	v5 =	vld [tilespmem:s31+$0xFFFFFFA0]  }
0x112: {  	[tilespmem:s31+$0xFFFFFF40] =	vst v0;
	v0 =	vmul.f32 $8.000000000e+00, v6;
	v6 =	vld [tilespmem:s31+$0xFFFFFFB0]  }
0x113: {  	[tilespmem:s31+$0xFFFFFF50] =	vst v1;
	v1 =	vmul.f32 $8.000000000e+00, v2;
	v2 =	vld [tilespmem:s31+$0xFFFFFFC0]  }
0x114: {  	[tilespmem:s31+$0xFFFFFF60] =	vst v0;
	v0 =	vmul.f32 $8.000000000e+00, v3;
	v3 =	vld [tilespmem:s31+$0xFFFFFFD0]  }
0x115: {  	[tilespmem:s31+$0xFFFFFF70] =	vst v1;
	v1 =	vmul.f32 $8.000000000e+00, v4;
	v4 =	vld [tilespmem:s31+$0xFFFFFFE0]  }
0x116: {  	[tilespmem:s31+$0xFFFFFF80] =	vst v0;
	v0 =	vmul.f32 $8.000000000e+00, v5;
	v5 =	vld [tilespmem:s31+$0x0]  }
0x117: {  	[tilespmem:s31+$0xFFFFFF90] =	vst v1;
	v1 =	vmul.f32 $8.000000000e+00, v6;
	v6 =	vld [tilespmem:s31+$0x10]  }
0x118: {  	[tilespmem:s31+$0xFFFFFFA0] =	vst v0;
	v0 =	vmul.f32 $8.000000000e+00, v2;
	v2 =	vld [tilespmem:s31+$0x20]  }
0x119: {  	[tilespmem:s31+$0xFFFFFFB0] =	vst v1;
	v1 =	vmul.f32 $8.000000000e+00, v3;
	v3 =	vld [tilespmem:s31+$0x30]  }
0x11a: {  	[tilespmem:s31+$0xFFFFFFC0] =	vst v0;
	v0 =	vmul.f32 $8.000000000e+00, v4;
	v4 =	vld [tilespmem:s31+$0x40]  }
0x11b: {  	[tilespmem:s31+$0xFFFFFFD0] =	vst v1;
	v1 =	vmul.f32 $8.000000000e+00, v5;
	v5 =	vld [tilespmem:s31+$0x50]  }
0x11c: {  	[tilespmem:s31+$0xFFFFFFE0] =	vst v0;
	v0 =	vmul.f32 $8.000000000e+00, v6;
	v6 =	vld [tilespmem:s31+$0x60]  }
0x11d: {  	[tilespmem:s31+$0x0] =	vst v1;
	v1 =	vmul.f32 $8.000000000e+00, v2;
	v2 =	vld [tilespmem:s31+$0x70]  }
0x11e: {  	[tilespmem:s31+$0x10] =	vst v0;
	v0 =	vmul.f32 $8.000000000e+00, v3;
	v3 =	vld [tilespmem:s31+$0x80]  }
0x11f: {  	[tilespmem:s31+$0x20] =	vst v1;
	v1 =	vmul.f32 $8.000000000e+00, v4;
	v4 =	vld [tilespmem:s31+$0x90]  }
0x120: {  	[tilespmem:s31+$0x30] =	vst v0;
	v0 =	vmul.f32 $8.000000000e+00, v5;
	v5 =	vld [tilespmem:s31+$0xA0]  }
0x121: {  	[tilespmem:s31+$0x40] =	vst v1;
	v1 =	vmul.f32 $8.000000000e+00, v6;
	v6 =	vld [tilespmem:s31+$0xB0]  }
0x122: {  	[tilespmem:s31+$0x50] =	vst v0;
	v2 =	vmul.f32 $8.000000000e+00, v2;
	v0 =	vld [tilespmem:s31+$0xC0]  }
0x123: {  	[tilespmem:s31+$0x60] =	vst v1;
	v3 =	vmul.f32 $8.000000000e+00, v3;
	v1 =	vld [tilespmem:s31+$0xD0]  }
0x124: {  	[tilespmem:s31+$0x70] =	vst v2;
	v7 =	vmul.f32 $8.000000000e+00, v4;
	v2 =	vld [tilespmem:s31+$0xE0]  }
0x125: {  	[tilespmem:s31+$0x80] =	vst v3;
	v3 =	vld [tilespmem:s31+$0xF0];
	v5 =	vmul.f32 $8.000000000e+00, v5  }
0x126: {  	s1 =	simm.s32 $0x0;
	s0 =	simm.s32 $0x15700;
	v4 =	vld [tilespmem:s31+$0xFFFFFFF0];
	[tilespmem:s31+$0x90] =	vst v7;
	v6 =	vmul.f32 $8.000000000e+00, v6  }
.LBB2_9:
0x127: {  	v7 =	vld [tilespmem:s0+$0xFFFFFF00];
	[tilespmem:s31+$0xA0] =	vst v5;
	v0 =	vmul.f32 $8.000000000e+00, v0  }
0x128: {  	v5 =	vld [tilespmem:s0+$0xFFFFFF10];
	[tilespmem:s31+$0xB0] =	vst v6;
	v1 =	vmul.f32 $8.000000000e+00, v1  }
0x129: {  	v6 =	vld [tilespmem:s0+$0xFFFFFF20];
	[tilespmem:s31+$0xC0] =	vst v0;
	v0 =	vmul.f32 $8.000000000e+00, v2  }
0x12a: {  	v2 =	vld [tilespmem:s0+$0xFFFFFF30];
	[tilespmem:s31+$0xD0] =	vst v1;
	v1 =	vmul.f32 $8.000000000e+00, v3  }
0x12b: {  	v3 =	vld [tilespmem:s0+$0xFFFFFF40];
	v4 =	vmul.f32 $8.000000000e+00, v4;
	[tilespmem:s31+$0xE0] =	vst v0  }
0x12c: {  	v0 =	vmul.f32 $8.000000000e+00, v7;
	v7 =	vld [tilespmem:s0+$0xFFFFFF50];
	[tilespmem:s31+$0xF0] =	vst v1  }
0x12d: {  	v1 =	vmul.f32 $8.000000000e+00, v5;
	v5 =	vld [tilespmem:s0+$0xFFFFFF60];
	[tilespmem:s31+$0xFFFFFFF0] =	vst v4;
	s31 =	smov.u32 s0  }
0x12e: {  	[tilespmem:s0+$0xFFFFFF00] =	vst v0;
	v0 =	vmul.f32 $8.000000000e+00, v6;
	v4 =	vld [tilespmem:s0+$0xFFFFFF70]  }
0x12f: {  	[tilespmem:s0+$0xFFFFFF10] =	vst v1;
	v1 =	vmul.f32 $8.000000000e+00, v2;
	v2 =	vld [tilespmem:s0+$0xFFFFFF80]  }
0x130: {  	[tilespmem:s0+$0xFFFFFF20] =	vst v0;
	v0 =	vmul.f32 $8.000000000e+00, v3;
	v3 =	vld [tilespmem:s0+$0xFFFFFF90]  }
0x131: {  	[tilespmem:s0+$0xFFFFFF30] =	vst v1;
	v1 =	vmul.f32 $8.000000000e+00, v7;
	v6 =	vld [tilespmem:s0+$0xFFFFFFA0]  }
0x132: {  	[tilespmem:s0+$0xFFFFFF40] =	vst v0;
	v0 =	vmul.f32 $8.000000000e+00, v5;
	v5 =	vld [tilespmem:s0+$0xFFFFFFB0]  }
0x133: {  	[tilespmem:s0+$0xFFFFFF50] =	vst v1;
	v1 =	vmul.f32 $8.000000000e+00, v4;
	v4 =	vld [tilespmem:s0+$0xFFFFFFC0]  }
0x134: {  	[tilespmem:s0+$0xFFFFFF60] =	vst v0;
	v0 =	vmul.f32 $8.000000000e+00, v2;
	v2 =	vld [tilespmem:s0+$0xFFFFFFD0]  }
0x135: {  	[tilespmem:s0+$0xFFFFFF70] =	vst v1;
	v1 =	vmul.f32 $8.000000000e+00, v3;
	v3 =	vld [tilespmem:s0+$0xFFFFFFE0]  }
0x136: {  	[tilespmem:s0+$0xFFFFFF80] =	vst v0;
	v0 =	vmul.f32 $8.000000000e+00, v6;
	v6 =	vld [tilespmem:s0+$0x0]  }
0x137: {  	[tilespmem:s0+$0xFFFFFF90] =	vst v1;
	v1 =	vmul.f32 $8.000000000e+00, v5;
	v5 =	vld [tilespmem:s0+$0x10]  }
0x138: {  	[tilespmem:s0+$0xFFFFFFA0] =	vst v0;
	v0 =	vmul.f32 $8.000000000e+00, v4;
	v4 =	vld [tilespmem:s0+$0x20]  }
0x139: {  	[tilespmem:s0+$0xFFFFFFB0] =	vst v1;
	v1 =	vmul.f32 $8.000000000e+00, v2;
	v2 =	vld [tilespmem:s0+$0x30]  }
0x13a: {  	[tilespmem:s0+$0xFFFFFFC0] =	vst v0;
	v0 =	vmul.f32 $8.000000000e+00, v3;
	v3 =	vld [tilespmem:s0+$0x40]  }
0x13b: {  	[tilespmem:s0+$0xFFFFFFD0] =	vst v1;
	v1 =	vmul.f32 $8.000000000e+00, v6;
	v6 =	vld [tilespmem:s0+$0x50]  }
0x13c: {  	[tilespmem:s0+$0xFFFFFFE0] =	vst v0;
	v0 =	vmul.f32 $8.000000000e+00, v5;
	v5 =	vld [tilespmem:s0+$0x60]  }
0x13d: {  	[tilespmem:s0+$0x0] =	vst v1;
	v1 =	vmul.f32 $8.000000000e+00, v4;
	v4 =	vld [tilespmem:s0+$0x70]  }
0x13e: {  	[tilespmem:s0+$0x10] =	vst v0;
	v0 =	vmul.f32 $8.000000000e+00, v2;
	v2 =	vld [tilespmem:s0+$0x80]  }
0x13f: {  	[tilespmem:s0+$0x20] =	vst v1;
	v1 =	vmul.f32 $8.000000000e+00, v3;
	v3 =	vld [tilespmem:s0+$0x90]  }
0x140: {  	s1 =	sadd.s32 $0x8, s1;
	[tilespmem:s0+$0x30] =	vst v0;
	v0 =	vmul.f32 $8.000000000e+00, v6;
	v6 =	vld [tilespmem:s0+$0xA0]  }
0x141: {  	p0 =	slt.u32 s1, $0x138;
	[tilespmem:s0+$0x40] =	vst v1;
	v1 =	vmul.f32 $8.000000000e+00, v5;
	v7 =	vld [tilespmem:s0+$0xB0]  }
.Ltmp5:
0x142: {  	[tilespmem:s0+$0x50] =	vst v0;
	v4 =	vmul.f32 $8.000000000e+00, v4;
	v0 =	vld [tilespmem:s0+$0xC0];
	(pc) =	sbr.rel @p0 .LBB2_9-.Ltmp5, $4  }
0x143: {  	[tilespmem:s0+$0x60] =	vst v1;
	v5 =	vmul.f32 $8.000000000e+00, v2;
	v1 =	vld [tilespmem:s0+$0xD0]  }
0x144: {  	[tilespmem:s0+$0x70] =	vst v4;
	v8 =	vmul.f32 $8.000000000e+00, v3;
	v2 =	vld [tilespmem:s0+$0xE0]  }
0x145: {  	[tilespmem:s0+$0x80] =	vst v5;
	v5 =	vmul.f32 $8.000000000e+00, v6;
	v3 =	vld [tilespmem:s0+$0xF0]  }
0x146: {  	s0 =	sadd.s32 $0x200, s0;
	v4 =	vld [tilespmem:s31+$0xFFFFFFF0];
	[tilespmem:s31+$0x90] =	vst v8;
	v6 =	vmul.f32 $8.000000000e+00, v7  }
0x147: {  	[tilespmem:s31+$0xA0] =	vst v5;
	v0 =	vmul.f32 $8.000000000e+00, v0  }
0x148: {  	[tilespmem:s31+$0xB0] =	vst v6;
	v1 =	vmul.f32 $8.000000000e+00, v1  }
0x149: {  	[tilespmem:s31+$0xC0] =	vst v0;
	v61 =	vmul.f32 $8.000000000e+00, v2  }
0x14a: {  	s0 =	sadd.s32 s30, s9;
	[tilespmem:s31+$0xD0] =	vst v1;
	v62 =	vmul.f32 $8.000000000e+00, v3  }
0x14b: {  	s0 =	sshll.u32 s0, $0x3;
	v63 =	vmul.f32 $8.000000000e+00, v4;
	[tilespmem:s31+$0xE0] =	vst v61  }
0x14c: {  	p0 =	seq.s32 s29, $0x13;
	s0 =	sand.u32 $0x1FFFFE00, s0;
	[tilespmem:s31+$0xF0] =	vst v62  }
.Ltmp6:
0x14d: {  	s0 =	sadd.s32 s2, s0;
	[tilespmem:s31+$0xFFFFFFF0] =	vst v63;
	(pc) =	sbr.rel @p0 .LBB2_12-.Ltmp6, $4  }
0x14e: {  	[hbm4b:s0+s4] =	stream.linear.scatter [tilespmem:s18], [sflag:$0x8], $0x5000, $0x38;
	[tilespmem:$0x1A400] =	vst v63  }
0x14f: {  	_ =	swait.ge [sflag:s23], $0x5000  }
0x150: {  	[sflag:s23] =	ssyncset.done $0x0  }
0x151: {  	[sflag:s23] =	ssyncadd.s32 $0xFFFFB000  }
0x152: {  	s0 =	smul.u32 $0x1400, s29;
	_ =	sdelay $0x1  }
0x153: {  	s0 =	sshra.s32 s0, $0x2  }
0x154: {  	s1 =	sadd.s32 $0x500, s0  }
0x155: {  	[tilespmem:s13], [sflag:$0x1] =	stream.indirect.gather [hbm4b:s5+s12], $0x40, s1, s12, $0xb8;
	[tilespmem:$0x1A400] =	vst v63  }
0x156: {  	_ =	swait.ge [sflag:s24], $0x5000  }
0x157: {  	[sflag:s24] =	ssyncset.done $0x0  }
0x158: {  	s30 =	sadd.s32 $0x640, s0;
	[sflag:s24] =	ssyncadd.s32 $0xFFFFB000  }
0x159: {  	[tilespmem:s14], [sflag:$0x2] =	stream.indirect.gather [hbm4b:s5+s12], $0x40, s30, s12, $0xb8;
	[tilespmem:$0x1A400] =	vst v63  }
0x15a: {  	_ =	swait.ge [sflag:s25], $0x5000  }
0x15b: {  	[sflag:s25] =	ssyncset.done $0x0  }
0x15c: {  	s31 =	sadd.s32 $0x780, s0;
	[sflag:s25] =	ssyncadd.s32 $0xFFFFB000  }
0x15d: {  	[tilespmem:s16], [sflag:$0x3] =	stream.indirect.gather [hbm4b:s5+s12], $0x40, s31, s12, $0xb8;
	[tilespmem:$0x1A400] =	vst v63  }
.Ltmp7:
0x15e: {  	_ = 	snop;
	(pc) =	sbr.rel .LBB2_2-.Ltmp7, $4  }
0x15f: {  	_ =	swait.ge [sflag:s26], $0x5000  }
0x160: {  	[sflag:s26] =	ssyncset.done $0x0  }
0x161: {  	s29 =	sadd.s32 $0x1, s29;
	s0 =	sadd.s32 $0x8C0, s0;
	[sflag:s26] =	ssyncadd.s32 $0xFFFFB000  }
0x162: {  	[tilespmem:s18], [sflag:$0x4] =	stream.indirect.gather [hbm4b:s5+s12], $0x40, s0, s12, $0xb8;
	[tilespmem:$0x1A400] =	vst v63  }
.LBB2_13:
0x163: {  	_ =	sfence.sel $0x180000  }
0x164: {  	[bflag:$0x0] =	sbarrier.arrive $0xFFFF  }
0x165: {  	_ =	strace $0x90000047  }
0x166: {  	s0 =	stileid.u32;
	[bflag:$0x2] =	sbarrier.arrive $0xFFFF  }
0x167: {  	p0 =	sne.s32 s0, $0x0;
	s0 =	rddreg [dreg:$0x2]  }
0x168: {  	s0 =	sadd.s32 @!p0 $0x100000, s0  }
0x169: {  	[sflag:s0] =	ssyncadd.tile.s32 @!p0 $0x1;
	_ =	shalt  }
.Lfunc_end2:
_tile_overlayer_lowered:
.L_overlay_start_2:
0x16a: {  	(tag) =	ssettag $0x2  }
0x16b: {  	s0 =	rddreg [dreg:$0x0];
	s2 =	stileid.u32  }
0x16c: {  	s1 =	rddreg [dreg:$0x1];
	p0 =	sne.s32 s2, $0x0  }
0x16d: {  	s3 =	rddreg [dreg:$0x2];
	[bflag:$0x3] =	sbarrier.arrive $0xFFFF;
	s2 =	simm.s32 @!p0 $0x1C09  }
0x16e: {  	[timem:s3], [sflag:s2] =	dma.local @!p0 [hbm:s0], s1  }
0x16f: {  	s0 =	simm.s32 @!p0 $0x9  }
0x170: {  	_ =	swait.ge @!p0 [sflag:s0], s1  }
0x171: {  	s1 =	ssub.s32 @!p0 $0x0, s1;
	[sflag:s0] =	ssyncset.done @!p0 $0x0  }
0x172: {  	[sflag:s0] =	ssyncadd.s32 @!p0 s1  }
0x173: {  	[bflag:$0x3] =	sbarrier.arrive $0xFFFF  }
0x174: {  	_ =	shalt  }

// kernel: sparse-core-data-format-call.cloned.1.call-start
scs
called_computation_lowered:
.L_overlay_start_0:
0x0: {  	s2 =	sld [smem:$0x3FD9]  }
0x1: {  	s3 =	sld [smem:$0x3FFE];
	_ =	sdelay $0x1  }
0x2: {  	s1 =	srdreg.scid  }
0x3: {  	s0 =	sand.u32 $0x1, s1  }
0x4: {  	s18 =	sshll.u32 s0, $0xA;
	s2 =	sadd.s32 s3, s2  }
0x5: {  	s2 =	sadd.s32 s2, s18  }
0x6: {  	[smem:$0x3FC6] =	sst s2  }
0x7: {  	_ = 	snop  }
0x8: {  	s2 =	sld [smem:$0x3FD0];
	(tm) =	ssettm $0x1  }
0x9: {  	s19 =	sld [smem:$0x3FFB];
	_ =	sdelay $0x3  }
0xa: {  	_ =	strace s19  }
0xb: {  	s3 =	sld [smem:$0x3FFC];
	_ =	sdelay $0x3  }
0xc: {  	_ =	strace s3  }
0xd: {  	s3 =	sld [smem:$0x3FFD];
	_ =	sdelay $0x3  }
0xe: {  	_ =	strace s3  }
0xf: {  	_ =	strace $0x8FFFFFFF  }
0x10: {  	s20 =	sld [smem:$0x3FDB];
	_ =	sdelay $0x1  }
0x11: {  	s4 =	simm.s32 $_scs_section_size  }
0x12: {  	s5 =	simm.s32 $_size__tile_overlayer_lowered;
	s6 =	simm.s32 $_tile_overlayer_lowered  }
0x13: {  	s23 =	simm.s32 $0x1BFF;
	s22 =	sshll.u32 s6, $0x1;
	s3 =	sadd.s32 s4, s20  }
0x14: {  	s7 =	simm.s32 $0x0;
	s21 =	sshll.u32 s5, $0x1;
	s5 =	sadd.s32 s22, s3  }
0x15: {  	[timem:s7], [sflag:s23] =	dma.local [hbm:s5], s21  }
0x16: {  	_ =	swait.ge [sflag:s23], s21  }
0x17: {  	s4 =	ssub.s32 $0x0, s21;
	[sflag:s23] =	ssyncset.done $0x0  }
0x18: {  	[sflag:s23] =	ssyncadd.s32 s4;
	_ =	sdelay $0x1  }
0x19: {  	s24 =	simm.s32 $0x1B8B  }
0x1a: {  	_ =	swait.ge [sflag:s24], $0x1  }
0x1b: {  	[sflag:s24] =	ssyncset.done $0x0  }
0x1c: {  	s26 =	simm.s32 $0x1B8E;
	s25 =	sld [smem:$0x3FFE];
	[sflag:s24] =	ssyncadd.s32 $0xFFFFFFFF  }
0x1d: {  	s27 =	simm.s32 $execute0_lowered;
	[smem:$0x3FD2] =	sst s26  }
0x1e: {  	s5 =	sshll.u32 s27, $0x1;
	_ =	strace $0x80000049;
	[dreg:$0x1] =	wrdreg $0xFFFFFFFF  }
0x1f: {  	s28 =	simm.s32 $_size_execute0_lowered;
	s3 =	sadd.s32 s3, s5;
	[dreg:$0x0] =	wrdreg $0x0  }
0x20: {  	s5 =	sshll.u32 s28, $0x1;
	[dreg:$0x2] =	wrdreg s3  }
0x21: {  	[dreg:$0x3] =	wrdreg s5  }
0x22: {  	[dreg:$0x4] =	wrdreg $0xC0  }
0x23: {  	_ =	task [dreg:s7], $0x5FFFF  }
0x24: {  	[dreg:$0x1] =	wrdreg $0xFFFFFFFF  }
0x25: {  	[dreg:$0x0] =	wrdreg $0x60  }
0x26: {  	[dreg:$0x2] =	wrdreg s25  }
0x27: {  	[dreg:$0x3] =	wrdreg s2  }
0x28: {  	[dreg:$0x4] =	wrdreg $0x9  }
0x29: {  	_ =	task.clear_ibuf [dreg:s7], $0x5FFFF;
	_ =	strace $0x90000049  }
0x2a: {  	s29 =	simm.s32 $0x9;
	_ =	strace $0x8000004B  }
0x2b: {  	_ =	swait.ge [sflag:s29], $0x1  }
0x2c: {  	[sflag:s29] =	ssyncadd.s32 $0xFFFFFFFF  }
0x2d: {  	_ =	strace $0x9000004B  }
0x2e: {  	_ =	sfence  }
0x2f: {  	s30 =	sld [smem:$0x0];
	_ =	sdelay $0x2  }
0x30: {  	s31 =	sshll.u32 s1, $0xD;
	s1 =	sshrl.u32 s1, $0x2  }
0x31: {  	s3 =	sand.u32 $0x4000, s31;
	s1 =	sadd.s32 s1, s30  }
0x32: {  	s0 =	sor.u32 s3, s0;
	s1 =	sshll.u32 s1, $0x11  }
0x33: {  	s0 =	sor.u32 s1, s0  }
0x34: {  	s0 =	sadd.s32 $0x8F2B, s0  }
0x35: {  	[sflag:s0] =	ssyncadd.remote.s32 $0x1  }
0x36: {  	_ =	sfence.sel $0xFFFF  }
0x37: {  	[dreg:$0x0] =	wrdreg $0xFFFFFFFF;
	(pc) =	sbr.abs _section_cstart, $3  }
0x38: {  	[dreg:$0x1] =	wrdreg $0xFFFFFFFF  }
0x39: {  	_ =	task.clear_ibuf [dreg:s7], $0x2FFFF;
	_ =	strace $0x9FFFFFFF  }
0x3a: {  	(tm) =	ssettm $0x7FFFFFFF  }
0x3b: {  	_ =	shalt  }
tec
execute0_lowered:
.L_overlay_start_1:
0x0: {  	(tag) =	ssettag $0x1  }
0x1: {  	s0 =	srdreg.scid  }
0x2: {  	s1 =	sshll.u32 s0, $0x4  }
0x3: {  	s0 =	stileid.u32;
	s1 =	sand.u32 $0x10, s1  }
0x4: {  	s1 =	sor.u32 s0, s1  }
0x5: {  	s6 =	rddreg [dreg:$0x0];
	s4 =	simm.s32 $0x1;
	s2 =	sshll.u32 s1, $0x7  }
0x6: {  	s7 =	simm.s32 $0x2;
	s12 =	simm.s32 $0x0;
	s1 =	ssub.s32 $0x1000, s2  }
0x7: {  	s8 =	simm.s32 $0x8000;
	s13 =	simm.s32 $0x0;
	s3 =	sand.u32 $0xF80, s1  }
0x8: {  	s9 =	simm.s32 $0x0;
	s5 =	sshrl.u32 s1, $0xC;
	p0 =	sne.s32 s3, $0x0  }
.Ltmp0:
0x9: {  	s1 =	rddreg [dreg:$0x2];
	s4 =	simm.s32 @!p0 $0x0;
	(pc) =	sbr.rel .LBB1_1-.Ltmp0, $4  }
0xa: {  	s11 =	simm.s32 $0x0;
	s3 =	rddreg [dreg:$0x1];
	s5 =	sadd.s32 s4, s5  }
0xb: {  	_ =	strace $0x8000004A;
	s4 =	simm.s32 $0x1;
	s5 =	smul.u32 $0xC8, s5  }
0xc: {  	s6 =	sadd.s32 $0xA00, s6;
	s10 =	smov.u32 s2;
	[sflag:s4] =	ssyncpa.u1 $0x0  }
0xd: {  	p0 =	por $0x0, $0x0;
	[sflag:s7] =	ssyncpa.u1 $0x0;
	s7 =	sor.u32 $0x1, s5  }
.LBB1_4:
0xe: {  	s16 =	sshll.u32 s13, $0x3;
	s17 =	sand.u32 $0x78, s13  }
0xf: {  	s30 =	sand.u32 $0x7E00, s13;
	s12 =	sshll.u32 s12, $0xF;
	s16 =	sand.u32 $0xC00, s16  }
0x10: {  	[tilespmem:s15+$0x810 ss:$0x81] =	vst.msk $0xffff, v2;
	s31 =	sand.u32 $0x7, s13;
	s16 =	sor.u32 s17, s16;
	s17 =	sadd.s32 s3, s30  }
0x11: {  	[tilespmem:s15+$0x1020 ss:$0x81] =	vst.msk $0xffff, v0;
	s13 =	sshll.u32 s31, $0x12;
	s12 =	sadd.s32 s12, s17;
	s16 =	sshrl.u32 s16, $0x3  }
0x12: {  	[tilespmem:s15+$0x0 ss:$0x81] =	vst.msk $0xffff, v1;
	s13 =	sor.u32 $0x400, s13;
	s12 =	sadd.s32 s16, s12  }
0x13: {  	[hbm4b:s12+s13] =	stream.strided.scatter [tilespmem:s14], [sflag:$0x2], $0x2000, s8, s13, $0x20;
	[tilespmem:$0x8080] =	vst v63  }
.LBB1_5:
0x14: {  	s14 =	sadd.s32 $0x1, s9  }
0x15: {  	s12 =	sadd.s32 $0x1000, s10;
	s16 =	smov.u32 s10;
	p2 =	sgt.s32 s14, $0xC7  }
0x16: {  	s16 =	smov.u32 @p2 s12  }
0x17: {  	s14 =	simm.s32 @p2 $0x0;
	p2 =	sgt.s32 s16, $0xFFF  }
0x18: {  	s16 =	smov.u32 @p2 s2;
	p2 =	sne.s32 s11, s7  }
.Ltmp1:
0x19: {  	p1 =	slt.u32 s11, $0x2;
	(pc) =	sbr.rel @!p2 .LBB1_6-.Ltmp1, $4  }
0x1a: {  	s15 =	simm.s32 @!p1 $0x2  }
0x1b: {  	s13 =	smov.u32 s10;
	p0 =	por !p0, !p0;
	_ =	swait.ge @!p1 [sflag:s15], $0x2000  }
0x1c: {  	s12 =	smov.u32 s9;
	[sflag:s15] =	ssyncset.done @!p1 $0x0;
	s9 =	smov.u32 s14  }
0x1d: {  	s11 =	sadd.s32 $0x1, s11;
	[sflag:s15] =	ssyncadd.s32 @!p1 $0xFFFFE000;
	s10 =	smov.u32 s16  }
.LBB1_1:
0x1e: {  	p1 =	sge.u32 s11, s5  }
0x1f: {  	s14 =	sand.u32 @!p1 $0x1FFFFFF, s9  }
0x20: {  	s15 =	smulhi.u32 @!p1 $0x147AE15, s14;
	_ =	sdelay $0x1  }
0x21: {  	s15 =	smul.u32 @!p1 $0xC8, s15  }
0x22: {  	s16 =	sxor.u32 @!p1 $0xFFFFFFFF, s11;
	s17 =	smul.u32 @!p1 $0xC80, s10  }
0x23: {  	s31 =	sadd.s32 $0xFFFFFFFF, s11;
	s16 =	sshll.u32 @!p1 s16, $0xD;
	s14 =	ssub.s32 @!p1 s14, s15  }
0x24: {  	s15 =	sand.u32 @!p1 $0x2000, s16;
	s16 =	sadd.s32 @!p1 s6, s17;
	s14 =	sshll.u32 @!p1 s14, $0x4  }
0x25: {  	s17 =	simm.s32 @!p1 $0x6400;
	s14 =	sadd.s32 @!p1 s14, s16;
	s16 =	simm.s32 @!p1 $0x40  }
0x26: {  	[tilespmem:s15], [sflag:$0x1] =	stream.strided.gather @!p1 [hbm4b:s14+s16], $0x2000, s17, s16, $0x38;
	[tilespmem:$0x8080] =	vst v63  }
0x27: {  	p1 =	sge.u32 s31, s5  }
.Ltmp2:
0x28: {  	_ = 	snop;
	(pc) =	sbr.rel @p1 .LBB1_5-.Ltmp2, $1  }
0x29: {  	_ =	sdelay $0x3  }
0x2a: {  	s14 =	simm.s32 $0x1  }
0x2b: {  	_ =	swait.ge [sflag:s4], $0x2000;
	s14 =	simm.s32 @!p0 $0x0  }
0x2c: {  	[sflag:s4] =	ssyncset.done $0x0;
	s15 =	sshll.u32 s14, $0xD  }
0x2d: {  	[sflag:s4] =	ssyncadd.s32 $0xFFFFE000;
	s18 =	sor.u32 $0x20, s15  }
0x2e: {  	s14 =	smul.u32 $0x8100, s14;
	v3 =	vld [tilespmem:s18+$0x10]  }
0x2f: {  	s30 =	sand.u32 $0x1, s11;
	v2 =	vld [tilespmem:s18+$0xFFFFFFF0]  }
0x30: {  	s15 =	smul.u32 $0x8100, s30;
	s14 =	sshrl.u32 s14, $0x2;
	v0 =	vld [tilespmem:s18+$0x0]  }
0x31: {  	v1 =	vld [tilespmem:s18+$0xFFFFFFE0];
	s16 =	sor.u32 $0x4000, s14  }
0x32: {  	s31 =	sshrl.u32 s15, $0x2;
	s15 =	sadd.s32 $0x0, s16  }
0x33: {  	s17 =	simm.s32 $0x4;
	s18 =	sadd.s32 $0x40, s18;
	s14 =	sor.u32 $0x4000, s31;
	[tilespmem:s15+$0x1830 ss:$0x81] =	vst.msk $0xffff, v3  }
.LBB1_3:
0x34: {  	v3 =	vld [tilespmem:s18+$0x10];
	p1 =	sne.s32 s17, $0x1FC;
	[tilespmem:s15+$0x810 ss:$0x81] =	vst.msk $0xffff, v2;
	s19 =	smov.u32 s17;
	s17 =	sadd.s32 $0x4, s17  }
.Ltmp3:
0x35: {  	v2 =	vld [tilespmem:s18+$0xFFFFFFF0];
	[tilespmem:s15+$0x1020 ss:$0x81] =	vst.msk $0xffff, v0;
	(pc) =	sbr.rel @p1 .LBB1_3-.Ltmp3, $4  }
0x36: {  	v0 =	vld [tilespmem:s18+$0x0];
	[tilespmem:s15+$0x0 ss:$0x81] =	vst.msk $0xffff, v1  }
0x37: {  	s15 =	sshra.s32 s19, $0x2;
	v1 =	vld [tilespmem:s18+$0xFFFFFFE0]  }
0x38: {  	s15 =	sadd.s32 s15, s16  }
0x39: {  	s18 =	sadd.s32 $0x40, s18;
	[tilespmem:s15+$0x1830 ss:$0x81] =	vst.msk $0xffff, v3  }
.Ltmp4:
0x3a: {  	_ = 	snop;
	(pc) =	sbr.rel .LBB1_4-.Ltmp4, $1  }
0x3b: {  	_ =	sdelay $0x3  }
.LBB1_6:
0x3c: {  	_ =	sfence.sel $0x180000  }
0x3d: {  	s2 =	simm.s32 $0x1;
	[bflag:$0x0] =	sbarrier.arrive $0xFFFF  }
0x3e: {  	s31 =	simm.s32 $0x2;
	[sflag:s2] =	ssyncpa.u1 $0x1  }
0x3f: {  	[sflag:s31] =	ssyncpa.u1 $0x1  }
0x40: {  	p0 =	sne.s32 s0, $0x0;
	_ =	strace $0x9000004A  }
0x41: {  	s0 =	sadd.s32 @!p0 $0x100000, s1;
	[bflag:$0x2] =	sbarrier.arrive $0xFFFF  }
0x42: {  	[sflag:s0] =	ssyncadd.tile.s32 @!p0 $0x1;
	_ =	shalt  }
.Lfunc_end1:
_tile_overlayer_lowered:
.L_overlay_start_2:
0x43: {  	(tag) =	ssettag $0x2  }
0x44: {  	s0 =	rddreg [dreg:$0x0];
	s2 =	stileid.u32  }
0x45: {  	s1 =	rddreg [dreg:$0x1];
	p0 =	sne.s32 s2, $0x0  }
0x46: {  	s3 =	rddreg [dreg:$0x2];
	[bflag:$0x3] =	sbarrier.arrive $0xFFFF;
	s2 =	simm.s32 @!p0 $0x1C01  }
0x47: {  	[timem:s3], [sflag:s2] =	dma.local @!p0 [hbm:s0], s1  }
0x48: {  	s0 =	simm.s32 @!p0 $0x1  }
0x49: {  	_ =	swait.ge @!p0 [sflag:s0], s1  }
0x4a: {  	s1 =	ssub.s32 @!p0 $0x0, s1;
	[sflag:s0] =	ssyncset.done @!p0 $0x0  }
0x4b: {  	[sflag:s0] =	ssyncadd.s32 @!p0 s1  }
0x4c: {  	[bflag:$0x3] =	sbarrier.arrive $0xFFFF  }
0x4d: {  	_ =	shalt  }

</sc_bundles>
